<compile_context>
chip_gen: v7x
topology: tpu7x:2x2x1
jax: 0.10.2.dev20260603
libtpu: 0.0.44.dev20260713+nightly
codegen_flags: <defaults>
</compile_context>

<pallas_src>
import jax
import jax.numpy as jnp
import numpy as np
from jax import lax
from jax.experimental import pallas as pl
from jax.experimental.pallas import tpu as pltpu
from jax.experimental.pallas import tpu_sc as plsc

_M = [2000, 2035, 1001, 3003, 1499, 2511, 1807, 2200]
_ALIGN = 16
_PAD = [(m + _ALIGN - 1) // _ALIGN * _ALIGN for m in _M]
_IN_OFF = np.concatenate([[0], np.cumsum(_PAD)[:-1]])
_TOTAL_OUT = int(sum(_M))
_D = 1024

_SRC_IDX = np.concatenate(
    [np.arange(_IN_OFF[i], _IN_OFF[i] + _M[i]) for i in range(len(_M))]
).astype(np.int32)

_NC, _NS = 2, 16
_NW = _NC * _NS
_CH = 24
_NB = 5
_NCH = -(-_TOTAL_OUT // _CH)
_ITERS = -(-_NCH // _NW)

_STARTS = np.minimum(np.arange(_NCH) * _CH, _TOTAL_OUT - _CH)
_CHUNK_ID = np.minimum(
    np.arange(_NW)[:, None] + np.arange(_ITERS)[None, :] * _NW, _NCH - 1
)
_WSTART = _STARTS[_CHUNK_ID]
_IDX3D = np.stack(
    [[_SRC_IDX[s:s + _CH] for s in row] for row in _WSTART]
).astype(np.int32)


def _body(idx_hbm, in_hbm, out_hbm, idx_v, *rest):
    rows, (gsem, ssem) = rest[:_NB], rest[_NB:]
    wid = lax.axis_index("s") * _NC + lax.axis_index("c")
    pltpu.sync_copy(idx_hbm.at[wid], idx_v)
    start = [
        jnp.minimum(
            jnp.minimum(wid + t * _NW, _NCH - 1) * _CH, _TOTAL_OUT - _CH
        )
        for t in range(_ITERS)
    ]

    gathers = [None] * _ITERS
    stores = [None] * _NB

    for t in range(min(_NB - 2, _ITERS)):
        gathers[t] = pltpu.async_copy(
            in_hbm.at[idx_v.at[t]], rows[t], gsem.at[t]
        )
    for t in range(_ITERS):
        b = t % _NB
        nxt = t + _NB - 2
        if nxt < _ITERS:
            nb = nxt % _NB
            if stores[nb] is not None:
                stores[nb].wait()
                stores[nb] = None
            gathers[nxt] = pltpu.async_copy(
                in_hbm.at[idx_v.at[nxt]], rows[nb], gsem.at[nb]
            )
        gathers[t].wait()
        stores[b] = pltpu.async_copy(
            rows[b], out_hbm.at[pl.ds(start[t], _CH)], ssem.at[b]
        )
    for b in range(_NB):
        if stores[b] is not None:
            stores[b].wait()


@jax.jit
def _run(idx, inp):
    mesh = plsc.VectorSubcoreMesh(core_axis_name="c", subcore_axis_name="s")
    f = pl.kernel(
        _body,
        out_type=jax.ShapeDtypeStruct((_TOTAL_OUT, _D), jnp.float32),
        mesh=mesh,
        scratch_types=(
            [pltpu.VMEM((_ITERS, _CH), jnp.int32)]
            + [pltpu.VMEM((_CH, _D), jnp.float32) for _ in range(_NB)]
            + [pltpu.SemaphoreType.DMA((_NB,)),
               pltpu.SemaphoreType.DMA((_NB,))]
        ),
    )
    return f(idx, inp)


def kernel(inp, m_splits):
    del m_splits
    return _run(jnp.asarray(_IDX3D), inp)

# --- scband reference (transcript-rebuilt; emitter-appended) ---
"""Pipeline reference for scband-fp8-unpadding-78778290143277 (READ-ONLY COPY).

The authoritative reference and input builder live on the scoring server;
editing this copy changes nothing except your own understanding.
"""

import jax, jax.numpy as jnp
import numpy as np

M_SPLITS = [2000, 2035, 1001, 3003, 1499, 2511, 1807, 2200]
ALIGN = 16
PADDED = [(m + ALIGN - 1) // ALIGN * ALIGN for m in M_SPLITS]  # sums to 16096
D_MODEL = 1024


def setup_inputs(seed: int = 0) -> dict:
    key = jax.random.key(seed)
    total_padded = sum(PADDED)
    inp = jax.random.normal(key, (total_padded, D_MODEL), dtype=jnp.float32)
    m_splits = np.asarray(M_SPLITS, dtype=np.int32)
    return {"inp": inp, "m_splits": m_splits}


def reference(inp, m_splits):
    # Faithful translation of _Fp8Unpadding.forward:
    # split padded rows into per-GEMM blocks, keep first m_splits[i] rows of each, concat.
    m_splits = jnp.asarray(m_splits)
    padded_t = (m_splits + ALIGN - 1) // ALIGN * ALIGN
    offsets_t = jnp.concatenate([jnp.zeros((1,), dtype=padded_t.dtype), jnp.cumsum(padded_t)[:-1]])
    mat = inp.reshape(-1, inp.shape[-1])
    parts = [jax.lax.dynamic_slice_in_dim(mat, offsets_t[i], mi, axis=0) for i, mi in enumerate(M_SPLITS)]
    return jnp.concatenate(parts, axis=0)

if __name__ == "__main__":
    import jax
    _d = setup_inputs()
    print(jax.jit(kernel)(*tuple(_d.values())))

</pallas_src>

<mosaic_0001>
#map = affine_map<(d0, d1) -> (0, 0, 0)>
#map1 = affine_map<(d0, d1) -> (0, 0)>
module attributes {stable_mosaic.version = 14 : i64} {
  func.func @_body(%arg0: i32, %arg1: i32, %arg2: memref<32x21x24xi32, #tpu.memory_space<hbm>>, %arg3: memref<16096x1024xf32, #tpu.memory_space<hbm>>, %arg4: memref<16056x1024xf32, #tpu.memory_space<hbm>>, %arg5: memref<21x24xi32, #tpu.memory_space<vmem>>, %arg6: memref<24x1024xf32, #tpu.memory_space<vmem>>, %arg7: memref<24x1024xf32, #tpu.memory_space<vmem>>, %arg8: memref<24x1024xf32, #tpu.memory_space<vmem>>, %arg9: memref<24x1024xf32, #tpu.memory_space<vmem>>, %arg10: memref<24x1024xf32, #tpu.memory_space<vmem>>, %arg11: memref<5x!tpu.dma_semaphore, #tpu.memory_space<semaphore_mem>>, %arg12: memref<5x!tpu.dma_semaphore, #tpu.memory_space<semaphore_mem>>) attributes {dimension_semantics = [#tpu.dimension_semantics<core_parallel>, #tpu.dimension_semantics<subcore_parallel>], iteration_bounds = array<i64: 2, 16>, scalar_prefetch = 0 : i64, scratch_operands = 8 : i64, tpu.core_type = #tpu.core_type<sc_vector_subcore>, window_params = [{transform_indices = #map}, {transform_indices = #map1}, {transform_indices = #map1}]} {
    %mul3A = arith.constant 2 : i32
    %mul3A_0 = arith.muli %arg1, %mul3A : i32
    %add3A = arith.addi %mul3A_0, %arg0 : i32
    "tpu.region"() ({
      %run_scoped3A = tpu.sem_alloc : memref<!tpu.dma_semaphore, #tpu.memory_space<semaphore_mem>>
      %dma_start3A_880 = arith.constant 0 : i32
      %dma_start3A_881 = arith.constant 0 : i32
      %dma_start3A_882 = tpu.memref_slice %arg2[%add3A, %dma_start3A_880, %dma_start3A_881] : memref<32x21x24xi32, #tpu.memory_space<hbm>> -> memref<1x21x24xi32, #tpu.memory_space<hbm>>
      %dma_start3A_883 = tpu.memref_squeeze %dma_start3A_882 : memref<1x21x24xi32, #tpu.memory_space<hbm>> -> memref<21x24xi32, #tpu.memory_space<hbm>>
      %dma_start3A_884 = arith.constant 0 : i32
      %dma_start3A_885 = arith.constant 0 : i32
      %dma_start3A_886 = tpu.memref_slice %arg2[%add3A, %dma_start3A_884, %dma_start3A_885] : memref<32x21x24xi32, #tpu.memory_space<hbm>> -> memref<1x21x24xi32, #tpu.memory_space<hbm>>
      %dma_start3A_887 = tpu.memref_squeeze %dma_start3A_886 : memref<1x21x24xi32, #tpu.memory_space<hbm>> -> memref<21x24xi32, #tpu.memory_space<hbm>>
      tpu.enqueue_dma source(%dma_start3A_887 : memref<21x24xi32, #tpu.memory_space<hbm>>) target(%arg5 : memref<21x24xi32, #tpu.memory_space<vmem>>) target_semaphore(%run_scoped3A : memref<!tpu.dma_semaphore, #tpu.memory_space<semaphore_mem>>)
      %dma_wait3A_888 = arith.constant 0 : i32
      %dma_wait3A_889 = arith.constant 0 : i32
      %dma_wait3A_890 = tpu.memref_slice %arg2[%add3A, %dma_wait3A_888, %dma_wait3A_889] : memref<32x21x24xi32, #tpu.memory_space<hbm>> -> memref<1x21x24xi32, #tpu.memory_space<hbm>>
      %dma_wait3A_891 = tpu.memref_squeeze %dma_wait3A_890 : memref<1x21x24xi32, #tpu.memory_space<hbm>> -> memref<21x24xi32, #tpu.memory_space<hbm>>
      %dma_wait3A_892 = arith.constant 0 : i32
      %dma_wait3A_893 = arith.constant 0 : i32
      %dma_wait3A_894 = tpu.memref_slice %arg2[%add3A, %dma_wait3A_892, %dma_wait3A_893] : memref<32x21x24xi32, #tpu.memory_space<hbm>> -> memref<1x21x24xi32, #tpu.memory_space<hbm>>
      %dma_wait3A_895 = tpu.memref_squeeze %dma_wait3A_894 : memref<1x21x24xi32, #tpu.memory_space<hbm>> -> memref<21x24xi32, #tpu.memory_space<hbm>>
      tpu.wait_dma2 semaphore(%run_scoped3A : memref<!tpu.dma_semaphore, #tpu.memory_space<semaphore_mem>>) src(%dma_wait3A_895 : memref<21x24xi32, #tpu.memory_space<hbm>>) dst(%arg5 : memref<21x24xi32, #tpu.memory_space<vmem>>)
      tpu.yield
    }) : () -> ()
    %add3A_1 = arith.constant 0 : i32
    %add3A_2 = arith.addi %add3A, %add3A_1 : i32
    %min3A = arith.constant 668 : i32
    %min3A_3 = arith.minsi %add3A_2, %min3A : i32
    %mul3A_4 = arith.constant 24 : i32
    %mul3A_5 = arith.muli %min3A_3, %mul3A_4 : i32
    %min3A_6 = arith.constant 16032 : i32
    %min3A_7 = arith.minsi %mul3A_5, %min3A_6 : i32
    %add3A_8 = arith.constant 32 : i32
    %add3A_9 = arith.addi %add3A, %add3A_8 : i32
    %min3A_10 = arith.constant 668 : i32
    %min3A_11 = arith.minsi %add3A_9, %min3A_10 : i32
    %mul3A_12 = arith.constant 24 : i32
    %mul3A_13 = arith.muli %min3A_11, %mul3A_12 : i32
    %min3A_14 = arith.constant 16032 : i32
    %min3A_15 = arith.minsi %mul3A_13, %min3A_14 : i32
    %add3A_16 = arith.constant 64 : i32
    %add3A_17 = arith.addi %add3A, %add3A_16 : i32
    %min3A_18 = arith.constant 668 : i32
    %min3A_19 = arith.minsi %add3A_17, %min3A_18 : i32
    %mul3A_20 = arith.constant 24 : i32
    %mul3A_21 = arith.muli %min3A_19, %mul3A_20 : i32
    %min3A_22 = arith.constant 16032 : i32
    %min3A_23 = arith.minsi %mul3A_21, %min3A_22 : i32
    %add3A_24 = arith.constant 96 : i32
    %add3A_25 = arith.addi %add3A, %add3A_24 : i32
    %min3A_26 = arith.constant 668 : i32
    %min3A_27 = arith.minsi %add3A_25, %min3A_26 : i32
    %mul3A_28 = arith.constant 24 : i32
    %mul3A_29 = arith.muli %min3A_27, %mul3A_28 : i32
    %min3A_30 = arith.constant 16032 : i32
    %min3A_31 = arith.minsi %mul3A_29, %min3A_30 : i32
    %add3A_32 = arith.constant 128 : i32
    %add3A_33 = arith.addi %add3A, %add3A_32 : i32
    %min3A_34 = arith.constant 668 : i32
    %min3A_35 = arith.minsi %add3A_33, %min3A_34 : i32
    %mul3A_36 = arith.constant 24 : i32
    %mul3A_37 = arith.muli %min3A_35, %mul3A_36 : i32
    %min3A_38 = arith.constant 16032 : i32
    %min3A_39 = arith.minsi %mul3A_37, %min3A_38 : i32
    %add3A_40 = arith.constant 160 : i32
    %add3A_41 = arith.addi %add3A, %add3A_40 : i32
    %min3A_42 = arith.constant 668 : i32
    %min3A_43 = arith.minsi %add3A_41, %min3A_42 : i32
    %mul3A_44 = arith.constant 24 : i32
    %mul3A_45 = arith.muli %min3A_43, %mul3A_44 : i32
    %min3A_46 = arith.constant 16032 : i32
    %min3A_47 = arith.minsi %mul3A_45, %min3A_46 : i32
    %add3A_48 = arith.constant 192 : i32
    %add3A_49 = arith.addi %add3A, %add3A_48 : i32
    %min3A_50 = arith.constant 668 : i32
    %min3A_51 = arith.minsi %add3A_49, %min3A_50 : i32
    %mul3A_52 = arith.constant 24 : i32
    %mul3A_53 = arith.muli %min3A_51, %mul3A_52 : i32
    %min3A_54 = arith.constant 16032 : i32
    %min3A_55 = arith.minsi %mul3A_53, %min3A_54 : i32
    %add3A_56 = arith.constant 224 : i32
    %add3A_57 = arith.addi %add3A, %add3A_56 : i32
    %min3A_58 = arith.constant 668 : i32
    %min3A_59 = arith.minsi %add3A_57, %min3A_58 : i32
    %mul3A_60 = arith.constant 24 : i32
    %mul3A_61 = arith.muli %min3A_59, %mul3A_60 : i32
    %min3A_62 = arith.constant 16032 : i32
    %min3A_63 = arith.minsi %mul3A_61, %min3A_62 : i32
    %add3A_64 = arith.constant 256 : i32
    %add3A_65 = arith.addi %add3A, %add3A_64 : i32
    %min3A_66 = arith.constant 668 : i32
    %min3A_67 = arith.minsi %add3A_65, %min3A_66 : i32
    %mul3A_68 = arith.constant 24 : i32
    %mul3A_69 = arith.muli %min3A_67, %mul3A_68 : i32
    %min3A_70 = arith.constant 16032 : i32
    %min3A_71 = arith.minsi %mul3A_69, %min3A_70 : i32
    %add3A_72 = arith.constant 288 : i32
    %add3A_73 = arith.addi %add3A, %add3A_72 : i32
    %min3A_74 = arith.constant 668 : i32
    %min3A_75 = arith.minsi %add3A_73, %min3A_74 : i32
    %mul3A_76 = arith.constant 24 : i32
    %mul3A_77 = arith.muli %min3A_75, %mul3A_76 : i32
    %min3A_78 = arith.constant 16032 : i32
    %min3A_79 = arith.minsi %mul3A_77, %min3A_78 : i32
    %add3A_80 = arith.constant 320 : i32
    %add3A_81 = arith.addi %add3A, %add3A_80 : i32
    %min3A_82 = arith.constant 668 : i32
    %min3A_83 = arith.minsi %add3A_81, %min3A_82 : i32
    %mul3A_84 = arith.constant 24 : i32
    %mul3A_85 = arith.muli %min3A_83, %mul3A_84 : i32
    %min3A_86 = arith.constant 16032 : i32
    %min3A_87 = arith.minsi %mul3A_85, %min3A_86 : i32
    %add3A_88 = arith.constant 352 : i32
    %add3A_89 = arith.addi %add3A, %add3A_88 : i32
    %min3A_90 = arith.constant 668 : i32
    %min3A_91 = arith.minsi %add3A_89, %min3A_90 : i32
    %mul3A_92 = arith.constant 24 : i32
    %mul3A_93 = arith.muli %min3A_91, %mul3A_92 : i32
    %min3A_94 = arith.constant 16032 : i32
    %min3A_95 = arith.minsi %mul3A_93, %min3A_94 : i32
    %add3A_96 = arith.constant 384 : i32
    %add3A_97 = arith.addi %add3A, %add3A_96 : i32
    %min3A_98 = arith.constant 668 : i32
    %min3A_99 = arith.minsi %add3A_97, %min3A_98 : i32
    %mul3A_100 = arith.constant 24 : i32
    %mul3A_101 = arith.muli %min3A_99, %mul3A_100 : i32
    %min3A_102 = arith.constant 16032 : i32
    %min3A_103 = arith.minsi %mul3A_101, %min3A_102 : i32
    %add3A_104 = arith.constant 416 : i32
    %add3A_105 = arith.addi %add3A, %add3A_104 : i32
    %min3A_106 = arith.constant 668 : i32
    %min3A_107 = arith.minsi %add3A_105, %min3A_106 : i32
    %mul3A_108 = arith.constant 24 : i32
    %mul3A_109 = arith.muli %min3A_107, %mul3A_108 : i32
    %min3A_110 = arith.constant 16032 : i32
    %min3A_111 = arith.minsi %mul3A_109, %min3A_110 : i32
    %add3A_112 = arith.constant 448 : i32
    %add3A_113 = arith.addi %add3A, %add3A_112 : i32
    %min3A_114 = arith.constant 668 : i32
    %min3A_115 = arith.minsi %add3A_113, %min3A_114 : i32
    %mul3A_116 = arith.constant 24 : i32
    %mul3A_117 = arith.muli %min3A_115, %mul3A_116 : i32
    %min3A_118 = arith.constant 16032 : i32
    %min3A_119 = arith.minsi %mul3A_117, %min3A_118 : i32
    %add3A_120 = arith.constant 480 : i32
    %add3A_121 = arith.addi %add3A, %add3A_120 : i32
    %min3A_122 = arith.constant 668 : i32
    %min3A_123 = arith.minsi %add3A_121, %min3A_122 : i32
    %mul3A_124 = arith.constant 24 : i32
    %mul3A_125 = arith.muli %min3A_123, %mul3A_124 : i32
    %min3A_126 = arith.constant 16032 : i32
    %min3A_127 = arith.minsi %mul3A_125, %min3A_126 : i32
    %add3A_128 = arith.constant 512 : i32
    %add3A_129 = arith.addi %add3A, %add3A_128 : i32
    %min3A_130 = arith.constant 668 : i32
    %min3A_131 = arith.minsi %add3A_129, %min3A_130 : i32
    %mul3A_132 = arith.constant 24 : i32
    %mul3A_133 = arith.muli %min3A_131, %mul3A_132 : i32
    %min3A_134 = arith.constant 16032 : i32
    %min3A_135 = arith.minsi %mul3A_133, %min3A_134 : i32
    %add3A_136 = arith.constant 544 : i32
    %add3A_137 = arith.addi %add3A, %add3A_136 : i32
    %min3A_138 = arith.constant 668 : i32
    %min3A_139 = arith.minsi %add3A_137, %min3A_138 : i32
    %mul3A_140 = arith.constant 24 : i32
    %mul3A_141 = arith.muli %min3A_139, %mul3A_140 : i32
    %min3A_142 = arith.constant 16032 : i32
    %min3A_143 = arith.minsi %mul3A_141, %min3A_142 : i32
    %add3A_144 = arith.constant 576 : i32
    %add3A_145 = arith.addi %add3A, %add3A_144 : i32
    %min3A_146 = arith.constant 668 : i32
    %min3A_147 = arith.minsi %add3A_145, %min3A_146 : i32
    %mul3A_148 = arith.constant 24 : i32
    %mul3A_149 = arith.muli %min3A_147, %mul3A_148 : i32
    %min3A_150 = arith.constant 16032 : i32
    %min3A_151 = arith.minsi %mul3A_149, %min3A_150 : i32
    %add3A_152 = arith.constant 608 : i32
    %add3A_153 = arith.addi %add3A, %add3A_152 : i32
    %min3A_154 = arith.constant 668 : i32
    %min3A_155 = arith.minsi %add3A_153, %min3A_154 : i32
    %mul3A_156 = arith.constant 24 : i32
    %mul3A_157 = arith.muli %min3A_155, %mul3A_156 : i32
    %min3A_158 = arith.constant 16032 : i32
    %min3A_159 = arith.minsi %mul3A_157, %min3A_158 : i32
    %add3A_160 = arith.constant 640 : i32
    %add3A_161 = arith.addi %add3A, %add3A_160 : i32
    %min3A_162 = arith.constant 668 : i32
    %min3A_163 = arith.minsi %add3A_161, %min3A_162 : i32
    %mul3A_164 = arith.constant 24 : i32
    %mul3A_165 = arith.muli %min3A_163, %mul3A_164 : i32
    %min3A_166 = arith.constant 16032 : i32
    %min3A_167 = arith.minsi %mul3A_165, %min3A_166 : i32
    %dma_start3A = arith.constant 0 : i32
    %dma_start3A_168 = arith.constant 0 : i32
    %dma_start3A_169 = arith.constant 0 : i32
    %dma_start3A_170 = tpu.memref_slice %arg5[%dma_start3A, %dma_start3A_169] : memref<21x24xi32, #tpu.memory_space<vmem>> -> memref<1x24xi32, #tpu.memory_space<vmem>>
    %dma_start3A_171 = tpu.memref_squeeze %dma_start3A_170 : memref<1x24xi32, #tpu.memory_space<vmem>> -> memref<24xi32, #tpu.memory_space<vmem>>
    %dma_start3A_172 = arith.constant 0 : i32
    %dma_start3A_173 = arith.constant 0 : i32
    %dma_start3A_174 = tpu.memref_slice %arg3[%dma_start3A_172, %dma_start3A_173] : memref<16096x1024xf32, #tpu.memory_space<hbm>> -> memref<16096x1024xf32, #tpu.memory_space<hbm>>
    %dma_start3A_175 = tpu.memref_slice %arg11[%dma_start3A_168] : memref<5x!tpu.dma_semaphore, #tpu.memory_space<semaphore_mem>> -> memref<1x!tpu.dma_semaphore, #tpu.memory_space<semaphore_mem>>
    %dma_start3A_176 = tpu.memref_squeeze %dma_start3A_175 : memref<1x!tpu.dma_semaphore, #tpu.memory_space<semaphore_mem>> -> memref<!tpu.dma_semaphore, #tpu.memory_space<semaphore_mem>>
    tpu.enqueue_indirect_dma source(%dma_start3A_174 : memref<16096x1024xf32, #tpu.memory_space<hbm>>) target(%arg6 : memref<24x1024xf32, #tpu.memory_space<vmem>>) offsets(%dma_start3A_171 : memref<24xi32, #tpu.memory_space<vmem>>) semaphore(%dma_start3A_176 : memref<!tpu.dma_semaphore, #tpu.memory_space<semaphore_mem>>)
    %dma_start3A_177 = arith.constant 1 : i32
    %dma_start3A_178 = arith.constant 1 : i32
    %dma_start3A_179 = arith.constant 0 : i32
    %dma_start3A_180 = tpu.memref_slice %arg5[%dma_start3A_177, %dma_start3A_179] : memref<21x24xi32, #tpu.memory_space<vmem>> -> memref<1x24xi32, #tpu.memory_space<vmem>>
    %dma_start3A_181 = tpu.memref_squeeze %dma_start3A_180 : memref<1x24xi32, #tpu.memory_space<vmem>> -> memref<24xi32, #tpu.memory_space<vmem>>
    %dma_start3A_182 = arith.constant 0 : i32
    %dma_start3A_183 = arith.constant 0 : i32
    %dma_start3A_184 = tpu.memref_slice %arg3[%dma_start3A_182, %dma_start3A_183] : memref<16096x1024xf32, #tpu.memory_space<hbm>> -> memref<16096x1024xf32, #tpu.memory_space<hbm>>
    %dma_start3A_185 = tpu.memref_slice %arg11[%dma_start3A_178] : memref<5x!tpu.dma_semaphore, #tpu.memory_space<semaphore_mem>> -> memref<1x!tpu.dma_semaphore, #tpu.memory_space<semaphore_mem>>
    %dma_start3A_186 = tpu.memref_squeeze %dma_start3A_185 : memref<1x!tpu.dma_semaphore, #tpu.memory_space<semaphore_mem>> -> memref<!tpu.dma_semaphore, #tpu.memory_space<semaphore_mem>>
    tpu.enqueue_indirect_dma source(%dma_start3A_184 : memref<16096x1024xf32, #tpu.memory_space<hbm>>) target(%arg7 : memref<24x1024xf32, #tpu.memory_space<vmem>>) offsets(%dma_start3A_181 : memref<24xi32, #tpu.memory_space<vmem>>) semaphore(%dma_start3A_186 : memref<!tpu.dma_semaphore, #tpu.memory_space<semaphore_mem>>)
    %dma_start3A_187 = arith.constant 2 : i32
    %dma_start3A_188 = arith.constant 2 : i32
    %dma_start3A_189 = arith.constant 0 : i32
    %dma_start3A_190 = tpu.memref_slice %arg5[%dma_start3A_187, %dma_start3A_189] : memref<21x24xi32, #tpu.memory_space<vmem>> -> memref<1x24xi32, #tpu.memory_space<vmem>>
    %dma_start3A_191 = tpu.memref_squeeze %dma_start3A_190 : memref<1x24xi32, #tpu.memory_space<vmem>> -> memref<24xi32, #tpu.memory_space<vmem>>
    %dma_start3A_192 = arith.constant 0 : i32
    %dma_start3A_193 = arith.constant 0 : i32
    %dma_start3A_194 = tpu.memref_slice %arg3[%dma_start3A_192, %dma_start3A_193] : memref<16096x1024xf32, #tpu.memory_space<hbm>> -> memref<16096x1024xf32, #tpu.memory_space<hbm>>
    %dma_start3A_195 = tpu.memref_slice %arg11[%dma_start3A_188] : memref<5x!tpu.dma_semaphore, #tpu.memory_space<semaphore_mem>> -> memref<1x!tpu.dma_semaphore, #tpu.memory_space<semaphore_mem>>
    %dma_start3A_196 = tpu.memref_squeeze %dma_start3A_195 : memref<1x!tpu.dma_semaphore, #tpu.memory_space<semaphore_mem>> -> memref<!tpu.dma_semaphore, #tpu.memory_space<semaphore_mem>>
    tpu.enqueue_indirect_dma source(%dma_start3A_194 : memref<16096x1024xf32, #tpu.memory_space<hbm>>) target(%arg8 : memref<24x1024xf32, #tpu.memory_space<vmem>>) offsets(%dma_start3A_191 : memref<24xi32, #tpu.memory_space<vmem>>) semaphore(%dma_start3A_196 : memref<!tpu.dma_semaphore, #tpu.memory_space<semaphore_mem>>)
    %dma_start3A_197 = arith.constant 3 : i32
    %dma_start3A_198 = arith.constant 3 : i32
    %dma_start3A_199 = arith.constant 0 : i32
    %dma_start3A_200 = tpu.memref_slice %arg5[%dma_start3A_197, %dma_start3A_199] : memref<21x24xi32, #tpu.memory_space<vmem>> -> memref<1x24xi32, #tpu.memory_space<vmem>>
    %dma_start3A_201 = tpu.memref_squeeze %dma_start3A_200 : memref<1x24xi32, #tpu.memory_space<vmem>> -> memref<24xi32, #tpu.memory_space<vmem>>
    %dma_start3A_202 = arith.constant 0 : i32
    %dma_start3A_203 = arith.constant 0 : i32
    %dma_start3A_204 = tpu.memref_slice %arg3[%dma_start3A_202, %dma_start3A_203] : memref<16096x1024xf32, #tpu.memory_space<hbm>> -> memref<16096x1024xf32, #tpu.memory_space<hbm>>
    %dma_start3A_205 = tpu.memref_slice %arg11[%dma_start3A_198] : memref<5x!tpu.dma_semaphore, #tpu.memory_space<semaphore_mem>> -> memref<1x!tpu.dma_semaphore, #tpu.memory_space<semaphore_mem>>
    %dma_start3A_206 = tpu.memref_squeeze %dma_start3A_205 : memref<1x!tpu.dma_semaphore, #tpu.memory_space<semaphore_mem>> -> memref<!tpu.dma_semaphore, #tpu.memory_space<semaphore_mem>>
    tpu.enqueue_indirect_dma source(%dma_start3A_204 : memref<16096x1024xf32, #tpu.memory_space<hbm>>) target(%arg9 : memref<24x1024xf32, #tpu.memory_space<vmem>>) offsets(%dma_start3A_201 : memref<24xi32, #tpu.memory_space<vmem>>) semaphore(%dma_start3A_206 : memref<!tpu.dma_semaphore, #tpu.memory_space<semaphore_mem>>)
    %dma_wait3A = arith.constant 0 : i32
    %dma_wait3A_207 = arith.constant 0 : i32
    %dma_wait3A_208 = arith.constant 0 : i32
    %dma_wait3A_209 = tpu.memref_slice %arg5[%dma_wait3A, %dma_wait3A_208] : memref<21x24xi32, #tpu.memory_space<vmem>> -> memref<1x24xi32, #tpu.memory_space<vmem>>
    %dma_wait3A_210 = tpu.memref_squeeze %dma_wait3A_209 : memref<1x24xi32, #tpu.memory_space<vmem>> -> memref<24xi32, #tpu.memory_space<vmem>>
    %dma_wait3A_211 = arith.constant 0 : i32
    %dma_wait3A_212 = arith.constant 0 : i32
    %dma_wait3A_213 = tpu.memref_slice %arg3[%dma_wait3A_211, %dma_wait3A_212] : memref<16096x1024xf32, #tpu.memory_space<hbm>> -> memref<16096x1024xf32, #tpu.memory_space<hbm>>
    %dma_wait3A_214 = tpu.memref_slice %arg11[%dma_wait3A_207] : memref<5x!tpu.dma_semaphore, #tpu.memory_space<semaphore_mem>> -> memref<1x!tpu.dma_semaphore, #tpu.memory_space<semaphore_mem>>
    %dma_wait3A_215 = tpu.memref_squeeze %dma_wait3A_214 : memref<1x!tpu.dma_semaphore, #tpu.memory_space<semaphore_mem>> -> memref<!tpu.dma_semaphore, #tpu.memory_space<semaphore_mem>>
    tpu.wait_indirect_dma semaphore(%dma_wait3A_215 : memref<!tpu.dma_semaphore, #tpu.memory_space<semaphore_mem>>) src(%dma_wait3A_213 : memref<16096x1024xf32, #tpu.memory_space<hbm>>) dst(%arg6 : memref<24x1024xf32, #tpu.memory_space<vmem>>)
    %dma_start3A_216 = arith.constant 0 : i32
    %dma_start3A_217 = arith.constant 0 : i32
    %dma_start3A_218 = tpu.memref_slice %arg4[%min3A_7, %dma_start3A_217] : memref<16056x1024xf32, #tpu.memory_space<hbm>> -> memref<24x1024xf32, #tpu.memory_space<hbm>>
    %dma_start3A_219 = tpu.memref_slice %arg12[%dma_start3A_216] : memref<5x!tpu.dma_semaphore, #tpu.memory_space<semaphore_mem>> -> memref<1x!tpu.dma_semaphore, #tpu.memory_space<semaphore_mem>>
    %dma_start3A_220 = tpu.memref_squeeze %dma_start3A_219 : memref<1x!tpu.dma_semaphore, #tpu.memory_space<semaphore_mem>> -> memref<!tpu.dma_semaphore, #tpu.memory_space<semaphore_mem>>
    %dma_start3A_221 = arith.constant 0 : i32
    %dma_start3A_222 = tpu.memref_slice %arg4[%min3A_7, %dma_start3A_221] : memref<16056x1024xf32, #tpu.memory_space<hbm>> -> memref<24x1024xf32, #tpu.memory_space<hbm>>
    tpu.enqueue_dma source(%arg6 : memref<24x1024xf32, #tpu.memory_space<vmem>>) target(%dma_start3A_222 : memref<24x1024xf32, #tpu.memory_space<hbm>>) target_semaphore(%dma_start3A_220 : memref<!tpu.dma_semaphore, #tpu.memory_space<semaphore_mem>>)
    %dma_start3A_223 = arith.constant 4 : i32
    %dma_start3A_224 = arith.constant 4 : i32
    %dma_start3A_225 = arith.constant 0 : i32
    %dma_start3A_226 = tpu.memref_slice %arg5[%dma_start3A_223, %dma_start3A_225] : memref<21x24xi32, #tpu.memory_space<vmem>> -> memref<1x24xi32, #tpu.memory_space<vmem>>
    %dma_start3A_227 = tpu.memref_squeeze %dma_start3A_226 : memref<1x24xi32, #tpu.memory_space<vmem>> -> memref<24xi32, #tpu.memory_space<vmem>>
    %dma_start3A_228 = arith.constant 0 : i32
    %dma_start3A_229 = arith.constant 0 : i32
    %dma_start3A_230 = tpu.memref_slice %arg3[%dma_start3A_228, %dma_start3A_229] : memref<16096x1024xf32, #tpu.memory_space<hbm>> -> memref<16096x1024xf32, #tpu.memory_space<hbm>>
    %dma_start3A_231 = tpu.memref_slice %arg11[%dma_start3A_224] : memref<5x!tpu.dma_semaphore, #tpu.memory_space<semaphore_mem>> -> memref<1x!tpu.dma_semaphore, #tpu.memory_space<semaphore_mem>>
    %dma_start3A_232 = tpu.memref_squeeze %dma_start3A_231 : memref<1x!tpu.dma_semaphore, #tpu.memory_space<semaphore_mem>> -> memref<!tpu.dma_semaphore, #tpu.memory_space<semaphore_mem>>
    tpu.enqueue_indirect_dma source(%dma_start3A_230 : memref<16096x1024xf32, #tpu.memory_space<hbm>>) target(%arg10 : memref<24x1024xf32, #tpu.memory_space<vmem>>) offsets(%dma_start3A_227 : memref<24xi32, #tpu.memory_space<vmem>>) semaphore(%dma_start3A_232 : memref<!tpu.dma_semaphore, #tpu.memory_space<semaphore_mem>>)
    %dma_wait3A_233 = arith.constant 1 : i32
    %dma_wait3A_234 = arith.constant 1 : i32
    %dma_wait3A_235 = arith.constant 0 : i32
    %dma_wait3A_236 = tpu.memref_slice %arg5[%dma_wait3A_233, %dma_wait3A_235] : memref<21x24xi32, #tpu.memory_space<vmem>> -> memref<1x24xi32, #tpu.memory_space<vmem>>
    %dma_wait3A_237 = tpu.memref_squeeze %dma_wait3A_236 : memref<1x24xi32, #tpu.memory_space<vmem>> -> memref<24xi32, #tpu.memory_space<vmem>>
    %dma_wait3A_238 = arith.constant 0 : i32
    %dma_wait3A_239 = arith.constant 0 : i32
    %dma_wait3A_240 = tpu.memref_slice %arg3[%dma_wait3A_238, %dma_wait3A_239] : memref<16096x1024xf32, #tpu.memory_space<hbm>> -> memref<16096x1024xf32, #tpu.memory_space<hbm>>
    %dma_wait3A_241 = tpu.memref_slice %arg11[%dma_wait3A_234] : memref<5x!tpu.dma_semaphore, #tpu.memory_space<semaphore_mem>> -> memref<1x!tpu.dma_semaphore, #tpu.memory_space<semaphore_mem>>
    %dma_wait3A_242 = tpu.memref_squeeze %dma_wait3A_241 : memref<1x!tpu.dma_semaphore, #tpu.memory_space<semaphore_mem>> -> memref<!tpu.dma_semaphore, #tpu.memory_space<semaphore_mem>>
    tpu.wait_indirect_dma semaphore(%dma_wait3A_242 : memref<!tpu.dma_semaphore, #tpu.memory_space<semaphore_mem>>) src(%dma_wait3A_240 : memref<16096x1024xf32, #tpu.memory_space<hbm>>) dst(%arg7 : memref<24x1024xf32, #tpu.memory_space<vmem>>)
    %dma_start3A_243 = arith.constant 1 : i32
    %dma_start3A_244 = arith.constant 0 : i32
    %dma_start3A_245 = tpu.memref_slice %arg4[%min3A_15, %dma_start3A_244] : memref<16056x1024xf32, #tpu.memory_space<hbm>> -> memref<24x1024xf32, #tpu.memory_space<hbm>>
    %dma_start3A_246 = tpu.memref_slice %arg12[%dma_start3A_243] : memref<5x!tpu.dma_semaphore, #tpu.memory_space<semaphore_mem>> -> memref<1x!tpu.dma_semaphore, #tpu.memory_space<semaphore_mem>>
    %dma_start3A_247 = tpu.memref_squeeze %dma_start3A_246 : memref<1x!tpu.dma_semaphore, #tpu.memory_space<semaphore_mem>> -> memref<!tpu.dma_semaphore, #tpu.memory_space<semaphore_mem>>
    %dma_start3A_248 = arith.constant 0 : i32
    %dma_start3A_249 = tpu.memref_slice %arg4[%min3A_15, %dma_start3A_248] : memref<16056x1024xf32, #tpu.memory_space<hbm>> -> memref<24x1024xf32, #tpu.memory_space<hbm>>
    tpu.enqueue_dma source(%arg7 : memref<24x1024xf32, #tpu.memory_space<vmem>>) target(%dma_start3A_249 : memref<24x1024xf32, #tpu.memory_space<hbm>>) target_semaphore(%dma_start3A_247 : memref<!tpu.dma_semaphore, #tpu.memory_space<semaphore_mem>>)
    %dma_wait3A_250 = arith.constant 0 : i32
    %dma_wait3A_251 = arith.constant 0 : i32
    %dma_wait3A_252 = tpu.memref_slice %arg4[%min3A_7, %dma_wait3A_251] : memref<16056x1024xf32, #tpu.memory_space<hbm>> -> memref<24x1024xf32, #tpu.memory_space<hbm>>
    %dma_wait3A_253 = tpu.memref_slice %arg12[%dma_wait3A_250] : memref<5x!tpu.dma_semaphore, #tpu.memory_space<semaphore_mem>> -> memref<1x!tpu.dma_semaphore, #tpu.memory_space<semaphore_mem>>
    %dma_wait3A_254 = tpu.memref_squeeze %dma_wait3A_253 : memref<1x!tpu.dma_semaphore, #tpu.memory_space<semaphore_mem>> -> memref<!tpu.dma_semaphore, #tpu.memory_space<semaphore_mem>>
    %dma_wait3A_255 = arith.constant 0 : i32
    %dma_wait3A_256 = tpu.memref_slice %arg4[%min3A_7, %dma_wait3A_255] : memref<16056x1024xf32, #tpu.memory_space<hbm>> -> memref<24x1024xf32, #tpu.memory_space<hbm>>
    tpu.wait_dma2 semaphore(%dma_wait3A_254 : memref<!tpu.dma_semaphore, #tpu.memory_space<semaphore_mem>>) src(%arg6 : memref<24x1024xf32, #tpu.memory_space<vmem>>) dst(%dma_wait3A_256 : memref<24x1024xf32, #tpu.memory_space<hbm>>)
    %dma_start3A_257 = arith.constant 5 : i32
    %dma_start3A_258 = arith.constant 0 : i32
    %dma_start3A_259 = arith.constant 0 : i32
    %dma_start3A_260 = tpu.memref_slice %arg5[%dma_start3A_257, %dma_start3A_259] : memref<21x24xi32, #tpu.memory_space<vmem>> -> memref<1x24xi32, #tpu.memory_space<vmem>>
    %dma_start3A_261 = tpu.memref_squeeze %dma_start3A_260 : memref<1x24xi32, #tpu.memory_space<vmem>> -> memref<24xi32, #tpu.memory_space<vmem>>
    %dma_start3A_262 = arith.constant 0 : i32
    %dma_start3A_263 = arith.constant 0 : i32
    %dma_start3A_264 = tpu.memref_slice %arg3[%dma_start3A_262, %dma_start3A_263] : memref<16096x1024xf32, #tpu.memory_space<hbm>> -> memref<16096x1024xf32, #tpu.memory_space<hbm>>
    %dma_start3A_265 = tpu.memref_slice %arg11[%dma_start3A_258] : memref<5x!tpu.dma_semaphore, #tpu.memory_space<semaphore_mem>> -> memref<1x!tpu.dma_semaphore, #tpu.memory_space<semaphore_mem>>
    %dma_start3A_266 = tpu.memref_squeeze %dma_start3A_265 : memref<1x!tpu.dma_semaphore, #tpu.memory_space<semaphore_mem>> -> memref<!tpu.dma_semaphore, #tpu.memory_space<semaphore_mem>>
    tpu.enqueue_indirect_dma source(%dma_start3A_264 : memref<16096x1024xf32, #tpu.memory_space<hbm>>) target(%arg6 : memref<24x1024xf32, #tpu.memory_space<vmem>>) offsets(%dma_start3A_261 : memref<24xi32, #tpu.memory_space<vmem>>) semaphore(%dma_start3A_266 : memref<!tpu.dma_semaphore, #tpu.memory_space<semaphore_mem>>)
    %dma_wait3A_267 = arith.constant 2 : i32
    %dma_wait3A_268 = arith.constant 2 : i32
    %dma_wait3A_269 = arith.constant 0 : i32
    %dma_wait3A_270 = tpu.memref_slice %arg5[%dma_wait3A_267, %dma_wait3A_269] : memref<21x24xi32, #tpu.memory_space<vmem>> -> memref<1x24xi32, #tpu.memory_space<vmem>>
    %dma_wait3A_271 = tpu.memref_squeeze %dma_wait3A_270 : memref<1x24xi32, #tpu.memory_space<vmem>> -> memref<24xi32, #tpu.memory_space<vmem>>
    %dma_wait3A_272 = arith.constant 0 : i32
    %dma_wait3A_273 = arith.constant 0 : i32
    %dma_wait3A_274 = tpu.memref_slice %arg3[%dma_wait3A_272, %dma_wait3A_273] : memref<16096x1024xf32, #tpu.memory_space<hbm>> -> memref<16096x1024xf32, #tpu.memory_space<hbm>>
    %dma_wait3A_275 = tpu.memref_slice %arg11[%dma_wait3A_268] : memref<5x!tpu.dma_semaphore, #tpu.memory_space<semaphore_mem>> -> memref<1x!tpu.dma_semaphore, #tpu.memory_space<semaphore_mem>>
    %dma_wait3A_276 = tpu.memref_squeeze %dma_wait3A_275 : memref<1x!tpu.dma_semaphore, #tpu.memory_space<semaphore_mem>> -> memref<!tpu.dma_semaphore, #tpu.memory_space<semaphore_mem>>
    tpu.wait_indirect_dma semaphore(%dma_wait3A_276 : memref<!tpu.dma_semaphore, #tpu.memory_space<semaphore_mem>>) src(%dma_wait3A_274 : memref<16096x1024xf32, #tpu.memory_space<hbm>>) dst(%arg8 : memref<24x1024xf32, #tpu.memory_space<vmem>>)
    %dma_start3A_277 = arith.constant 2 : i32
    %dma_start3A_278 = arith.constant 0 : i32
    %dma_start3A_279 = tpu.memref_slice %arg4[%min3A_23, %dma_start3A_278] : memref<16056x1024xf32, #tpu.memory_space<hbm>> -> memref<24x1024xf32, #tpu.memory_space<hbm>>
    %dma_start3A_280 = tpu.memref_slice %arg12[%dma_start3A_277] : memref<5x!tpu.dma_semaphore, #tpu.memory_space<semaphore_mem>> -> memref<1x!tpu.dma_semaphore, #tpu.memory_space<semaphore_mem>>
    %dma_start3A_281 = tpu.memref_squeeze %dma_start3A_280 : memref<1x!tpu.dma_semaphore, #tpu.memory_space<semaphore_mem>> -> memref<!tpu.dma_semaphore, #tpu.memory_space<semaphore_mem>>
    %dma_start3A_282 = arith.constant 0 : i32
    %dma_start3A_283 = tpu.memref_slice %arg4[%min3A_23, %dma_start3A_282] : memref<16056x1024xf32, #tpu.memory_space<hbm>> -> memref<24x1024xf32, #tpu.memory_space<hbm>>
    tpu.enqueue_dma source(%arg8 : memref<24x1024xf32, #tpu.memory_space<vmem>>) target(%dma_start3A_283 : memref<24x1024xf32, #tpu.memory_space<hbm>>) target_semaphore(%dma_start3A_281 : memref<!tpu.dma_semaphore, #tpu.memory_space<semaphore_mem>>)
    %dma_wait3A_284 = arith.constant 1 : i32
    %dma_wait3A_285 = arith.constant 0 : i32
    %dma_wait3A_286 = tpu.memref_slice %arg4[%min3A_15, %dma_wait3A_285] : memref<16056x1024xf32, #tpu.memory_space<hbm>> -> memref<24x1024xf32, #tpu.memory_space<hbm>>
    %dma_wait3A_287 = tpu.memref_slice %arg12[%dma_wait3A_284] : memref<5x!tpu.dma_semaphore, #tpu.memory_space<semaphore_mem>> -> memref<1x!tpu.dma_semaphore, #tpu.memory_space<semaphore_mem>>
    %dma_wait3A_288 = tpu.memref_squeeze %dma_wait3A_287 : memref<1x!tpu.dma_semaphore, #tpu.memory_space<semaphore_mem>> -> memref<!tpu.dma_semaphore, #tpu.memory_space<semaphore_mem>>
    %dma_wait3A_289 = arith.constant 0 : i32
    %dma_wait3A_290 = tpu.memref_slice %arg4[%min3A_15, %dma_wait3A_289] : memref<16056x1024xf32, #tpu.memory_space<hbm>> -> memref<24x1024xf32, #tpu.memory_space<hbm>>
    tpu.wait_dma2 semaphore(%dma_wait3A_288 : memref<!tpu.dma_semaphore, #tpu.memory_space<semaphore_mem>>) src(%arg7 : memref<24x1024xf32, #tpu.memory_space<vmem>>) dst(%dma_wait3A_290 : memref<24x1024xf32, #tpu.memory_space<hbm>>)
    %dma_start3A_291 = arith.constant 6 : i32
    %dma_start3A_292 = arith.constant 1 : i32
    %dma_start3A_293 = arith.constant 0 : i32
    %dma_start3A_294 = tpu.memref_slice %arg5[%dma_start3A_291, %dma_start3A_293] : memref<21x24xi32, #tpu.memory_space<vmem>> -> memref<1x24xi32, #tpu.memory_space<vmem>>
    %dma_start3A_295 = tpu.memref_squeeze %dma_start3A_294 : memref<1x24xi32, #tpu.memory_space<vmem>> -> memref<24xi32, #tpu.memory_space<vmem>>
    %dma_start3A_296 = arith.constant 0 : i32
    %dma_start3A_297 = arith.constant 0 : i32
    %dma_start3A_298 = tpu.memref_slice %arg3[%dma_start3A_296, %dma_start3A_297] : memref<16096x1024xf32, #tpu.memory_space<hbm>> -> memref<16096x1024xf32, #tpu.memory_space<hbm>>
    %dma_start3A_299 = tpu.memref_slice %arg11[%dma_start3A_292] : memref<5x!tpu.dma_semaphore, #tpu.memory_space<semaphore_mem>> -> memref<1x!tpu.dma_semaphore, #tpu.memory_space<semaphore_mem>>
    %dma_start3A_300 = tpu.memref_squeeze %dma_start3A_299 : memref<1x!tpu.dma_semaphore, #tpu.memory_space<semaphore_mem>> -> memref<!tpu.dma_semaphore, #tpu.memory_space<semaphore_mem>>
    tpu.enqueue_indirect_dma source(%dma_start3A_298 : memref<16096x1024xf32, #tpu.memory_space<hbm>>) target(%arg7 : memref<24x1024xf32, #tpu.memory_space<vmem>>) offsets(%dma_start3A_295 : memref<24xi32, #tpu.memory_space<vmem>>) semaphore(%dma_start3A_300 : memref<!tpu.dma_semaphore, #tpu.memory_space<semaphore_mem>>)
    %dma_wait3A_301 = arith.constant 3 : i32
    %dma_wait3A_302 = arith.constant 3 : i32
    %dma_wait3A_303 = arith.constant 0 : i32
    %dma_wait3A_304 = tpu.memref_slice %arg5[%dma_wait3A_301, %dma_wait3A_303] : memref<21x24xi32, #tpu.memory_space<vmem>> -> memref<1x24xi32, #tpu.memory_space<vmem>>
    %dma_wait3A_305 = tpu.memref_squeeze %dma_wait3A_304 : memref<1x24xi32, #tpu.memory_space<vmem>> -> memref<24xi32, #tpu.memory_space<vmem>>
    %dma_wait3A_306 = arith.constant 0 : i32
    %dma_wait3A_307 = arith.constant 0 : i32
    %dma_wait3A_308 = tpu.memref_slice %arg3[%dma_wait3A_306, %dma_wait3A_307] : memref<16096x1024xf32, #tpu.memory_space<hbm>> -> memref<16096x1024xf32, #tpu.memory_space<hbm>>
    %dma_wait3A_309 = tpu.memref_slice %arg11[%dma_wait3A_302] : memref<5x!tpu.dma_semaphore, #tpu.memory_space<semaphore_mem>> -> memref<1x!tpu.dma_semaphore, #tpu.memory_space<semaphore_mem>>
    %dma_wait3A_310 = tpu.memref_squeeze %dma_wait3A_309 : memref<1x!tpu.dma_semaphore, #tpu.memory_space<semaphore_mem>> -> memref<!tpu.dma_semaphore, #tpu.memory_space<semaphore_mem>>
    tpu.wait_indirect_dma semaphore(%dma_wait3A_310 : memref<!tpu.dma_semaphore, #tpu.memory_space<semaphore_mem>>) src(%dma_wait3A_308 : memref<16096x1024xf32, #tpu.memory_space<hbm>>) dst(%arg9 : memref<24x1024xf32, #tpu.memory_space<vmem>>)
    %dma_start3A_311 = arith.constant 3 : i32
    %dma_start3A_312 = arith.constant 0 : i32
    %dma_start3A_313 = tpu.memref_slice %arg4[%min3A_31, %dma_start3A_312] : memref<16056x1024xf32, #tpu.memory_space<hbm>> -> memref<24x1024xf32, #tpu.memory_space<hbm>>
    %dma_start3A_314 = tpu.memref_slice %arg12[%dma_start3A_311] : memref<5x!tpu.dma_semaphore, #tpu.memory_space<semaphore_mem>> -> memref<1x!tpu.dma_semaphore, #tpu.memory_space<semaphore_mem>>
    %dma_start3A_315 = tpu.memref_squeeze %dma_start3A_314 : memref<1x!tpu.dma_semaphore, #tpu.memory_space<semaphore_mem>> -> memref<!tpu.dma_semaphore, #tpu.memory_space<semaphore_mem>>
    %dma_start3A_316 = arith.constant 0 : i32
    %dma_start3A_317 = tpu.memref_slice %arg4[%min3A_31, %dma_start3A_316] : memref<16056x1024xf32, #tpu.memory_space<hbm>> -> memref<24x1024xf32, #tpu.memory_space<hbm>>
    tpu.enqueue_dma source(%arg9 : memref<24x1024xf32, #tpu.memory_space<vmem>>) target(%dma_start3A_317 : memref<24x1024xf32, #tpu.memory_space<hbm>>) target_semaphore(%dma_start3A_315 : memref<!tpu.dma_semaphore, #tpu.memory_space<semaphore_mem>>)
    %dma_wait3A_318 = arith.constant 2 : i32
    %dma_wait3A_319 = arith.constant 0 : i32
    %dma_wait3A_320 = tpu.memref_slice %arg4[%min3A_23, %dma_wait3A_319] : memref<16056x1024xf32, #tpu.memory_space<hbm>> -> memref<24x1024xf32, #tpu.memory_space<hbm>>
    %dma_wait3A_321 = tpu.memref_slice %arg12[%dma_wait3A_318] : memref<5x!tpu.dma_semaphore, #tpu.memory_space<semaphore_mem>> -> memref<1x!tpu.dma_semaphore, #tpu.memory_space<semaphore_mem>>
    %dma_wait3A_322 = tpu.memref_squeeze %dma_wait3A_321 : memref<1x!tpu.dma_semaphore, #tpu.memory_space<semaphore_mem>> -> memref<!tpu.dma_semaphore, #tpu.memory_space<semaphore_mem>>
    %dma_wait3A_323 = arith.constant 0 : i32
    %dma_wait3A_324 = tpu.memref_slice %arg4[%min3A_23, %dma_wait3A_323] : memref<16056x1024xf32, #tpu.memory_space<hbm>> -> memref<24x1024xf32, #tpu.memory_space<hbm>>
    tpu.wait_dma2 semaphore(%dma_wait3A_322 : memref<!tpu.dma_semaphore, #tpu.memory_space<semaphore_mem>>) src(%arg8 : memref<24x1024xf32, #tpu.memory_space<vmem>>) dst(%dma_wait3A_324 : memref<24x1024xf32, #tpu.memory_space<hbm>>)
    %dma_start3A_325 = arith.constant 7 : i32
    %dma_start3A_326 = arith.constant 2 : i32
    %dma_start3A_327 = arith.constant 0 : i32
    %dma_start3A_328 = tpu.memref_slice %arg5[%dma_start3A_325, %dma_start3A_327] : memref<21x24xi32, #tpu.memory_space<vmem>> -> memref<1x24xi32, #tpu.memory_space<vmem>>
    %dma_start3A_329 = tpu.memref_squeeze %dma_start3A_328 : memref<1x24xi32, #tpu.memory_space<vmem>> -> memref<24xi32, #tpu.memory_space<vmem>>
    %dma_start3A_330 = arith.constant 0 : i32
    %dma_start3A_331 = arith.constant 0 : i32
    %dma_start3A_332 = tpu.memref_slice %arg3[%dma_start3A_330, %dma_start3A_331] : memref<16096x1024xf32, #tpu.memory_space<hbm>> -> memref<16096x1024xf32, #tpu.memory_space<hbm>>
    %dma_start3A_333 = tpu.memref_slice %arg11[%dma_start3A_326] : memref<5x!tpu.dma_semaphore, #tpu.memory_space<semaphore_mem>> -> memref<1x!tpu.dma_semaphore, #tpu.memory_space<semaphore_mem>>
    %dma_start3A_334 = tpu.memref_squeeze %dma_start3A_333 : memref<1x!tpu.dma_semaphore, #tpu.memory_space<semaphore_mem>> -> memref<!tpu.dma_semaphore, #tpu.memory_space<semaphore_mem>>
    tpu.enqueue_indirect_dma source(%dma_start3A_332 : memref<16096x1024xf32, #tpu.memory_space<hbm>>) target(%arg8 : memref<24x1024xf32, #tpu.memory_space<vmem>>) offsets(%dma_start3A_329 : memref<24xi32, #tpu.memory_space<vmem>>) semaphore(%dma_start3A_334 : memref<!tpu.dma_semaphore, #tpu.memory_space<semaphore_mem>>)
    %dma_wait3A_335 = arith.constant 4 : i32
    %dma_wait3A_336 = arith.constant 4 : i32
    %dma_wait3A_337 = arith.constant 0 : i32
    %dma_wait3A_338 = tpu.memref_slice %arg5[%dma_wait3A_335, %dma_wait3A_337] : memref<21x24xi32, #tpu.memory_space<vmem>> -> memref<1x24xi32, #tpu.memory_space<vmem>>
    %dma_wait3A_339 = tpu.memref_squeeze %dma_wait3A_338 : memref<1x24xi32, #tpu.memory_space<vmem>> -> memref<24xi32, #tpu.memory_space<vmem>>
    %dma_wait3A_340 = arith.constant 0 : i32
    %dma_wait3A_341 = arith.constant 0 : i32
    %dma_wait3A_342 = tpu.memref_slice %arg3[%dma_wait3A_340, %dma_wait3A_341] : memref<16096x1024xf32, #tpu.memory_space<hbm>> -> memref<16096x1024xf32, #tpu.memory_space<hbm>>
    %dma_wait3A_343 = tpu.memref_slice %arg11[%dma_wait3A_336] : memref<5x!tpu.dma_semaphore, #tpu.memory_space<semaphore_mem>> -> memref<1x!tpu.dma_semaphore, #tpu.memory_space<semaphore_mem>>
    %dma_wait3A_344 = tpu.memref_squeeze %dma_wait3A_343 : memref<1x!tpu.dma_semaphore, #tpu.memory_space<semaphore_mem>> -> memref<!tpu.dma_semaphore, #tpu.memory_space<semaphore_mem>>
    tpu.wait_indirect_dma semaphore(%dma_wait3A_344 : memref<!tpu.dma_semaphore, #tpu.memory_space<semaphore_mem>>) src(%dma_wait3A_342 : memref<16096x1024xf32, #tpu.memory_space<hbm>>) dst(%arg10 : memref<24x1024xf32, #tpu.memory_space<vmem>>)
    %dma_start3A_345 = arith.constant 4 : i32
    %dma_start3A_346 = arith.constant 0 : i32
    %dma_start3A_347 = tpu.memref_slice %arg4[%min3A_39, %dma_start3A_346] : memref<16056x1024xf32, #tpu.memory_space<hbm>> -> memref<24x1024xf32, #tpu.memory_space<hbm>>
    %dma_start3A_348 = tpu.memref_slice %arg12[%dma_start3A_345] : memref<5x!tpu.dma_semaphore, #tpu.memory_space<semaphore_mem>> -> memref<1x!tpu.dma_semaphore, #tpu.memory_space<semaphore_mem>>
    %dma_start3A_349 = tpu.memref_squeeze %dma_start3A_348 : memref<1x!tpu.dma_semaphore, #tpu.memory_space<semaphore_mem>> -> memref<!tpu.dma_semaphore, #tpu.memory_space<semaphore_mem>>
    %dma_start3A_350 = arith.constant 0 : i32
    %dma_start3A_351 = tpu.memref_slice %arg4[%min3A_39, %dma_start3A_350] : memref<16056x1024xf32, #tpu.memory_space<hbm>> -> memref<24x1024xf32, #tpu.memory_space<hbm>>
    tpu.enqueue_dma source(%arg10 : memref<24x1024xf32, #tpu.memory_space<vmem>>) target(%dma_start3A_351 : memref<24x1024xf32, #tpu.memory_space<hbm>>) target_semaphore(%dma_start3A_349 : memref<!tpu.dma_semaphore, #tpu.memory_space<semaphore_mem>>)
    %dma_wait3A_352 = arith.constant 3 : i32
    %dma_wait3A_353 = arith.constant 0 : i32
    %dma_wait3A_354 = tpu.memref_slice %arg4[%min3A_31, %dma_wait3A_353] : memref<16056x1024xf32, #tpu.memory_space<hbm>> -> memref<24x1024xf32, #tpu.memory_space<hbm>>
    %dma_wait3A_355 = tpu.memref_slice %arg12[%dma_wait3A_352] : memref<5x!tpu.dma_semaphore, #tpu.memory_space<semaphore_mem>> -> memref<1x!tpu.dma_semaphore, #tpu.memory_space<semaphore_mem>>
    %dma_wait3A_356 = tpu.memref_squeeze %dma_wait3A_355 : memref<1x!tpu.dma_semaphore, #tpu.memory_space<semaphore_mem>> -> memref<!tpu.dma_semaphore, #tpu.memory_space<semaphore_mem>>
    %dma_wait3A_357 = arith.constant 0 : i32
    %dma_wait3A_358 = tpu.memref_slice %arg4[%min3A_31, %dma_wait3A_357] : memref<16056x1024xf32, #tpu.memory_space<hbm>> -> memref<24x1024xf32, #tpu.memory_space<hbm>>
    tpu.wait_dma2 semaphore(%dma_wait3A_356 : memref<!tpu.dma_semaphore, #tpu.memory_space<semaphore_mem>>) src(%arg9 : memref<24x1024xf32, #tpu.memory_space<vmem>>) dst(%dma_wait3A_358 : memref<24x1024xf32, #tpu.memory_space<hbm>>)
    %dma_start3A_359 = arith.constant 8 : i32
    %dma_start3A_360 = arith.constant 3 : i32
    %dma_start3A_361 = arith.constant 0 : i32
    %dma_start3A_362 = tpu.memref_slice %arg5[%dma_start3A_359, %dma_start3A_361] : memref<21x24xi32, #tpu.memory_space<vmem>> -> memref<1x24xi32, #tpu.memory_space<vmem>>
    %dma_start3A_363 = tpu.memref_squeeze %dma_start3A_362 : memref<1x24xi32, #tpu.memory_space<vmem>> -> memref<24xi32, #tpu.memory_space<vmem>>
    %dma_start3A_364 = arith.constant 0 : i32
    %dma_start3A_365 = arith.constant 0 : i32
    %dma_start3A_366 = tpu.memref_slice %arg3[%dma_start3A_364, %dma_start3A_365] : memref<16096x1024xf32, #tpu.memory_space<hbm>> -> memref<16096x1024xf32, #tpu.memory_space<hbm>>
    %dma_start3A_367 = tpu.memref_slice %arg11[%dma_start3A_360] : memref<5x!tpu.dma_semaphore, #tpu.memory_space<semaphore_mem>> -> memref<1x!tpu.dma_semaphore, #tpu.memory_space<semaphore_mem>>
    %dma_start3A_368 = tpu.memref_squeeze %dma_start3A_367 : memref<1x!tpu.dma_semaphore, #tpu.memory_space<semaphore_mem>> -> memref<!tpu.dma_semaphore, #tpu.memory_space<semaphore_mem>>
    tpu.enqueue_indirect_dma source(%dma_start3A_366 : memref<16096x1024xf32, #tpu.memory_space<hbm>>) target(%arg9 : memref<24x1024xf32, #tpu.memory_space<vmem>>) offsets(%dma_start3A_363 : memref<24xi32, #tpu.memory_space<vmem>>) semaphore(%dma_start3A_368 : memref<!tpu.dma_semaphore, #tpu.memory_space<semaphore_mem>>)
    %dma_wait3A_369 = arith.constant 5 : i32
    %dma_wait3A_370 = arith.constant 0 : i32
    %dma_wait3A_371 = arith.constant 0 : i32
    %dma_wait3A_372 = tpu.memref_slice %arg5[%dma_wait3A_369, %dma_wait3A_371] : memref<21x24xi32, #tpu.memory_space<vmem>> -> memref<1x24xi32, #tpu.memory_space<vmem>>
    %dma_wait3A_373 = tpu.memref_squeeze %dma_wait3A_372 : memref<1x24xi32, #tpu.memory_space<vmem>> -> memref<24xi32, #tpu.memory_space<vmem>>
    %dma_wait3A_374 = arith.constant 0 : i32
    %dma_wait3A_375 = arith.constant 0 : i32
    %dma_wait3A_376 = tpu.memref_slice %arg3[%dma_wait3A_374, %dma_wait3A_375] : memref<16096x1024xf32, #tpu.memory_space<hbm>> -> memref<16096x1024xf32, #tpu.memory_space<hbm>>
    %dma_wait3A_377 = tpu.memref_slice %arg11[%dma_wait3A_370] : memref<5x!tpu.dma_semaphore, #tpu.memory_space<semaphore_mem>> -> memref<1x!tpu.dma_semaphore, #tpu.memory_space<semaphore_mem>>
    %dma_wait3A_378 = tpu.memref_squeeze %dma_wait3A_377 : memref<1x!tpu.dma_semaphore, #tpu.memory_space<semaphore_mem>> -> memref<!tpu.dma_semaphore, #tpu.memory_space<semaphore_mem>>
    tpu.wait_indirect_dma semaphore(%dma_wait3A_378 : memref<!tpu.dma_semaphore, #tpu.memory_space<semaphore_mem>>) src(%dma_wait3A_376 : memref<16096x1024xf32, #tpu.memory_space<hbm>>) dst(%arg6 : memref<24x1024xf32, #tpu.memory_space<vmem>>)
    %dma_start3A_379 = arith.constant 0 : i32
    %dma_start3A_380 = arith.constant 0 : i32
    %dma_start3A_381 = tpu.memref_slice %arg4[%min3A_47, %dma_start3A_380] : memref<16056x1024xf32, #tpu.memory_space<hbm>> -> memref<24x1024xf32, #tpu.memory_space<hbm>>
    %dma_start3A_382 = tpu.memref_slice %arg12[%dma_start3A_379] : memref<5x!tpu.dma_semaphore, #tpu.memory_space<semaphore_mem>> -> memref<1x!tpu.dma_semaphore, #tpu.memory_space<semaphore_mem>>
    %dma_start3A_383 = tpu.memref_squeeze %dma_start3A_382 : memref<1x!tpu.dma_semaphore, #tpu.memory_space<semaphore_mem>> -> memref<!tpu.dma_semaphore, #tpu.memory_space<semaphore_mem>>
    %dma_start3A_384 = arith.constant 0 : i32
    %dma_start3A_385 = tpu.memref_slice %arg4[%min3A_47, %dma_start3A_384] : memref<16056x1024xf32, #tpu.memory_space<hbm>> -> memref<24x1024xf32, #tpu.memory_space<hbm>>
    tpu.enqueue_dma source(%arg6 : memref<24x1024xf32, #tpu.memory_space<vmem>>) target(%dma_start3A_385 : memref<24x1024xf32, #tpu.memory_space<hbm>>) target_semaphore(%dma_start3A_383 : memref<!tpu.dma_semaphore, #tpu.memory_space<semaphore_mem>>)
    %dma_wait3A_386 = arith.constant 4 : i32
    %dma_wait3A_387 = arith.constant 0 : i32
    %dma_wait3A_388 = tpu.memref_slice %arg4[%min3A_39, %dma_wait3A_387] : memref<16056x1024xf32, #tpu.memory_space<hbm>> -> memref<24x1024xf32, #tpu.memory_space<hbm>>
    %dma_wait3A_389 = tpu.memref_slice %arg12[%dma_wait3A_386] : memref<5x!tpu.dma_semaphore, #tpu.memory_space<semaphore_mem>> -> memref<1x!tpu.dma_semaphore, #tpu.memory_space<semaphore_mem>>
    %dma_wait3A_390 = tpu.memref_squeeze %dma_wait3A_389 : memref<1x!tpu.dma_semaphore, #tpu.memory_space<semaphore_mem>> -> memref<!tpu.dma_semaphore, #tpu.memory_space<semaphore_mem>>
    %dma_wait3A_391 = arith.constant 0 : i32
    %dma_wait3A_392 = tpu.memref_slice %arg4[%min3A_39, %dma_wait3A_391] : memref<16056x1024xf32, #tpu.memory_space<hbm>> -> memref<24x1024xf32, #tpu.memory_space<hbm>>
    tpu.wait_dma2 semaphore(%dma_wait3A_390 : memref<!tpu.dma_semaphore, #tpu.memory_space<semaphore_mem>>) src(%arg10 : memref<24x1024xf32, #tpu.memory_space<vmem>>) dst(%dma_wait3A_392 : memref<24x1024xf32, #tpu.memory_space<hbm>>)
    %dma_start3A_393 = arith.constant 9 : i32
    %dma_start3A_394 = arith.constant 4 : i32
    %dma_start3A_395 = arith.constant 0 : i32
    %dma_start3A_396 = tpu.memref_slice %arg5[%dma_start3A_393, %dma_start3A_395] : memref<21x24xi32, #tpu.memory_space<vmem>> -> memref<1x24xi32, #tpu.memory_space<vmem>>
    %dma_start3A_397 = tpu.memref_squeeze %dma_start3A_396 : memref<1x24xi32, #tpu.memory_space<vmem>> -> memref<24xi32, #tpu.memory_space<vmem>>
    %dma_start3A_398 = arith.constant 0 : i32
    %dma_start3A_399 = arith.constant 0 : i32
    %dma_start3A_400 = tpu.memref_slice %arg3[%dma_start3A_398, %dma_start3A_399] : memref<16096x1024xf32, #tpu.memory_space<hbm>> -> memref<16096x1024xf32, #tpu.memory_space<hbm>>
    %dma_start3A_401 = tpu.memref_slice %arg11[%dma_start3A_394] : memref<5x!tpu.dma_semaphore, #tpu.memory_space<semaphore_mem>> -> memref<1x!tpu.dma_semaphore, #tpu.memory_space<semaphore_mem>>
    %dma_start3A_402 = tpu.memref_squeeze %dma_start3A_401 : memref<1x!tpu.dma_semaphore, #tpu.memory_space<semaphore_mem>> -> memref<!tpu.dma_semaphore, #tpu.memory_space<semaphore_mem>>
    tpu.enqueue_indirect_dma source(%dma_start3A_400 : memref<16096x1024xf32, #tpu.memory_space<hbm>>) target(%arg10 : memref<24x1024xf32, #tpu.memory_space<vmem>>) offsets(%dma_start3A_397 : memref<24xi32, #tpu.memory_space<vmem>>) semaphore(%dma_start3A_402 : memref<!tpu.dma_semaphore, #tpu.memory_space<semaphore_mem>>)
    %dma_wait3A_403 = arith.constant 6 : i32
    %dma_wait3A_404 = arith.constant 1 : i32
    %dma_wait3A_405 = arith.constant 0 : i32
    %dma_wait3A_406 = tpu.memref_slice %arg5[%dma_wait3A_403, %dma_wait3A_405] : memref<21x24xi32, #tpu.memory_space<vmem>> -> memref<1x24xi32, #tpu.memory_space<vmem>>
    %dma_wait3A_407 = tpu.memref_squeeze %dma_wait3A_406 : memref<1x24xi32, #tpu.memory_space<vmem>> -> memref<24xi32, #tpu.memory_space<vmem>>
    %dma_wait3A_408 = arith.constant 0 : i32
    %dma_wait3A_409 = arith.constant 0 : i32
    %dma_wait3A_410 = tpu.memref_slice %arg3[%dma_wait3A_408, %dma_wait3A_409] : memref<16096x1024xf32, #tpu.memory_space<hbm>> -> memref<16096x1024xf32, #tpu.memory_space<hbm>>
    %dma_wait3A_411 = tpu.memref_slice %arg11[%dma_wait3A_404] : memref<5x!tpu.dma_semaphore, #tpu.memory_space<semaphore_mem>> -> memref<1x!tpu.dma_semaphore, #tpu.memory_space<semaphore_mem>>
    %dma_wait3A_412 = tpu.memref_squeeze %dma_wait3A_411 : memref<1x!tpu.dma_semaphore, #tpu.memory_space<semaphore_mem>> -> memref<!tpu.dma_semaphore, #tpu.memory_space<semaphore_mem>>
    tpu.wait_indirect_dma semaphore(%dma_wait3A_412 : memref<!tpu.dma_semaphore, #tpu.memory_space<semaphore_mem>>) src(%dma_wait3A_410 : memref<16096x1024xf32, #tpu.memory_space<hbm>>) dst(%arg7 : memref<24x1024xf32, #tpu.memory_space<vmem>>)
    %dma_start3A_413 = arith.constant 1 : i32
    %dma_start3A_414 = arith.constant 0 : i32
    %dma_start3A_415 = tpu.memref_slice %arg4[%min3A_55, %dma_start3A_414] : memref<16056x1024xf32, #tpu.memory_space<hbm>> -> memref<24x1024xf32, #tpu.memory_space<hbm>>
    %dma_start3A_416 = tpu.memref_slice %arg12[%dma_start3A_413] : memref<5x!tpu.dma_semaphore, #tpu.memory_space<semaphore_mem>> -> memref<1x!tpu.dma_semaphore, #tpu.memory_space<semaphore_mem>>
    %dma_start3A_417 = tpu.memref_squeeze %dma_start3A_416 : memref<1x!tpu.dma_semaphore, #tpu.memory_space<semaphore_mem>> -> memref<!tpu.dma_semaphore, #tpu.memory_space<semaphore_mem>>
    %dma_start3A_418 = arith.constant 0 : i32
    %dma_start3A_419 = tpu.memref_slice %arg4[%min3A_55, %dma_start3A_418] : memref<16056x1024xf32, #tpu.memory_space<hbm>> -> memref<24x1024xf32, #tpu.memory_space<hbm>>
    tpu.enqueue_dma source(%arg7 : memref<24x1024xf32, #tpu.memory_space<vmem>>) target(%dma_start3A_419 : memref<24x1024xf32, #tpu.memory_space<hbm>>) target_semaphore(%dma_start3A_417 : memref<!tpu.dma_semaphore, #tpu.memory_space<semaphore_mem>>)
    %dma_wait3A_420 = arith.constant 0 : i32
    %dma_wait3A_421 = arith.constant 0 : i32
    %dma_wait3A_422 = tpu.memref_slice %arg4[%min3A_47, %dma_wait3A_421] : memref<16056x1024xf32, #tpu.memory_space<hbm>> -> memref<24x1024xf32, #tpu.memory_space<hbm>>
    %dma_wait3A_423 = tpu.memref_slice %arg12[%dma_wait3A_420] : memref<5x!tpu.dma_semaphore, #tpu.memory_space<semaphore_mem>> -> memref<1x!tpu.dma_semaphore, #tpu.memory_space<semaphore_mem>>
    %dma_wait3A_424 = tpu.memref_squeeze %dma_wait3A_423 : memref<1x!tpu.dma_semaphore, #tpu.memory_space<semaphore_mem>> -> memref<!tpu.dma_semaphore, #tpu.memory_space<semaphore_mem>>
    %dma_wait3A_425 = arith.constant 0 : i32
    %dma_wait3A_426 = tpu.memref_slice %arg4[%min3A_47, %dma_wait3A_425] : memref<16056x1024xf32, #tpu.memory_space<hbm>> -> memref<24x1024xf32, #tpu.memory_space<hbm>>
    tpu.wait_dma2 semaphore(%dma_wait3A_424 : memref<!tpu.dma_semaphore, #tpu.memory_space<semaphore_mem>>) src(%arg6 : memref<24x1024xf32, #tpu.memory_space<vmem>>) dst(%dma_wait3A_426 : memref<24x1024xf32, #tpu.memory_space<hbm>>)
    %dma_start3A_427 = arith.constant 10 : i32
    %dma_start3A_428 = arith.constant 0 : i32
    %dma_start3A_429 = arith.constant 0 : i32
    %dma_start3A_430 = tpu.memref_slice %arg5[%dma_start3A_427, %dma_start3A_429] : memref<21x24xi32, #tpu.memory_space<vmem>> -> memref<1x24xi32, #tpu.memory_space<vmem>>
    %dma_start3A_431 = tpu.memref_squeeze %dma_start3A_430 : memref<1x24xi32, #tpu.memory_space<vmem>> -> memref<24xi32, #tpu.memory_space<vmem>>
    %dma_start3A_432 = arith.constant 0 : i32
    %dma_start3A_433 = arith.constant 0 : i32
    %dma_start3A_434 = tpu.memref_slice %arg3[%dma_start3A_432, %dma_start3A_433] : memref<16096x1024xf32, #tpu.memory_space<hbm>> -> memref<16096x1024xf32, #tpu.memory_space<hbm>>
    %dma_start3A_435 = tpu.memref_slice %arg11[%dma_start3A_428] : memref<5x!tpu.dma_semaphore, #tpu.memory_space<semaphore_mem>> -> memref<1x!tpu.dma_semaphore, #tpu.memory_space<semaphore_mem>>
    %dma_start3A_436 = tpu.memref_squeeze %dma_start3A_435 : memref<1x!tpu.dma_semaphore, #tpu.memory_space<semaphore_mem>> -> memref<!tpu.dma_semaphore, #tpu.memory_space<semaphore_mem>>
    tpu.enqueue_indirect_dma source(%dma_start3A_434 : memref<16096x1024xf32, #tpu.memory_space<hbm>>) target(%arg6 : memref<24x1024xf32, #tpu.memory_space<vmem>>) offsets(%dma_start3A_431 : memref<24xi32, #tpu.memory_space<vmem>>) semaphore(%dma_start3A_436 : memref<!tpu.dma_semaphore, #tpu.memory_space<semaphore_mem>>)
    %dma_wait3A_437 = arith.constant 7 : i32
    %dma_wait3A_438 = arith.constant 2 : i32
    %dma_wait3A_439 = arith.constant 0 : i32
    %dma_wait3A_440 = tpu.memref_slice %arg5[%dma_wait3A_437, %dma_wait3A_439] : memref<21x24xi32, #tpu.memory_space<vmem>> -> memref<1x24xi32, #tpu.memory_space<vmem>>
    %dma_wait3A_441 = tpu.memref_squeeze %dma_wait3A_440 : memref<1x24xi32, #tpu.memory_space<vmem>> -> memref<24xi32, #tpu.memory_space<vmem>>
    %dma_wait3A_442 = arith.constant 0 : i32
    %dma_wait3A_443 = arith.constant 0 : i32
    %dma_wait3A_444 = tpu.memref_slice %arg3[%dma_wait3A_442, %dma_wait3A_443] : memref<16096x1024xf32, #tpu.memory_space<hbm>> -> memref<16096x1024xf32, #tpu.memory_space<hbm>>
    %dma_wait3A_445 = tpu.memref_slice %arg11[%dma_wait3A_438] : memref<5x!tpu.dma_semaphore, #tpu.memory_space<semaphore_mem>> -> memref<1x!tpu.dma_semaphore, #tpu.memory_space<semaphore_mem>>
    %dma_wait3A_446 = tpu.memref_squeeze %dma_wait3A_445 : memref<1x!tpu.dma_semaphore, #tpu.memory_space<semaphore_mem>> -> memref<!tpu.dma_semaphore, #tpu.memory_space<semaphore_mem>>
    tpu.wait_indirect_dma semaphore(%dma_wait3A_446 : memref<!tpu.dma_semaphore, #tpu.memory_space<semaphore_mem>>) src(%dma_wait3A_444 : memref<16096x1024xf32, #tpu.memory_space<hbm>>) dst(%arg8 : memref<24x1024xf32, #tpu.memory_space<vmem>>)
    %dma_start3A_447 = arith.constant 2 : i32
    %dma_start3A_448 = arith.constant 0 : i32
    %dma_start3A_449 = tpu.memref_slice %arg4[%min3A_63, %dma_start3A_448] : memref<16056x1024xf32, #tpu.memory_space<hbm>> -> memref<24x1024xf32, #tpu.memory_space<hbm>>
    %dma_start3A_450 = tpu.memref_slice %arg12[%dma_start3A_447] : memref<5x!tpu.dma_semaphore, #tpu.memory_space<semaphore_mem>> -> memref<1x!tpu.dma_semaphore, #tpu.memory_space<semaphore_mem>>
    %dma_start3A_451 = tpu.memref_squeeze %dma_start3A_450 : memref<1x!tpu.dma_semaphore, #tpu.memory_space<semaphore_mem>> -> memref<!tpu.dma_semaphore, #tpu.memory_space<semaphore_mem>>
    %dma_start3A_452 = arith.constant 0 : i32
    %dma_start3A_453 = tpu.memref_slice %arg4[%min3A_63, %dma_start3A_452] : memref<16056x1024xf32, #tpu.memory_space<hbm>> -> memref<24x1024xf32, #tpu.memory_space<hbm>>
    tpu.enqueue_dma source(%arg8 : memref<24x1024xf32, #tpu.memory_space<vmem>>) target(%dma_start3A_453 : memref<24x1024xf32, #tpu.memory_space<hbm>>) target_semaphore(%dma_start3A_451 : memref<!tpu.dma_semaphore, #tpu.memory_space<semaphore_mem>>)
    %dma_wait3A_454 = arith.constant 1 : i32
    %dma_wait3A_455 = arith.constant 0 : i32
    %dma_wait3A_456 = tpu.memref_slice %arg4[%min3A_55, %dma_wait3A_455] : memref<16056x1024xf32, #tpu.memory_space<hbm>> -> memref<24x1024xf32, #tpu.memory_space<hbm>>
    %dma_wait3A_457 = tpu.memref_slice %arg12[%dma_wait3A_454] : memref<5x!tpu.dma_semaphore, #tpu.memory_space<semaphore_mem>> -> memref<1x!tpu.dma_semaphore, #tpu.memory_space<semaphore_mem>>
    %dma_wait3A_458 = tpu.memref_squeeze %dma_wait3A_457 : memref<1x!tpu.dma_semaphore, #tpu.memory_space<semaphore_mem>> -> memref<!tpu.dma_semaphore, #tpu.memory_space<semaphore_mem>>
    %dma_wait3A_459 = arith.constant 0 : i32
    %dma_wait3A_460 = tpu.memref_slice %arg4[%min3A_55, %dma_wait3A_459] : memref<16056x1024xf32, #tpu.memory_space<hbm>> -> memref<24x1024xf32, #tpu.memory_space<hbm>>
    tpu.wait_dma2 semaphore(%dma_wait3A_458 : memref<!tpu.dma_semaphore, #tpu.memory_space<semaphore_mem>>) src(%arg7 : memref<24x1024xf32, #tpu.memory_space<vmem>>) dst(%dma_wait3A_460 : memref<24x1024xf32, #tpu.memory_space<hbm>>)
    %dma_start3A_461 = arith.constant 11 : i32
    %dma_start3A_462 = arith.constant 1 : i32
    %dma_start3A_463 = arith.constant 0 : i32
    %dma_start3A_464 = tpu.memref_slice %arg5[%dma_start3A_461, %dma_start3A_463] : memref<21x24xi32, #tpu.memory_space<vmem>> -> memref<1x24xi32, #tpu.memory_space<vmem>>
    %dma_start3A_465 = tpu.memref_squeeze %dma_start3A_464 : memref<1x24xi32, #tpu.memory_space<vmem>> -> memref<24xi32, #tpu.memory_space<vmem>>
    %dma_start3A_466 = arith.constant 0 : i32
    %dma_start3A_467 = arith.constant 0 : i32
    %dma_start3A_468 = tpu.memref_slice %arg3[%dma_start3A_466, %dma_start3A_467] : memref<16096x1024xf32, #tpu.memory_space<hbm>> -> memref<16096x1024xf32, #tpu.memory_space<hbm>>
    %dma_start3A_469 = tpu.memref_slice %arg11[%dma_start3A_462] : memref<5x!tpu.dma_semaphore, #tpu.memory_space<semaphore_mem>> -> memref<1x!tpu.dma_semaphore, #tpu.memory_space<semaphore_mem>>
    %dma_start3A_470 = tpu.memref_squeeze %dma_start3A_469 : memref<1x!tpu.dma_semaphore, #tpu.memory_space<semaphore_mem>> -> memref<!tpu.dma_semaphore, #tpu.memory_space<semaphore_mem>>
    tpu.enqueue_indirect_dma source(%dma_start3A_468 : memref<16096x1024xf32, #tpu.memory_space<hbm>>) target(%arg7 : memref<24x1024xf32, #tpu.memory_space<vmem>>) offsets(%dma_start3A_465 : memref<24xi32, #tpu.memory_space<vmem>>) semaphore(%dma_start3A_470 : memref<!tpu.dma_semaphore, #tpu.memory_space<semaphore_mem>>)
    %dma_wait3A_471 = arith.constant 8 : i32
    %dma_wait3A_472 = arith.constant 3 : i32
    %dma_wait3A_473 = arith.constant 0 : i32
    %dma_wait3A_474 = tpu.memref_slice %arg5[%dma_wait3A_471, %dma_wait3A_473] : memref<21x24xi32, #tpu.memory_space<vmem>> -> memref<1x24xi32, #tpu.memory_space<vmem>>
    %dma_wait3A_475 = tpu.memref_squeeze %dma_wait3A_474 : memref<1x24xi32, #tpu.memory_space<vmem>> -> memref<24xi32, #tpu.memory_space<vmem>>
    %dma_wait3A_476 = arith.constant 0 : i32
    %dma_wait3A_477 = arith.constant 0 : i32
    %dma_wait3A_478 = tpu.memref_slice %arg3[%dma_wait3A_476, %dma_wait3A_477] : memref<16096x1024xf32, #tpu.memory_space<hbm>> -> memref<16096x1024xf32, #tpu.memory_space<hbm>>
    %dma_wait3A_479 = tpu.memref_slice %arg11[%dma_wait3A_472] : memref<5x!tpu.dma_semaphore, #tpu.memory_space<semaphore_mem>> -> memref<1x!tpu.dma_semaphore, #tpu.memory_space<semaphore_mem>>
    %dma_wait3A_480 = tpu.memref_squeeze %dma_wait3A_479 : memref<1x!tpu.dma_semaphore, #tpu.memory_space<semaphore_mem>> -> memref<!tpu.dma_semaphore, #tpu.memory_space<semaphore_mem>>
    tpu.wait_indirect_dma semaphore(%dma_wait3A_480 : memref<!tpu.dma_semaphore, #tpu.memory_space<semaphore_mem>>) src(%dma_wait3A_478 : memref<16096x1024xf32, #tpu.memory_space<hbm>>) dst(%arg9 : memref<24x1024xf32, #tpu.memory_space<vmem>>)
    %dma_start3A_481 = arith.constant 3 : i32
    %dma_start3A_482 = arith.constant 0 : i32
    %dma_start3A_483 = tpu.memref_slice %arg4[%min3A_71, %dma_start3A_482] : memref<16056x1024xf32, #tpu.memory_space<hbm>> -> memref<24x1024xf32, #tpu.memory_space<hbm>>
    %dma_start3A_484 = tpu.memref_slice %arg12[%dma_start3A_481] : memref<5x!tpu.dma_semaphore, #tpu.memory_space<semaphore_mem>> -> memref<1x!tpu.dma_semaphore, #tpu.memory_space<semaphore_mem>>
    %dma_start3A_485 = tpu.memref_squeeze %dma_start3A_484 : memref<1x!tpu.dma_semaphore, #tpu.memory_space<semaphore_mem>> -> memref<!tpu.dma_semaphore, #tpu.memory_space<semaphore_mem>>
    %dma_start3A_486 = arith.constant 0 : i32
    %dma_start3A_487 = tpu.memref_slice %arg4[%min3A_71, %dma_start3A_486] : memref<16056x1024xf32, #tpu.memory_space<hbm>> -> memref<24x1024xf32, #tpu.memory_space<hbm>>
    tpu.enqueue_dma source(%arg9 : memref<24x1024xf32, #tpu.memory_space<vmem>>) target(%dma_start3A_487 : memref<24x1024xf32, #tpu.memory_space<hbm>>) target_semaphore(%dma_start3A_485 : memref<!tpu.dma_semaphore, #tpu.memory_space<semaphore_mem>>)
    %dma_wait3A_488 = arith.constant 2 : i32
    %dma_wait3A_489 = arith.constant 0 : i32
    %dma_wait3A_490 = tpu.memref_slice %arg4[%min3A_63, %dma_wait3A_489] : memref<16056x1024xf32, #tpu.memory_space<hbm>> -> memref<24x1024xf32, #tpu.memory_space<hbm>>
    %dma_wait3A_491 = tpu.memref_slice %arg12[%dma_wait3A_488] : memref<5x!tpu.dma_semaphore, #tpu.memory_space<semaphore_mem>> -> memref<1x!tpu.dma_semaphore, #tpu.memory_space<semaphore_mem>>
    %dma_wait3A_492 = tpu.memref_squeeze %dma_wait3A_491 : memref<1x!tpu.dma_semaphore, #tpu.memory_space<semaphore_mem>> -> memref<!tpu.dma_semaphore, #tpu.memory_space<semaphore_mem>>
    %dma_wait3A_493 = arith.constant 0 : i32
    %dma_wait3A_494 = tpu.memref_slice %arg4[%min3A_63, %dma_wait3A_493] : memref<16056x1024xf32, #tpu.memory_space<hbm>> -> memref<24x1024xf32, #tpu.memory_space<hbm>>
    tpu.wait_dma2 semaphore(%dma_wait3A_492 : memref<!tpu.dma_semaphore, #tpu.memory_space<semaphore_mem>>) src(%arg8 : memref<24x1024xf32, #tpu.memory_space<vmem>>) dst(%dma_wait3A_494 : memref<24x1024xf32, #tpu.memory_space<hbm>>)
    %dma_start3A_495 = arith.constant 12 : i32
    %dma_start3A_496 = arith.constant 2 : i32
    %dma_start3A_497 = arith.constant 0 : i32
    %dma_start3A_498 = tpu.memref_slice %arg5[%dma_start3A_495, %dma_start3A_497] : memref<21x24xi32, #tpu.memory_space<vmem>> -> memref<1x24xi32, #tpu.memory_space<vmem>>
    %dma_start3A_499 = tpu.memref_squeeze %dma_start3A_498 : memref<1x24xi32, #tpu.memory_space<vmem>> -> memref<24xi32, #tpu.memory_space<vmem>>
    %dma_start3A_500 = arith.constant 0 : i32
    %dma_start3A_501 = arith.constant 0 : i32
    %dma_start3A_502 = tpu.memref_slice %arg3[%dma_start3A_500, %dma_start3A_501] : memref<16096x1024xf32, #tpu.memory_space<hbm>> -> memref<16096x1024xf32, #tpu.memory_space<hbm>>
    %dma_start3A_503 = tpu.memref_slice %arg11[%dma_start3A_496] : memref<5x!tpu.dma_semaphore, #tpu.memory_space<semaphore_mem>> -> memref<1x!tpu.dma_semaphore, #tpu.memory_space<semaphore_mem>>
    %dma_start3A_504 = tpu.memref_squeeze %dma_start3A_503 : memref<1x!tpu.dma_semaphore, #tpu.memory_space<semaphore_mem>> -> memref<!tpu.dma_semaphore, #tpu.memory_space<semaphore_mem>>
    tpu.enqueue_indirect_dma source(%dma_start3A_502 : memref<16096x1024xf32, #tpu.memory_space<hbm>>) target(%arg8 : memref<24x1024xf32, #tpu.memory_space<vmem>>) offsets(%dma_start3A_499 : memref<24xi32, #tpu.memory_space<vmem>>) semaphore(%dma_start3A_504 : memref<!tpu.dma_semaphore, #tpu.memory_space<semaphore_mem>>)
    %dma_wait3A_505 = arith.constant 9 : i32
    %dma_wait3A_506 = arith.constant 4 : i32
    %dma_wait3A_507 = arith.constant 0 : i32
    %dma_wait3A_508 = tpu.memref_slice %arg5[%dma_wait3A_505, %dma_wait3A_507] : memref<21x24xi32, #tpu.memory_space<vmem>> -> memref<1x24xi32, #tpu.memory_space<vmem>>
    %dma_wait3A_509 = tpu.memref_squeeze %dma_wait3A_508 : memref<1x24xi32, #tpu.memory_space<vmem>> -> memref<24xi32, #tpu.memory_space<vmem>>
    %dma_wait3A_510 = arith.constant 0 : i32
    %dma_wait3A_511 = arith.constant 0 : i32
    %dma_wait3A_512 = tpu.memref_slice %arg3[%dma_wait3A_510, %dma_wait3A_511] : memref<16096x1024xf32, #tpu.memory_space<hbm>> -> memref<16096x1024xf32, #tpu.memory_space<hbm>>
    %dma_wait3A_513 = tpu.memref_slice %arg11[%dma_wait3A_506] : memref<5x!tpu.dma_semaphore, #tpu.memory_space<semaphore_mem>> -> memref<1x!tpu.dma_semaphore, #tpu.memory_space<semaphore_mem>>
    %dma_wait3A_514 = tpu.memref_squeeze %dma_wait3A_513 : memref<1x!tpu.dma_semaphore, #tpu.memory_space<semaphore_mem>> -> memref<!tpu.dma_semaphore, #tpu.memory_space<semaphore_mem>>
    tpu.wait_indirect_dma semaphore(%dma_wait3A_514 : memref<!tpu.dma_semaphore, #tpu.memory_space<semaphore_mem>>) src(%dma_wait3A_512 : memref<16096x1024xf32, #tpu.memory_space<hbm>>) dst(%arg10 : memref<24x1024xf32, #tpu.memory_space<vmem>>)
    %dma_start3A_515 = arith.constant 4 : i32
    %dma_start3A_516 = arith.constant 0 : i32
    %dma_start3A_517 = tpu.memref_slice %arg4[%min3A_79, %dma_start3A_516] : memref<16056x1024xf32, #tpu.memory_space<hbm>> -> memref<24x1024xf32, #tpu.memory_space<hbm>>
    %dma_start3A_518 = tpu.memref_slice %arg12[%dma_start3A_515] : memref<5x!tpu.dma_semaphore, #tpu.memory_space<semaphore_mem>> -> memref<1x!tpu.dma_semaphore, #tpu.memory_space<semaphore_mem>>
    %dma_start3A_519 = tpu.memref_squeeze %dma_start3A_518 : memref<1x!tpu.dma_semaphore, #tpu.memory_space<semaphore_mem>> -> memref<!tpu.dma_semaphore, #tpu.memory_space<semaphore_mem>>
    %dma_start3A_520 = arith.constant 0 : i32
    %dma_start3A_521 = tpu.memref_slice %arg4[%min3A_79, %dma_start3A_520] : memref<16056x1024xf32, #tpu.memory_space<hbm>> -> memref<24x1024xf32, #tpu.memory_space<hbm>>
    tpu.enqueue_dma source(%arg10 : memref<24x1024xf32, #tpu.memory_space<vmem>>) target(%dma_start3A_521 : memref<24x1024xf32, #tpu.memory_space<hbm>>) target_semaphore(%dma_start3A_519 : memref<!tpu.dma_semaphore, #tpu.memory_space<semaphore_mem>>)
    %dma_wait3A_522 = arith.constant 3 : i32
    %dma_wait3A_523 = arith.constant 0 : i32
    %dma_wait3A_524 = tpu.memref_slice %arg4[%min3A_71, %dma_wait3A_523] : memref<16056x1024xf32, #tpu.memory_space<hbm>> -> memref<24x1024xf32, #tpu.memory_space<hbm>>
    %dma_wait3A_525 = tpu.memref_slice %arg12[%dma_wait3A_522] : memref<5x!tpu.dma_semaphore, #tpu.memory_space<semaphore_mem>> -> memref<1x!tpu.dma_semaphore, #tpu.memory_space<semaphore_mem>>
    %dma_wait3A_526 = tpu.memref_squeeze %dma_wait3A_525 : memref<1x!tpu.dma_semaphore, #tpu.memory_space<semaphore_mem>> -> memref<!tpu.dma_semaphore, #tpu.memory_space<semaphore_mem>>
    %dma_wait3A_527 = arith.constant 0 : i32
    %dma_wait3A_528 = tpu.memref_slice %arg4[%min3A_71, %dma_wait3A_527] : memref<16056x1024xf32, #tpu.memory_space<hbm>> -> memref<24x1024xf32, #tpu.memory_space<hbm>>
    tpu.wait_dma2 semaphore(%dma_wait3A_526 : memref<!tpu.dma_semaphore, #tpu.memory_space<semaphore_mem>>) src(%arg9 : memref<24x1024xf32, #tpu.memory_space<vmem>>) dst(%dma_wait3A_528 : memref<24x1024xf32, #tpu.memory_space<hbm>>)
    %dma_start3A_529 = arith.constant 13 : i32
    %dma_start3A_530 = arith.constant 3 : i32
    %dma_start3A_531 = arith.constant 0 : i32
    %dma_start3A_532 = tpu.memref_slice %arg5[%dma_start3A_529, %dma_start3A_531] : memref<21x24xi32, #tpu.memory_space<vmem>> -> memref<1x24xi32, #tpu.memory_space<vmem>>
    %dma_start3A_533 = tpu.memref_squeeze %dma_start3A_532 : memref<1x24xi32, #tpu.memory_space<vmem>> -> memref<24xi32, #tpu.memory_space<vmem>>
    %dma_start3A_534 = arith.constant 0 : i32
    %dma_start3A_535 = arith.constant 0 : i32
    %dma_start3A_536 = tpu.memref_slice %arg3[%dma_start3A_534, %dma_start3A_535] : memref<16096x1024xf32, #tpu.memory_space<hbm>> -> memref<16096x1024xf32, #tpu.memory_space<hbm>>
    %dma_start3A_537 = tpu.memref_slice %arg11[%dma_start3A_530] : memref<5x!tpu.dma_semaphore, #tpu.memory_space<semaphore_mem>> -> memref<1x!tpu.dma_semaphore, #tpu.memory_space<semaphore_mem>>
    %dma_start3A_538 = tpu.memref_squeeze %dma_start3A_537 : memref<1x!tpu.dma_semaphore, #tpu.memory_space<semaphore_mem>> -> memref<!tpu.dma_semaphore, #tpu.memory_space<semaphore_mem>>
    tpu.enqueue_indirect_dma source(%dma_start3A_536 : memref<16096x1024xf32, #tpu.memory_space<hbm>>) target(%arg9 : memref<24x1024xf32, #tpu.memory_space<vmem>>) offsets(%dma_start3A_533 : memref<24xi32, #tpu.memory_space<vmem>>) semaphore(%dma_start3A_538 : memref<!tpu.dma_semaphore, #tpu.memory_space<semaphore_mem>>)
    %dma_wait3A_539 = arith.constant 10 : i32
    %dma_wait3A_540 = arith.constant 0 : i32
    %dma_wait3A_541 = arith.constant 0 : i32
    %dma_wait3A_542 = tpu.memref_slice %arg5[%dma_wait3A_539, %dma_wait3A_541] : memref<21x24xi32, #tpu.memory_space<vmem>> -> memref<1x24xi32, #tpu.memory_space<vmem>>
    %dma_wait3A_543 = tpu.memref_squeeze %dma_wait3A_542 : memref<1x24xi32, #tpu.memory_space<vmem>> -> memref<24xi32, #tpu.memory_space<vmem>>
    %dma_wait3A_544 = arith.constant 0 : i32
    %dma_wait3A_545 = arith.constant 0 : i32
    %dma_wait3A_546 = tpu.memref_slice %arg3[%dma_wait3A_544, %dma_wait3A_545] : memref<16096x1024xf32, #tpu.memory_space<hbm>> -> memref<16096x1024xf32, #tpu.memory_space<hbm>>
    %dma_wait3A_547 = tpu.memref_slice %arg11[%dma_wait3A_540] : memref<5x!tpu.dma_semaphore, #tpu.memory_space<semaphore_mem>> -> memref<1x!tpu.dma_semaphore, #tpu.memory_space<semaphore_mem>>
    %dma_wait3A_548 = tpu.memref_squeeze %dma_wait3A_547 : memref<1x!tpu.dma_semaphore, #tpu.memory_space<semaphore_mem>> -> memref<!tpu.dma_semaphore, #tpu.memory_space<semaphore_mem>>
    tpu.wait_indirect_dma semaphore(%dma_wait3A_548 : memref<!tpu.dma_semaphore, #tpu.memory_space<semaphore_mem>>) src(%dma_wait3A_546 : memref<16096x1024xf32, #tpu.memory_space<hbm>>) dst(%arg6 : memref<24x1024xf32, #tpu.memory_space<vmem>>)
    %dma_start3A_549 = arith.constant 0 : i32
    %dma_start3A_550 = arith.constant 0 : i32
    %dma_start3A_551 = tpu.memref_slice %arg4[%min3A_87, %dma_start3A_550] : memref<16056x1024xf32, #tpu.memory_space<hbm>> -> memref<24x1024xf32, #tpu.memory_space<hbm>>
    %dma_start3A_552 = tpu.memref_slice %arg12[%dma_start3A_549] : memref<5x!tpu.dma_semaphore, #tpu.memory_space<semaphore_mem>> -> memref<1x!tpu.dma_semaphore, #tpu.memory_space<semaphore_mem>>
    %dma_start3A_553 = tpu.memref_squeeze %dma_start3A_552 : memref<1x!tpu.dma_semaphore, #tpu.memory_space<semaphore_mem>> -> memref<!tpu.dma_semaphore, #tpu.memory_space<semaphore_mem>>
    %dma_start3A_554 = arith.constant 0 : i32
    %dma_start3A_555 = tpu.memref_slice %arg4[%min3A_87, %dma_start3A_554] : memref<16056x1024xf32, #tpu.memory_space<hbm>> -> memref<24x1024xf32, #tpu.memory_space<hbm>>
    tpu.enqueue_dma source(%arg6 : memref<24x1024xf32, #tpu.memory_space<vmem>>) target(%dma_start3A_555 : memref<24x1024xf32, #tpu.memory_space<hbm>>) target_semaphore(%dma_start3A_553 : memref<!tpu.dma_semaphore, #tpu.memory_space<semaphore_mem>>)
    %dma_wait3A_556 = arith.constant 4 : i32
    %dma_wait3A_557 = arith.constant 0 : i32
    %dma_wait3A_558 = tpu.memref_slice %arg4[%min3A_79, %dma_wait3A_557] : memref<16056x1024xf32, #tpu.memory_space<hbm>> -> memref<24x1024xf32, #tpu.memory_space<hbm>>
    %dma_wait3A_559 = tpu.memref_slice %arg12[%dma_wait3A_556] : memref<5x!tpu.dma_semaphore, #tpu.memory_space<semaphore_mem>> -> memref<1x!tpu.dma_semaphore, #tpu.memory_space<semaphore_mem>>
    %dma_wait3A_560 = tpu.memref_squeeze %dma_wait3A_559 : memref<1x!tpu.dma_semaphore, #tpu.memory_space<semaphore_mem>> -> memref<!tpu.dma_semaphore, #tpu.memory_space<semaphore_mem>>
    %dma_wait3A_561 = arith.constant 0 : i32
    %dma_wait3A_562 = tpu.memref_slice %arg4[%min3A_79, %dma_wait3A_561] : memref<16056x1024xf32, #tpu.memory_space<hbm>> -> memref<24x1024xf32, #tpu.memory_space<hbm>>
    tpu.wait_dma2 semaphore(%dma_wait3A_560 : memref<!tpu.dma_semaphore, #tpu.memory_space<semaphore_mem>>) src(%arg10 : memref<24x1024xf32, #tpu.memory_space<vmem>>) dst(%dma_wait3A_562 : memref<24x1024xf32, #tpu.memory_space<hbm>>)
    %dma_start3A_563 = arith.constant 14 : i32
    %dma_start3A_564 = arith.constant 4 : i32
    %dma_start3A_565 = arith.constant 0 : i32
    %dma_start3A_566 = tpu.memref_slice %arg5[%dma_start3A_563, %dma_start3A_565] : memref<21x24xi32, #tpu.memory_space<vmem>> -> memref<1x24xi32, #tpu.memory_space<vmem>>
    %dma_start3A_567 = tpu.memref_squeeze %dma_start3A_566 : memref<1x24xi32, #tpu.memory_space<vmem>> -> memref<24xi32, #tpu.memory_space<vmem>>
    %dma_start3A_568 = arith.constant 0 : i32
    %dma_start3A_569 = arith.constant 0 : i32
    %dma_start3A_570 = tpu.memref_slice %arg3[%dma_start3A_568, %dma_start3A_569] : memref<16096x1024xf32, #tpu.memory_space<hbm>> -> memref<16096x1024xf32, #tpu.memory_space<hbm>>
    %dma_start3A_571 = tpu.memref_slice %arg11[%dma_start3A_564] : memref<5x!tpu.dma_semaphore, #tpu.memory_space<semaphore_mem>> -> memref<1x!tpu.dma_semaphore, #tpu.memory_space<semaphore_mem>>
    %dma_start3A_572 = tpu.memref_squeeze %dma_start3A_571 : memref<1x!tpu.dma_semaphore, #tpu.memory_space<semaphore_mem>> -> memref<!tpu.dma_semaphore, #tpu.memory_space<semaphore_mem>>
    tpu.enqueue_indirect_dma source(%dma_start3A_570 : memref<16096x1024xf32, #tpu.memory_space<hbm>>) target(%arg10 : memref<24x1024xf32, #tpu.memory_space<vmem>>) offsets(%dma_start3A_567 : memref<24xi32, #tpu.memory_space<vmem>>) semaphore(%dma_start3A_572 : memref<!tpu.dma_semaphore, #tpu.memory_space<semaphore_mem>>)
    %dma_wait3A_573 = arith.constant 11 : i32
    %dma_wait3A_574 = arith.constant 1 : i32
    %dma_wait3A_575 = arith.constant 0 : i32
    %dma_wait3A_576 = tpu.memref_slice %arg5[%dma_wait3A_573, %dma_wait3A_575] : memref<21x24xi32, #tpu.memory_space<vmem>> -> memref<1x24xi32, #tpu.memory_space<vmem>>
    %dma_wait3A_577 = tpu.memref_squeeze %dma_wait3A_576 : memref<1x24xi32, #tpu.memory_space<vmem>> -> memref<24xi32, #tpu.memory_space<vmem>>
    %dma_wait3A_578 = arith.constant 0 : i32
    %dma_wait3A_579 = arith.constant 0 : i32
    %dma_wait3A_580 = tpu.memref_slice %arg3[%dma_wait3A_578, %dma_wait3A_579] : memref<16096x1024xf32, #tpu.memory_space<hbm>> -> memref<16096x1024xf32, #tpu.memory_space<hbm>>
    %dma_wait3A_581 = tpu.memref_slice %arg11[%dma_wait3A_574] : memref<5x!tpu.dma_semaphore, #tpu.memory_space<semaphore_mem>> -> memref<1x!tpu.dma_semaphore, #tpu.memory_space<semaphore_mem>>
    %dma_wait3A_582 = tpu.memref_squeeze %dma_wait3A_581 : memref<1x!tpu.dma_semaphore, #tpu.memory_space<semaphore_mem>> -> memref<!tpu.dma_semaphore, #tpu.memory_space<semaphore_mem>>
    tpu.wait_indirect_dma semaphore(%dma_wait3A_582 : memref<!tpu.dma_semaphore, #tpu.memory_space<semaphore_mem>>) src(%dma_wait3A_580 : memref<16096x1024xf32, #tpu.memory_space<hbm>>) dst(%arg7 : memref<24x1024xf32, #tpu.memory_space<vmem>>)
    %dma_start3A_583 = arith.constant 1 : i32
    %dma_start3A_584 = arith.constant 0 : i32
    %dma_start3A_585 = tpu.memref_slice %arg4[%min3A_95, %dma_start3A_584] : memref<16056x1024xf32, #tpu.memory_space<hbm>> -> memref<24x1024xf32, #tpu.memory_space<hbm>>
    %dma_start3A_586 = tpu.memref_slice %arg12[%dma_start3A_583] : memref<5x!tpu.dma_semaphore, #tpu.memory_space<semaphore_mem>> -> memref<1x!tpu.dma_semaphore, #tpu.memory_space<semaphore_mem>>
    %dma_start3A_587 = tpu.memref_squeeze %dma_start3A_586 : memref<1x!tpu.dma_semaphore, #tpu.memory_space<semaphore_mem>> -> memref<!tpu.dma_semaphore, #tpu.memory_space<semaphore_mem>>
    %dma_start3A_588 = arith.constant 0 : i32
    %dma_start3A_589 = tpu.memref_slice %arg4[%min3A_95, %dma_start3A_588] : memref<16056x1024xf32, #tpu.memory_space<hbm>> -> memref<24x1024xf32, #tpu.memory_space<hbm>>
    tpu.enqueue_dma source(%arg7 : memref<24x1024xf32, #tpu.memory_space<vmem>>) target(%dma_start3A_589 : memref<24x1024xf32, #tpu.memory_space<hbm>>) target_semaphore(%dma_start3A_587 : memref<!tpu.dma_semaphore, #tpu.memory_space<semaphore_mem>>)
    %dma_wait3A_590 = arith.constant 0 : i32
    %dma_wait3A_591 = arith.constant 0 : i32
    %dma_wait3A_592 = tpu.memref_slice %arg4[%min3A_87, %dma_wait3A_591] : memref<16056x1024xf32, #tpu.memory_space<hbm>> -> memref<24x1024xf32, #tpu.memory_space<hbm>>
    %dma_wait3A_593 = tpu.memref_slice %arg12[%dma_wait3A_590] : memref<5x!tpu.dma_semaphore, #tpu.memory_space<semaphore_mem>> -> memref<1x!tpu.dma_semaphore, #tpu.memory_space<semaphore_mem>>
    %dma_wait3A_594 = tpu.memref_squeeze %dma_wait3A_593 : memref<1x!tpu.dma_semaphore, #tpu.memory_space<semaphore_mem>> -> memref<!tpu.dma_semaphore, #tpu.memory_space<semaphore_mem>>
    %dma_wait3A_595 = arith.constant 0 : i32
    %dma_wait3A_596 = tpu.memref_slice %arg4[%min3A_87, %dma_wait3A_595] : memref<16056x1024xf32, #tpu.memory_space<hbm>> -> memref<24x1024xf32, #tpu.memory_space<hbm>>
    tpu.wait_dma2 semaphore(%dma_wait3A_594 : memref<!tpu.dma_semaphore, #tpu.memory_space<semaphore_mem>>) src(%arg6 : memref<24x1024xf32, #tpu.memory_space<vmem>>) dst(%dma_wait3A_596 : memref<24x1024xf32, #tpu.memory_space<hbm>>)
    %dma_start3A_597 = arith.constant 15 : i32
    %dma_start3A_598 = arith.constant 0 : i32
    %dma_start3A_599 = arith.constant 0 : i32
    %dma_start3A_600 = tpu.memref_slice %arg5[%dma_start3A_597, %dma_start3A_599] : memref<21x24xi32, #tpu.memory_space<vmem>> -> memref<1x24xi32, #tpu.memory_space<vmem>>
    %dma_start3A_601 = tpu.memref_squeeze %dma_start3A_600 : memref<1x24xi32, #tpu.memory_space<vmem>> -> memref<24xi32, #tpu.memory_space<vmem>>
    %dma_start3A_602 = arith.constant 0 : i32
    %dma_start3A_603 = arith.constant 0 : i32
    %dma_start3A_604 = tpu.memref_slice %arg3[%dma_start3A_602, %dma_start3A_603] : memref<16096x1024xf32, #tpu.memory_space<hbm>> -> memref<16096x1024xf32, #tpu.memory_space<hbm>>
    %dma_start3A_605 = tpu.memref_slice %arg11[%dma_start3A_598] : memref<5x!tpu.dma_semaphore, #tpu.memory_space<semaphore_mem>> -> memref<1x!tpu.dma_semaphore, #tpu.memory_space<semaphore_mem>>
    %dma_start3A_606 = tpu.memref_squeeze %dma_start3A_605 : memref<1x!tpu.dma_semaphore, #tpu.memory_space<semaphore_mem>> -> memref<!tpu.dma_semaphore, #tpu.memory_space<semaphore_mem>>
    tpu.enqueue_indirect_dma source(%dma_start3A_604 : memref<16096x1024xf32, #tpu.memory_space<hbm>>) target(%arg6 : memref<24x1024xf32, #tpu.memory_space<vmem>>) offsets(%dma_start3A_601 : memref<24xi32, #tpu.memory_space<vmem>>) semaphore(%dma_start3A_606 : memref<!tpu.dma_semaphore, #tpu.memory_space<semaphore_mem>>)
    %dma_wait3A_607 = arith.constant 12 : i32
    %dma_wait3A_608 = arith.constant 2 : i32
    %dma_wait3A_609 = arith.constant 0 : i32
    %dma_wait3A_610 = tpu.memref_slice %arg5[%dma_wait3A_607, %dma_wait3A_609] : memref<21x24xi32, #tpu.memory_space<vmem>> -> memref<1x24xi32, #tpu.memory_space<vmem>>
    %dma_wait3A_611 = tpu.memref_squeeze %dma_wait3A_610 : memref<1x24xi32, #tpu.memory_space<vmem>> -> memref<24xi32, #tpu.memory_space<vmem>>
    %dma_wait3A_612 = arith.constant 0 : i32
    %dma_wait3A_613 = arith.constant 0 : i32
    %dma_wait3A_614 = tpu.memref_slice %arg3[%dma_wait3A_612, %dma_wait3A_613] : memref<16096x1024xf32, #tpu.memory_space<hbm>> -> memref<16096x1024xf32, #tpu.memory_space<hbm>>
    %dma_wait3A_615 = tpu.memref_slice %arg11[%dma_wait3A_608] : memref<5x!tpu.dma_semaphore, #tpu.memory_space<semaphore_mem>> -> memref<1x!tpu.dma_semaphore, #tpu.memory_space<semaphore_mem>>
    %dma_wait3A_616 = tpu.memref_squeeze %dma_wait3A_615 : memref<1x!tpu.dma_semaphore, #tpu.memory_space<semaphore_mem>> -> memref<!tpu.dma_semaphore, #tpu.memory_space<semaphore_mem>>
    tpu.wait_indirect_dma semaphore(%dma_wait3A_616 : memref<!tpu.dma_semaphore, #tpu.memory_space<semaphore_mem>>) src(%dma_wait3A_614 : memref<16096x1024xf32, #tpu.memory_space<hbm>>) dst(%arg8 : memref<24x1024xf32, #tpu.memory_space<vmem>>)
    %dma_start3A_617 = arith.constant 2 : i32
    %dma_start3A_618 = arith.constant 0 : i32
    %dma_start3A_619 = tpu.memref_slice %arg4[%min3A_103, %dma_start3A_618] : memref<16056x1024xf32, #tpu.memory_space<hbm>> -> memref<24x1024xf32, #tpu.memory_space<hbm>>
    %dma_start3A_620 = tpu.memref_slice %arg12[%dma_start3A_617] : memref<5x!tpu.dma_semaphore, #tpu.memory_space<semaphore_mem>> -> memref<1x!tpu.dma_semaphore, #tpu.memory_space<semaphore_mem>>
    %dma_start3A_621 = tpu.memref_squeeze %dma_start3A_620 : memref<1x!tpu.dma_semaphore, #tpu.memory_space<semaphore_mem>> -> memref<!tpu.dma_semaphore, #tpu.memory_space<semaphore_mem>>
    %dma_start3A_622 = arith.constant 0 : i32
    %dma_start3A_623 = tpu.memref_slice %arg4[%min3A_103, %dma_start3A_622] : memref<16056x1024xf32, #tpu.memory_space<hbm>> -> memref<24x1024xf32, #tpu.memory_space<hbm>>
    tpu.enqueue_dma source(%arg8 : memref<24x1024xf32, #tpu.memory_space<vmem>>) target(%dma_start3A_623 : memref<24x1024xf32, #tpu.memory_space<hbm>>) target_semaphore(%dma_start3A_621 : memref<!tpu.dma_semaphore, #tpu.memory_space<semaphore_mem>>)
    %dma_wait3A_624 = arith.constant 1 : i32
    %dma_wait3A_625 = arith.constant 0 : i32
    %dma_wait3A_626 = tpu.memref_slice %arg4[%min3A_95, %dma_wait3A_625] : memref<16056x1024xf32, #tpu.memory_space<hbm>> -> memref<24x1024xf32, #tpu.memory_space<hbm>>
    %dma_wait3A_627 = tpu.memref_slice %arg12[%dma_wait3A_624] : memref<5x!tpu.dma_semaphore, #tpu.memory_space<semaphore_mem>> -> memref<1x!tpu.dma_semaphore, #tpu.memory_space<semaphore_mem>>
    %dma_wait3A_628 = tpu.memref_squeeze %dma_wait3A_627 : memref<1x!tpu.dma_semaphore, #tpu.memory_space<semaphore_mem>> -> memref<!tpu.dma_semaphore, #tpu.memory_space<semaphore_mem>>
    %dma_wait3A_629 = arith.constant 0 : i32
    %dma_wait3A_630 = tpu.memref_slice %arg4[%min3A_95, %dma_wait3A_629] : memref<16056x1024xf32, #tpu.memory_space<hbm>> -> memref<24x1024xf32, #tpu.memory_space<hbm>>
    tpu.wait_dma2 semaphore(%dma_wait3A_628 : memref<!tpu.dma_semaphore, #tpu.memory_space<semaphore_mem>>) src(%arg7 : memref<24x1024xf32, #tpu.memory_space<vmem>>) dst(%dma_wait3A_630 : memref<24x1024xf32, #tpu.memory_space<hbm>>)
    %dma_start3A_631 = arith.constant 16 : i32
    %dma_start3A_632 = arith.constant 1 : i32
    %dma_start3A_633 = arith.constant 0 : i32
    %dma_start3A_634 = tpu.memref_slice %arg5[%dma_start3A_631, %dma_start3A_633] : memref<21x24xi32, #tpu.memory_space<vmem>> -> memref<1x24xi32, #tpu.memory_space<vmem>>
    %dma_start3A_635 = tpu.memref_squeeze %dma_start3A_634 : memref<1x24xi32, #tpu.memory_space<vmem>> -> memref<24xi32, #tpu.memory_space<vmem>>
    %dma_start3A_636 = arith.constant 0 : i32
    %dma_start3A_637 = arith.constant 0 : i32
    %dma_start3A_638 = tpu.memref_slice %arg3[%dma_start3A_636, %dma_start3A_637] : memref<16096x1024xf32, #tpu.memory_space<hbm>> -> memref<16096x1024xf32, #tpu.memory_space<hbm>>
    %dma_start3A_639 = tpu.memref_slice %arg11[%dma_start3A_632] : memref<5x!tpu.dma_semaphore, #tpu.memory_space<semaphore_mem>> -> memref<1x!tpu.dma_semaphore, #tpu.memory_space<semaphore_mem>>
    %dma_start3A_640 = tpu.memref_squeeze %dma_start3A_639 : memref<1x!tpu.dma_semaphore, #tpu.memory_space<semaphore_mem>> -> memref<!tpu.dma_semaphore, #tpu.memory_space<semaphore_mem>>
    tpu.enqueue_indirect_dma source(%dma_start3A_638 : memref<16096x1024xf32, #tpu.memory_space<hbm>>) target(%arg7 : memref<24x1024xf32, #tpu.memory_space<vmem>>) offsets(%dma_start3A_635 : memref<24xi32, #tpu.memory_space<vmem>>) semaphore(%dma_start3A_640 : memref<!tpu.dma_semaphore, #tpu.memory_space<semaphore_mem>>)
    %dma_wait3A_641 = arith.constant 13 : i32
    %dma_wait3A_642 = arith.constant 3 : i32
    %dma_wait3A_643 = arith.constant 0 : i32
    %dma_wait3A_644 = tpu.memref_slice %arg5[%dma_wait3A_641, %dma_wait3A_643] : memref<21x24xi32, #tpu.memory_space<vmem>> -> memref<1x24xi32, #tpu.memory_space<vmem>>
    %dma_wait3A_645 = tpu.memref_squeeze %dma_wait3A_644 : memref<1x24xi32, #tpu.memory_space<vmem>> -> memref<24xi32, #tpu.memory_space<vmem>>
    %dma_wait3A_646 = arith.constant 0 : i32
    %dma_wait3A_647 = arith.constant 0 : i32
    %dma_wait3A_648 = tpu.memref_slice %arg3[%dma_wait3A_646, %dma_wait3A_647] : memref<16096x1024xf32, #tpu.memory_space<hbm>> -> memref<16096x1024xf32, #tpu.memory_space<hbm>>
    %dma_wait3A_649 = tpu.memref_slice %arg11[%dma_wait3A_642] : memref<5x!tpu.dma_semaphore, #tpu.memory_space<semaphore_mem>> -> memref<1x!tpu.dma_semaphore, #tpu.memory_space<semaphore_mem>>
    %dma_wait3A_650 = tpu.memref_squeeze %dma_wait3A_649 : memref<1x!tpu.dma_semaphore, #tpu.memory_space<semaphore_mem>> -> memref<!tpu.dma_semaphore, #tpu.memory_space<semaphore_mem>>
    tpu.wait_indirect_dma semaphore(%dma_wait3A_650 : memref<!tpu.dma_semaphore, #tpu.memory_space<semaphore_mem>>) src(%dma_wait3A_648 : memref<16096x1024xf32, #tpu.memory_space<hbm>>) dst(%arg9 : memref<24x1024xf32, #tpu.memory_space<vmem>>)
    %dma_start3A_651 = arith.constant 3 : i32
    %dma_start3A_652 = arith.constant 0 : i32
    %dma_start3A_653 = tpu.memref_slice %arg4[%min3A_111, %dma_start3A_652] : memref<16056x1024xf32, #tpu.memory_space<hbm>> -> memref<24x1024xf32, #tpu.memory_space<hbm>>
    %dma_start3A_654 = tpu.memref_slice %arg12[%dma_start3A_651] : memref<5x!tpu.dma_semaphore, #tpu.memory_space<semaphore_mem>> -> memref<1x!tpu.dma_semaphore, #tpu.memory_space<semaphore_mem>>
    %dma_start3A_655 = tpu.memref_squeeze %dma_start3A_654 : memref<1x!tpu.dma_semaphore, #tpu.memory_space<semaphore_mem>> -> memref<!tpu.dma_semaphore, #tpu.memory_space<semaphore_mem>>
    %dma_start3A_656 = arith.constant 0 : i32
    %dma_start3A_657 = tpu.memref_slice %arg4[%min3A_111, %dma_start3A_656] : memref<16056x1024xf32, #tpu.memory_space<hbm>> -> memref<24x1024xf32, #tpu.memory_space<hbm>>
    tpu.enqueue_dma source(%arg9 : memref<24x1024xf32, #tpu.memory_space<vmem>>) target(%dma_start3A_657 : memref<24x1024xf32, #tpu.memory_space<hbm>>) target_semaphore(%dma_start3A_655 : memref<!tpu.dma_semaphore, #tpu.memory_space<semaphore_mem>>)
    %dma_wait3A_658 = arith.constant 2 : i32
    %dma_wait3A_659 = arith.constant 0 : i32
    %dma_wait3A_660 = tpu.memref_slice %arg4[%min3A_103, %dma_wait3A_659] : memref<16056x1024xf32, #tpu.memory_space<hbm>> -> memref<24x1024xf32, #tpu.memory_space<hbm>>
    %dma_wait3A_661 = tpu.memref_slice %arg12[%dma_wait3A_658] : memref<5x!tpu.dma_semaphore, #tpu.memory_space<semaphore_mem>> -> memref<1x!tpu.dma_semaphore, #tpu.memory_space<semaphore_mem>>
    %dma_wait3A_662 = tpu.memref_squeeze %dma_wait3A_661 : memref<1x!tpu.dma_semaphore, #tpu.memory_space<semaphore_mem>> -> memref<!tpu.dma_semaphore, #tpu.memory_space<semaphore_mem>>
    %dma_wait3A_663 = arith.constant 0 : i32
    %dma_wait3A_664 = tpu.memref_slice %arg4[%min3A_103, %dma_wait3A_663] : memref<16056x1024xf32, #tpu.memory_space<hbm>> -> memref<24x1024xf32, #tpu.memory_space<hbm>>
    tpu.wait_dma2 semaphore(%dma_wait3A_662 : memref<!tpu.dma_semaphore, #tpu.memory_space<semaphore_mem>>) src(%arg8 : memref<24x1024xf32, #tpu.memory_space<vmem>>) dst(%dma_wait3A_664 : memref<24x1024xf32, #tpu.memory_space<hbm>>)
    %dma_start3A_665 = arith.constant 17 : i32
    %dma_start3A_666 = arith.constant 2 : i32
    %dma_start3A_667 = arith.constant 0 : i32
    %dma_start3A_668 = tpu.memref_slice %arg5[%dma_start3A_665, %dma_start3A_667] : memref<21x24xi32, #tpu.memory_space<vmem>> -> memref<1x24xi32, #tpu.memory_space<vmem>>
    %dma_start3A_669 = tpu.memref_squeeze %dma_start3A_668 : memref<1x24xi32, #tpu.memory_space<vmem>> -> memref<24xi32, #tpu.memory_space<vmem>>
    %dma_start3A_670 = arith.constant 0 : i32
    %dma_start3A_671 = arith.constant 0 : i32
    %dma_start3A_672 = tpu.memref_slice %arg3[%dma_start3A_670, %dma_start3A_671] : memref<16096x1024xf32, #tpu.memory_space<hbm>> -> memref<16096x1024xf32, #tpu.memory_space<hbm>>
    %dma_start3A_673 = tpu.memref_slice %arg11[%dma_start3A_666] : memref<5x!tpu.dma_semaphore, #tpu.memory_space<semaphore_mem>> -> memref<1x!tpu.dma_semaphore, #tpu.memory_space<semaphore_mem>>
    %dma_start3A_674 = tpu.memref_squeeze %dma_start3A_673 : memref<1x!tpu.dma_semaphore, #tpu.memory_space<semaphore_mem>> -> memref<!tpu.dma_semaphore, #tpu.memory_space<semaphore_mem>>
    tpu.enqueue_indirect_dma source(%dma_start3A_672 : memref<16096x1024xf32, #tpu.memory_space<hbm>>) target(%arg8 : memref<24x1024xf32, #tpu.memory_space<vmem>>) offsets(%dma_start3A_669 : memref<24xi32, #tpu.memory_space<vmem>>) semaphore(%dma_start3A_674 : memref<!tpu.dma_semaphore, #tpu.memory_space<semaphore_mem>>)
    %dma_wait3A_675 = arith.constant 14 : i32
    %dma_wait3A_676 = arith.constant 4 : i32
    %dma_wait3A_677 = arith.constant 0 : i32
    %dma_wait3A_678 = tpu.memref_slice %arg5[%dma_wait3A_675, %dma_wait3A_677] : memref<21x24xi32, #tpu.memory_space<vmem>> -> memref<1x24xi32, #tpu.memory_space<vmem>>
    %dma_wait3A_679 = tpu.memref_squeeze %dma_wait3A_678 : memref<1x24xi32, #tpu.memory_space<vmem>> -> memref<24xi32, #tpu.memory_space<vmem>>
    %dma_wait3A_680 = arith.constant 0 : i32
    %dma_wait3A_681 = arith.constant 0 : i32
    %dma_wait3A_682 = tpu.memref_slice %arg3[%dma_wait3A_680, %dma_wait3A_681] : memref<16096x1024xf32, #tpu.memory_space<hbm>> -> memref<16096x1024xf32, #tpu.memory_space<hbm>>
    %dma_wait3A_683 = tpu.memref_slice %arg11[%dma_wait3A_676] : memref<5x!tpu.dma_semaphore, #tpu.memory_space<semaphore_mem>> -> memref<1x!tpu.dma_semaphore, #tpu.memory_space<semaphore_mem>>
    %dma_wait3A_684 = tpu.memref_squeeze %dma_wait3A_683 : memref<1x!tpu.dma_semaphore, #tpu.memory_space<semaphore_mem>> -> memref<!tpu.dma_semaphore, #tpu.memory_space<semaphore_mem>>
    tpu.wait_indirect_dma semaphore(%dma_wait3A_684 : memref<!tpu.dma_semaphore, #tpu.memory_space<semaphore_mem>>) src(%dma_wait3A_682 : memref<16096x1024xf32, #tpu.memory_space<hbm>>) dst(%arg10 : memref<24x1024xf32, #tpu.memory_space<vmem>>)
    %dma_start3A_685 = arith.constant 4 : i32
    %dma_start3A_686 = arith.constant 0 : i32
    %dma_start3A_687 = tpu.memref_slice %arg4[%min3A_119, %dma_start3A_686] : memref<16056x1024xf32, #tpu.memory_space<hbm>> -> memref<24x1024xf32, #tpu.memory_space<hbm>>
    %dma_start3A_688 = tpu.memref_slice %arg12[%dma_start3A_685] : memref<5x!tpu.dma_semaphore, #tpu.memory_space<semaphore_mem>> -> memref<1x!tpu.dma_semaphore, #tpu.memory_space<semaphore_mem>>
    %dma_start3A_689 = tpu.memref_squeeze %dma_start3A_688 : memref<1x!tpu.dma_semaphore, #tpu.memory_space<semaphore_mem>> -> memref<!tpu.dma_semaphore, #tpu.memory_space<semaphore_mem>>
    %dma_start3A_690 = arith.constant 0 : i32
    %dma_start3A_691 = tpu.memref_slice %arg4[%min3A_119, %dma_start3A_690] : memref<16056x1024xf32, #tpu.memory_space<hbm>> -> memref<24x1024xf32, #tpu.memory_space<hbm>>
    tpu.enqueue_dma source(%arg10 : memref<24x1024xf32, #tpu.memory_space<vmem>>) target(%dma_start3A_691 : memref<24x1024xf32, #tpu.memory_space<hbm>>) target_semaphore(%dma_start3A_689 : memref<!tpu.dma_semaphore, #tpu.memory_space<semaphore_mem>>)
    %dma_wait3A_692 = arith.constant 3 : i32
    %dma_wait3A_693 = arith.constant 0 : i32
    %dma_wait3A_694 = tpu.memref_slice %arg4[%min3A_111, %dma_wait3A_693] : memref<16056x1024xf32, #tpu.memory_space<hbm>> -> memref<24x1024xf32, #tpu.memory_space<hbm>>
    %dma_wait3A_695 = tpu.memref_slice %arg12[%dma_wait3A_692] : memref<5x!tpu.dma_semaphore, #tpu.memory_space<semaphore_mem>> -> memref<1x!tpu.dma_semaphore, #tpu.memory_space<semaphore_mem>>
    %dma_wait3A_696 = tpu.memref_squeeze %dma_wait3A_695 : memref<1x!tpu.dma_semaphore, #tpu.memory_space<semaphore_mem>> -> memref<!tpu.dma_semaphore, #tpu.memory_space<semaphore_mem>>
    %dma_wait3A_697 = arith.constant 0 : i32
    %dma_wait3A_698 = tpu.memref_slice %arg4[%min3A_111, %dma_wait3A_697] : memref<16056x1024xf32, #tpu.memory_space<hbm>> -> memref<24x1024xf32, #tpu.memory_space<hbm>>
    tpu.wait_dma2 semaphore(%dma_wait3A_696 : memref<!tpu.dma_semaphore, #tpu.memory_space<semaphore_mem>>) src(%arg9 : memref<24x1024xf32, #tpu.memory_space<vmem>>) dst(%dma_wait3A_698 : memref<24x1024xf32, #tpu.memory_space<hbm>>)
    %dma_start3A_699 = arith.constant 18 : i32
    %dma_start3A_700 = arith.constant 3 : i32
    %dma_start3A_701 = arith.constant 0 : i32
    %dma_start3A_702 = tpu.memref_slice %arg5[%dma_start3A_699, %dma_start3A_701] : memref<21x24xi32, #tpu.memory_space<vmem>> -> memref<1x24xi32, #tpu.memory_space<vmem>>
    %dma_start3A_703 = tpu.memref_squeeze %dma_start3A_702 : memref<1x24xi32, #tpu.memory_space<vmem>> -> memref<24xi32, #tpu.memory_space<vmem>>
    %dma_start3A_704 = arith.constant 0 : i32
    %dma_start3A_705 = arith.constant 0 : i32
    %dma_start3A_706 = tpu.memref_slice %arg3[%dma_start3A_704, %dma_start3A_705] : memref<16096x1024xf32, #tpu.memory_space<hbm>> -> memref<16096x1024xf32, #tpu.memory_space<hbm>>
    %dma_start3A_707 = tpu.memref_slice %arg11[%dma_start3A_700] : memref<5x!tpu.dma_semaphore, #tpu.memory_space<semaphore_mem>> -> memref<1x!tpu.dma_semaphore, #tpu.memory_space<semaphore_mem>>
    %dma_start3A_708 = tpu.memref_squeeze %dma_start3A_707 : memref<1x!tpu.dma_semaphore, #tpu.memory_space<semaphore_mem>> -> memref<!tpu.dma_semaphore, #tpu.memory_space<semaphore_mem>>
    tpu.enqueue_indirect_dma source(%dma_start3A_706 : memref<16096x1024xf32, #tpu.memory_space<hbm>>) target(%arg9 : memref<24x1024xf32, #tpu.memory_space<vmem>>) offsets(%dma_start3A_703 : memref<24xi32, #tpu.memory_space<vmem>>) semaphore(%dma_start3A_708 : memref<!tpu.dma_semaphore, #tpu.memory_space<semaphore_mem>>)
    %dma_wait3A_709 = arith.constant 15 : i32
    %dma_wait3A_710 = arith.constant 0 : i32
    %dma_wait3A_711 = arith.constant 0 : i32
    %dma_wait3A_712 = tpu.memref_slice %arg5[%dma_wait3A_709, %dma_wait3A_711] : memref<21x24xi32, #tpu.memory_space<vmem>> -> memref<1x24xi32, #tpu.memory_space<vmem>>
    %dma_wait3A_713 = tpu.memref_squeeze %dma_wait3A_712 : memref<1x24xi32, #tpu.memory_space<vmem>> -> memref<24xi32, #tpu.memory_space<vmem>>
    %dma_wait3A_714 = arith.constant 0 : i32
    %dma_wait3A_715 = arith.constant 0 : i32
    %dma_wait3A_716 = tpu.memref_slice %arg3[%dma_wait3A_714, %dma_wait3A_715] : memref<16096x1024xf32, #tpu.memory_space<hbm>> -> memref<16096x1024xf32, #tpu.memory_space<hbm>>
    %dma_wait3A_717 = tpu.memref_slice %arg11[%dma_wait3A_710] : memref<5x!tpu.dma_semaphore, #tpu.memory_space<semaphore_mem>> -> memref<1x!tpu.dma_semaphore, #tpu.memory_space<semaphore_mem>>
    %dma_wait3A_718 = tpu.memref_squeeze %dma_wait3A_717 : memref<1x!tpu.dma_semaphore, #tpu.memory_space<semaphore_mem>> -> memref<!tpu.dma_semaphore, #tpu.memory_space<semaphore_mem>>
    tpu.wait_indirect_dma semaphore(%dma_wait3A_718 : memref<!tpu.dma_semaphore, #tpu.memory_space<semaphore_mem>>) src(%dma_wait3A_716 : memref<16096x1024xf32, #tpu.memory_space<hbm>>) dst(%arg6 : memref<24x1024xf32, #tpu.memory_space<vmem>>)
    %dma_start3A_719 = arith.constant 0 : i32
    %dma_start3A_720 = arith.constant 0 : i32
    %dma_start3A_721 = tpu.memref_slice %arg4[%min3A_127, %dma_start3A_720] : memref<16056x1024xf32, #tpu.memory_space<hbm>> -> memref<24x1024xf32, #tpu.memory_space<hbm>>
    %dma_start3A_722 = tpu.memref_slice %arg12[%dma_start3A_719] : memref<5x!tpu.dma_semaphore, #tpu.memory_space<semaphore_mem>> -> memref<1x!tpu.dma_semaphore, #tpu.memory_space<semaphore_mem>>
    %dma_start3A_723 = tpu.memref_squeeze %dma_start3A_722 : memref<1x!tpu.dma_semaphore, #tpu.memory_space<semaphore_mem>> -> memref<!tpu.dma_semaphore, #tpu.memory_space<semaphore_mem>>
    %dma_start3A_724 = arith.constant 0 : i32
    %dma_start3A_725 = tpu.memref_slice %arg4[%min3A_127, %dma_start3A_724] : memref<16056x1024xf32, #tpu.memory_space<hbm>> -> memref<24x1024xf32, #tpu.memory_space<hbm>>
    tpu.enqueue_dma source(%arg6 : memref<24x1024xf32, #tpu.memory_space<vmem>>) target(%dma_start3A_725 : memref<24x1024xf32, #tpu.memory_space<hbm>>) target_semaphore(%dma_start3A_723 : memref<!tpu.dma_semaphore, #tpu.memory_space<semaphore_mem>>)
    %dma_wait3A_726 = arith.constant 4 : i32
    %dma_wait3A_727 = arith.constant 0 : i32
    %dma_wait3A_728 = tpu.memref_slice %arg4[%min3A_119, %dma_wait3A_727] : memref<16056x1024xf32, #tpu.memory_space<hbm>> -> memref<24x1024xf32, #tpu.memory_space<hbm>>
    %dma_wait3A_729 = tpu.memref_slice %arg12[%dma_wait3A_726] : memref<5x!tpu.dma_semaphore, #tpu.memory_space<semaphore_mem>> -> memref<1x!tpu.dma_semaphore, #tpu.memory_space<semaphore_mem>>
    %dma_wait3A_730 = tpu.memref_squeeze %dma_wait3A_729 : memref<1x!tpu.dma_semaphore, #tpu.memory_space<semaphore_mem>> -> memref<!tpu.dma_semaphore, #tpu.memory_space<semaphore_mem>>
    %dma_wait3A_731 = arith.constant 0 : i32
    %dma_wait3A_732 = tpu.memref_slice %arg4[%min3A_119, %dma_wait3A_731] : memref<16056x1024xf32, #tpu.memory_space<hbm>> -> memref<24x1024xf32, #tpu.memory_space<hbm>>
    tpu.wait_dma2 semaphore(%dma_wait3A_730 : memref<!tpu.dma_semaphore, #tpu.memory_space<semaphore_mem>>) src(%arg10 : memref<24x1024xf32, #tpu.memory_space<vmem>>) dst(%dma_wait3A_732 : memref<24x1024xf32, #tpu.memory_space<hbm>>)
    %dma_start3A_733 = arith.constant 19 : i32
    %dma_start3A_734 = arith.constant 4 : i32
    %dma_start3A_735 = arith.constant 0 : i32
    %dma_start3A_736 = tpu.memref_slice %arg5[%dma_start3A_733, %dma_start3A_735] : memref<21x24xi32, #tpu.memory_space<vmem>> -> memref<1x24xi32, #tpu.memory_space<vmem>>
    %dma_start3A_737 = tpu.memref_squeeze %dma_start3A_736 : memref<1x24xi32, #tpu.memory_space<vmem>> -> memref<24xi32, #tpu.memory_space<vmem>>
    %dma_start3A_738 = arith.constant 0 : i32
    %dma_start3A_739 = arith.constant 0 : i32
    %dma_start3A_740 = tpu.memref_slice %arg3[%dma_start3A_738, %dma_start3A_739] : memref<16096x1024xf32, #tpu.memory_space<hbm>> -> memref<16096x1024xf32, #tpu.memory_space<hbm>>
    %dma_start3A_741 = tpu.memref_slice %arg11[%dma_start3A_734] : memref<5x!tpu.dma_semaphore, #tpu.memory_space<semaphore_mem>> -> memref<1x!tpu.dma_semaphore, #tpu.memory_space<semaphore_mem>>
    %dma_start3A_742 = tpu.memref_squeeze %dma_start3A_741 : memref<1x!tpu.dma_semaphore, #tpu.memory_space<semaphore_mem>> -> memref<!tpu.dma_semaphore, #tpu.memory_space<semaphore_mem>>
    tpu.enqueue_indirect_dma source(%dma_start3A_740 : memref<16096x1024xf32, #tpu.memory_space<hbm>>) target(%arg10 : memref<24x1024xf32, #tpu.memory_space<vmem>>) offsets(%dma_start3A_737 : memref<24xi32, #tpu.memory_space<vmem>>) semaphore(%dma_start3A_742 : memref<!tpu.dma_semaphore, #tpu.memory_space<semaphore_mem>>)
    %dma_wait3A_743 = arith.constant 16 : i32
    %dma_wait3A_744 = arith.constant 1 : i32
    %dma_wait3A_745 = arith.constant 0 : i32
    %dma_wait3A_746 = tpu.memref_slice %arg5[%dma_wait3A_743, %dma_wait3A_745] : memref<21x24xi32, #tpu.memory_space<vmem>> -> memref<1x24xi32, #tpu.memory_space<vmem>>
    %dma_wait3A_747 = tpu.memref_squeeze %dma_wait3A_746 : memref<1x24xi32, #tpu.memory_space<vmem>> -> memref<24xi32, #tpu.memory_space<vmem>>
    %dma_wait3A_748 = arith.constant 0 : i32
    %dma_wait3A_749 = arith.constant 0 : i32
    %dma_wait3A_750 = tpu.memref_slice %arg3[%dma_wait3A_748, %dma_wait3A_749] : memref<16096x1024xf32, #tpu.memory_space<hbm>> -> memref<16096x1024xf32, #tpu.memory_space<hbm>>
    %dma_wait3A_751 = tpu.memref_slice %arg11[%dma_wait3A_744] : memref<5x!tpu.dma_semaphore, #tpu.memory_space<semaphore_mem>> -> memref<1x!tpu.dma_semaphore, #tpu.memory_space<semaphore_mem>>
    %dma_wait3A_752 = tpu.memref_squeeze %dma_wait3A_751 : memref<1x!tpu.dma_semaphore, #tpu.memory_space<semaphore_mem>> -> memref<!tpu.dma_semaphore, #tpu.memory_space<semaphore_mem>>
    tpu.wait_indirect_dma semaphore(%dma_wait3A_752 : memref<!tpu.dma_semaphore, #tpu.memory_space<semaphore_mem>>) src(%dma_wait3A_750 : memref<16096x1024xf32, #tpu.memory_space<hbm>>) dst(%arg7 : memref<24x1024xf32, #tpu.memory_space<vmem>>)
    %dma_start3A_753 = arith.constant 1 : i32
    %dma_start3A_754 = arith.constant 0 : i32
    %dma_start3A_755 = tpu.memref_slice %arg4[%min3A_135, %dma_start3A_754] : memref<16056x1024xf32, #tpu.memory_space<hbm>> -> memref<24x1024xf32, #tpu.memory_space<hbm>>
    %dma_start3A_756 = tpu.memref_slice %arg12[%dma_start3A_753] : memref<5x!tpu.dma_semaphore, #tpu.memory_space<semaphore_mem>> -> memref<1x!tpu.dma_semaphore, #tpu.memory_space<semaphore_mem>>
    %dma_start3A_757 = tpu.memref_squeeze %dma_start3A_756 : memref<1x!tpu.dma_semaphore, #tpu.memory_space<semaphore_mem>> -> memref<!tpu.dma_semaphore, #tpu.memory_space<semaphore_mem>>
    %dma_start3A_758 = arith.constant 0 : i32
    %dma_start3A_759 = tpu.memref_slice %arg4[%min3A_135, %dma_start3A_758] : memref<16056x1024xf32, #tpu.memory_space<hbm>> -> memref<24x1024xf32, #tpu.memory_space<hbm>>
    tpu.enqueue_dma source(%arg7 : memref<24x1024xf32, #tpu.memory_space<vmem>>) target(%dma_start3A_759 : memref<24x1024xf32, #tpu.memory_space<hbm>>) target_semaphore(%dma_start3A_757 : memref<!tpu.dma_semaphore, #tpu.memory_space<semaphore_mem>>)
    %dma_wait3A_760 = arith.constant 0 : i32
    %dma_wait3A_761 = arith.constant 0 : i32
    %dma_wait3A_762 = tpu.memref_slice %arg4[%min3A_127, %dma_wait3A_761] : memref<16056x1024xf32, #tpu.memory_space<hbm>> -> memref<24x1024xf32, #tpu.memory_space<hbm>>
    %dma_wait3A_763 = tpu.memref_slice %arg12[%dma_wait3A_760] : memref<5x!tpu.dma_semaphore, #tpu.memory_space<semaphore_mem>> -> memref<1x!tpu.dma_semaphore, #tpu.memory_space<semaphore_mem>>
    %dma_wait3A_764 = tpu.memref_squeeze %dma_wait3A_763 : memref<1x!tpu.dma_semaphore, #tpu.memory_space<semaphore_mem>> -> memref<!tpu.dma_semaphore, #tpu.memory_space<semaphore_mem>>
    %dma_wait3A_765 = arith.constant 0 : i32
    %dma_wait3A_766 = tpu.memref_slice %arg4[%min3A_127, %dma_wait3A_765] : memref<16056x1024xf32, #tpu.memory_space<hbm>> -> memref<24x1024xf32, #tpu.memory_space<hbm>>
    tpu.wait_dma2 semaphore(%dma_wait3A_764 : memref<!tpu.dma_semaphore, #tpu.memory_space<semaphore_mem>>) src(%arg6 : memref<24x1024xf32, #tpu.memory_space<vmem>>) dst(%dma_wait3A_766 : memref<24x1024xf32, #tpu.memory_space<hbm>>)
    %dma_start3A_767 = arith.constant 20 : i32
    %dma_start3A_768 = arith.constant 0 : i32
    %dma_start3A_769 = arith.constant 0 : i32
    %dma_start3A_770 = tpu.memref_slice %arg5[%dma_start3A_767, %dma_start3A_769] : memref<21x24xi32, #tpu.memory_space<vmem>> -> memref<1x24xi32, #tpu.memory_space<vmem>>
    %dma_start3A_771 = tpu.memref_squeeze %dma_start3A_770 : memref<1x24xi32, #tpu.memory_space<vmem>> -> memref<24xi32, #tpu.memory_space<vmem>>
    %dma_start3A_772 = arith.constant 0 : i32
    %dma_start3A_773 = arith.constant 0 : i32
    %dma_start3A_774 = tpu.memref_slice %arg3[%dma_start3A_772, %dma_start3A_773] : memref<16096x1024xf32, #tpu.memory_space<hbm>> -> memref<16096x1024xf32, #tpu.memory_space<hbm>>
    %dma_start3A_775 = tpu.memref_slice %arg11[%dma_start3A_768] : memref<5x!tpu.dma_semaphore, #tpu.memory_space<semaphore_mem>> -> memref<1x!tpu.dma_semaphore, #tpu.memory_space<semaphore_mem>>
    %dma_start3A_776 = tpu.memref_squeeze %dma_start3A_775 : memref<1x!tpu.dma_semaphore, #tpu.memory_space<semaphore_mem>> -> memref<!tpu.dma_semaphore, #tpu.memory_space<semaphore_mem>>
    tpu.enqueue_indirect_dma source(%dma_start3A_774 : memref<16096x1024xf32, #tpu.memory_space<hbm>>) target(%arg6 : memref<24x1024xf32, #tpu.memory_space<vmem>>) offsets(%dma_start3A_771 : memref<24xi32, #tpu.memory_space<vmem>>) semaphore(%dma_start3A_776 : memref<!tpu.dma_semaphore, #tpu.memory_space<semaphore_mem>>)
    %dma_wait3A_777 = arith.constant 17 : i32
    %dma_wait3A_778 = arith.constant 2 : i32
    %dma_wait3A_779 = arith.constant 0 : i32
    %dma_wait3A_780 = tpu.memref_slice %arg5[%dma_wait3A_777, %dma_wait3A_779] : memref<21x24xi32, #tpu.memory_space<vmem>> -> memref<1x24xi32, #tpu.memory_space<vmem>>
    %dma_wait3A_781 = tpu.memref_squeeze %dma_wait3A_780 : memref<1x24xi32, #tpu.memory_space<vmem>> -> memref<24xi32, #tpu.memory_space<vmem>>
    %dma_wait3A_782 = arith.constant 0 : i32
    %dma_wait3A_783 = arith.constant 0 : i32
    %dma_wait3A_784 = tpu.memref_slice %arg3[%dma_wait3A_782, %dma_wait3A_783] : memref<16096x1024xf32, #tpu.memory_space<hbm>> -> memref<16096x1024xf32, #tpu.memory_space<hbm>>
    %dma_wait3A_785 = tpu.memref_slice %arg11[%dma_wait3A_778] : memref<5x!tpu.dma_semaphore, #tpu.memory_space<semaphore_mem>> -> memref<1x!tpu.dma_semaphore, #tpu.memory_space<semaphore_mem>>
    %dma_wait3A_786 = tpu.memref_squeeze %dma_wait3A_785 : memref<1x!tpu.dma_semaphore, #tpu.memory_space<semaphore_mem>> -> memref<!tpu.dma_semaphore, #tpu.memory_space<semaphore_mem>>
    tpu.wait_indirect_dma semaphore(%dma_wait3A_786 : memref<!tpu.dma_semaphore, #tpu.memory_space<semaphore_mem>>) src(%dma_wait3A_784 : memref<16096x1024xf32, #tpu.memory_space<hbm>>) dst(%arg8 : memref<24x1024xf32, #tpu.memory_space<vmem>>)
    %dma_start3A_787 = arith.constant 2 : i32
    %dma_start3A_788 = arith.constant 0 : i32
    %dma_start3A_789 = tpu.memref_slice %arg4[%min3A_143, %dma_start3A_788] : memref<16056x1024xf32, #tpu.memory_space<hbm>> -> memref<24x1024xf32, #tpu.memory_space<hbm>>
    %dma_start3A_790 = tpu.memref_slice %arg12[%dma_start3A_787] : memref<5x!tpu.dma_semaphore, #tpu.memory_space<semaphore_mem>> -> memref<1x!tpu.dma_semaphore, #tpu.memory_space<semaphore_mem>>
    %dma_start3A_791 = tpu.memref_squeeze %dma_start3A_790 : memref<1x!tpu.dma_semaphore, #tpu.memory_space<semaphore_mem>> -> memref<!tpu.dma_semaphore, #tpu.memory_space<semaphore_mem>>
    %dma_start3A_792 = arith.constant 0 : i32
    %dma_start3A_793 = tpu.memref_slice %arg4[%min3A_143, %dma_start3A_792] : memref<16056x1024xf32, #tpu.memory_space<hbm>> -> memref<24x1024xf32, #tpu.memory_space<hbm>>
    tpu.enqueue_dma source(%arg8 : memref<24x1024xf32, #tpu.memory_space<vmem>>) target(%dma_start3A_793 : memref<24x1024xf32, #tpu.memory_space<hbm>>) target_semaphore(%dma_start3A_791 : memref<!tpu.dma_semaphore, #tpu.memory_space<semaphore_mem>>)
    %dma_wait3A_794 = arith.constant 18 : i32
    %dma_wait3A_795 = arith.constant 3 : i32
    %dma_wait3A_796 = arith.constant 0 : i32
    %dma_wait3A_797 = tpu.memref_slice %arg5[%dma_wait3A_794, %dma_wait3A_796] : memref<21x24xi32, #tpu.memory_space<vmem>> -> memref<1x24xi32, #tpu.memory_space<vmem>>
    %dma_wait3A_798 = tpu.memref_squeeze %dma_wait3A_797 : memref<1x24xi32, #tpu.memory_space<vmem>> -> memref<24xi32, #tpu.memory_space<vmem>>
    %dma_wait3A_799 = arith.constant 0 : i32
    %dma_wait3A_800 = arith.constant 0 : i32
    %dma_wait3A_801 = tpu.memref_slice %arg3[%dma_wait3A_799, %dma_wait3A_800] : memref<16096x1024xf32, #tpu.memory_space<hbm>> -> memref<16096x1024xf32, #tpu.memory_space<hbm>>
    %dma_wait3A_802 = tpu.memref_slice %arg11[%dma_wait3A_795] : memref<5x!tpu.dma_semaphore, #tpu.memory_space<semaphore_mem>> -> memref<1x!tpu.dma_semaphore, #tpu.memory_space<semaphore_mem>>
    %dma_wait3A_803 = tpu.memref_squeeze %dma_wait3A_802 : memref<1x!tpu.dma_semaphore, #tpu.memory_space<semaphore_mem>> -> memref<!tpu.dma_semaphore, #tpu.memory_space<semaphore_mem>>
    tpu.wait_indirect_dma semaphore(%dma_wait3A_803 : memref<!tpu.dma_semaphore, #tpu.memory_space<semaphore_mem>>) src(%dma_wait3A_801 : memref<16096x1024xf32, #tpu.memory_space<hbm>>) dst(%arg9 : memref<24x1024xf32, #tpu.memory_space<vmem>>)
    %dma_start3A_804 = arith.constant 3 : i32
    %dma_start3A_805 = arith.constant 0 : i32
    %dma_start3A_806 = tpu.memref_slice %arg4[%min3A_151, %dma_start3A_805] : memref<16056x1024xf32, #tpu.memory_space<hbm>> -> memref<24x1024xf32, #tpu.memory_space<hbm>>
    %dma_start3A_807 = tpu.memref_slice %arg12[%dma_start3A_804] : memref<5x!tpu.dma_semaphore, #tpu.memory_space<semaphore_mem>> -> memref<1x!tpu.dma_semaphore, #tpu.memory_space<semaphore_mem>>
    %dma_start3A_808 = tpu.memref_squeeze %dma_start3A_807 : memref<1x!tpu.dma_semaphore, #tpu.memory_space<semaphore_mem>> -> memref<!tpu.dma_semaphore, #tpu.memory_space<semaphore_mem>>
    %dma_start3A_809 = arith.constant 0 : i32
    %dma_start3A_810 = tpu.memref_slice %arg4[%min3A_151, %dma_start3A_809] : memref<16056x1024xf32, #tpu.memory_space<hbm>> -> memref<24x1024xf32, #tpu.memory_space<hbm>>
    tpu.enqueue_dma source(%arg9 : memref<24x1024xf32, #tpu.memory_space<vmem>>) target(%dma_start3A_810 : memref<24x1024xf32, #tpu.memory_space<hbm>>) target_semaphore(%dma_start3A_808 : memref<!tpu.dma_semaphore, #tpu.memory_space<semaphore_mem>>)
    %dma_wait3A_811 = arith.constant 19 : i32
    %dma_wait3A_812 = arith.constant 4 : i32
    %dma_wait3A_813 = arith.constant 0 : i32
    %dma_wait3A_814 = tpu.memref_slice %arg5[%dma_wait3A_811, %dma_wait3A_813] : memref<21x24xi32, #tpu.memory_space<vmem>> -> memref<1x24xi32, #tpu.memory_space<vmem>>
    %dma_wait3A_815 = tpu.memref_squeeze %dma_wait3A_814 : memref<1x24xi32, #tpu.memory_space<vmem>> -> memref<24xi32, #tpu.memory_space<vmem>>
    %dma_wait3A_816 = arith.constant 0 : i32
    %dma_wait3A_817 = arith.constant 0 : i32
    %dma_wait3A_818 = tpu.memref_slice %arg3[%dma_wait3A_816, %dma_wait3A_817] : memref<16096x1024xf32, #tpu.memory_space<hbm>> -> memref<16096x1024xf32, #tpu.memory_space<hbm>>
    %dma_wait3A_819 = tpu.memref_slice %arg11[%dma_wait3A_812] : memref<5x!tpu.dma_semaphore, #tpu.memory_space<semaphore_mem>> -> memref<1x!tpu.dma_semaphore, #tpu.memory_space<semaphore_mem>>
    %dma_wait3A_820 = tpu.memref_squeeze %dma_wait3A_819 : memref<1x!tpu.dma_semaphore, #tpu.memory_space<semaphore_mem>> -> memref<!tpu.dma_semaphore, #tpu.memory_space<semaphore_mem>>
    tpu.wait_indirect_dma semaphore(%dma_wait3A_820 : memref<!tpu.dma_semaphore, #tpu.memory_space<semaphore_mem>>) src(%dma_wait3A_818 : memref<16096x1024xf32, #tpu.memory_space<hbm>>) dst(%arg10 : memref<24x1024xf32, #tpu.memory_space<vmem>>)
    %dma_start3A_821 = arith.constant 4 : i32
    %dma_start3A_822 = arith.constant 0 : i32
    %dma_start3A_823 = tpu.memref_slice %arg4[%min3A_159, %dma_start3A_822] : memref<16056x1024xf32, #tpu.memory_space<hbm>> -> memref<24x1024xf32, #tpu.memory_space<hbm>>
    %dma_start3A_824 = tpu.memref_slice %arg12[%dma_start3A_821] : memref<5x!tpu.dma_semaphore, #tpu.memory_space<semaphore_mem>> -> memref<1x!tpu.dma_semaphore, #tpu.memory_space<semaphore_mem>>
    %dma_start3A_825 = tpu.memref_squeeze %dma_start3A_824 : memref<1x!tpu.dma_semaphore, #tpu.memory_space<semaphore_mem>> -> memref<!tpu.dma_semaphore, #tpu.memory_space<semaphore_mem>>
    %dma_start3A_826 = arith.constant 0 : i32
    %dma_start3A_827 = tpu.memref_slice %arg4[%min3A_159, %dma_start3A_826] : memref<16056x1024xf32, #tpu.memory_space<hbm>> -> memref<24x1024xf32, #tpu.memory_space<hbm>>
    tpu.enqueue_dma source(%arg10 : memref<24x1024xf32, #tpu.memory_space<vmem>>) target(%dma_start3A_827 : memref<24x1024xf32, #tpu.memory_space<hbm>>) target_semaphore(%dma_start3A_825 : memref<!tpu.dma_semaphore, #tpu.memory_space<semaphore_mem>>)
    %dma_wait3A_828 = arith.constant 20 : i32
    %dma_wait3A_829 = arith.constant 0 : i32
    %dma_wait3A_830 = arith.constant 0 : i32
    %dma_wait3A_831 = tpu.memref_slice %arg5[%dma_wait3A_828, %dma_wait3A_830] : memref<21x24xi32, #tpu.memory_space<vmem>> -> memref<1x24xi32, #tpu.memory_space<vmem>>
    %dma_wait3A_832 = tpu.memref_squeeze %dma_wait3A_831 : memref<1x24xi32, #tpu.memory_space<vmem>> -> memref<24xi32, #tpu.memory_space<vmem>>
    %dma_wait3A_833 = arith.constant 0 : i32
    %dma_wait3A_834 = arith.constant 0 : i32
    %dma_wait3A_835 = tpu.memref_slice %arg3[%dma_wait3A_833, %dma_wait3A_834] : memref<16096x1024xf32, #tpu.memory_space<hbm>> -> memref<16096x1024xf32, #tpu.memory_space<hbm>>
    %dma_wait3A_836 = tpu.memref_slice %arg11[%dma_wait3A_829] : memref<5x!tpu.dma_semaphore, #tpu.memory_space<semaphore_mem>> -> memref<1x!tpu.dma_semaphore, #tpu.memory_space<semaphore_mem>>
    %dma_wait3A_837 = tpu.memref_squeeze %dma_wait3A_836 : memref<1x!tpu.dma_semaphore, #tpu.memory_space<semaphore_mem>> -> memref<!tpu.dma_semaphore, #tpu.memory_space<semaphore_mem>>
    tpu.wait_indirect_dma semaphore(%dma_wait3A_837 : memref<!tpu.dma_semaphore, #tpu.memory_space<semaphore_mem>>) src(%dma_wait3A_835 : memref<16096x1024xf32, #tpu.memory_space<hbm>>) dst(%arg6 : memref<24x1024xf32, #tpu.memory_space<vmem>>)
    %dma_start3A_838 = arith.constant 0 : i32
    %dma_start3A_839 = arith.constant 0 : i32
    %dma_start3A_840 = tpu.memref_slice %arg4[%min3A_167, %dma_start3A_839] : memref<16056x1024xf32, #tpu.memory_space<hbm>> -> memref<24x1024xf32, #tpu.memory_space<hbm>>
    %dma_start3A_841 = tpu.memref_slice %arg12[%dma_start3A_838] : memref<5x!tpu.dma_semaphore, #tpu.memory_space<semaphore_mem>> -> memref<1x!tpu.dma_semaphore, #tpu.memory_space<semaphore_mem>>
    %dma_start3A_842 = tpu.memref_squeeze %dma_start3A_841 : memref<1x!tpu.dma_semaphore, #tpu.memory_space<semaphore_mem>> -> memref<!tpu.dma_semaphore, #tpu.memory_space<semaphore_mem>>
    %dma_start3A_843 = arith.constant 0 : i32
    %dma_start3A_844 = tpu.memref_slice %arg4[%min3A_167, %dma_start3A_843] : memref<16056x1024xf32, #tpu.memory_space<hbm>> -> memref<24x1024xf32, #tpu.memory_space<hbm>>
    tpu.enqueue_dma source(%arg6 : memref<24x1024xf32, #tpu.memory_space<vmem>>) target(%dma_start3A_844 : memref<24x1024xf32, #tpu.memory_space<hbm>>) target_semaphore(%dma_start3A_842 : memref<!tpu.dma_semaphore, #tpu.memory_space<semaphore_mem>>)
    %dma_wait3A_845 = arith.constant 0 : i32
    %dma_wait3A_846 = arith.constant 0 : i32
    %dma_wait3A_847 = tpu.memref_slice %arg4[%min3A_167, %dma_wait3A_846] : memref<16056x1024xf32, #tpu.memory_space<hbm>> -> memref<24x1024xf32, #tpu.memory_space<hbm>>
    %dma_wait3A_848 = tpu.memref_slice %arg12[%dma_wait3A_845] : memref<5x!tpu.dma_semaphore, #tpu.memory_space<semaphore_mem>> -> memref<1x!tpu.dma_semaphore, #tpu.memory_space<semaphore_mem>>
    %dma_wait3A_849 = tpu.memref_squeeze %dma_wait3A_848 : memref<1x!tpu.dma_semaphore, #tpu.memory_space<semaphore_mem>> -> memref<!tpu.dma_semaphore, #tpu.memory_space<semaphore_mem>>
    %dma_wait3A_850 = arith.constant 0 : i32
    %dma_wait3A_851 = tpu.memref_slice %arg4[%min3A_167, %dma_wait3A_850] : memref<16056x1024xf32, #tpu.memory_space<hbm>> -> memref<24x1024xf32, #tpu.memory_space<hbm>>
    tpu.wait_dma2 semaphore(%dma_wait3A_849 : memref<!tpu.dma_semaphore, #tpu.memory_space<semaphore_mem>>) src(%arg6 : memref<24x1024xf32, #tpu.memory_space<vmem>>) dst(%dma_wait3A_851 : memref<24x1024xf32, #tpu.memory_space<hbm>>)
    %dma_wait3A_852 = arith.constant 1 : i32
    %dma_wait3A_853 = arith.constant 0 : i32
    %dma_wait3A_854 = tpu.memref_slice %arg4[%min3A_135, %dma_wait3A_853] : memref<16056x1024xf32, #tpu.memory_space<hbm>> -> memref<24x1024xf32, #tpu.memory_space<hbm>>
    %dma_wait3A_855 = tpu.memref_slice %arg12[%dma_wait3A_852] : memref<5x!tpu.dma_semaphore, #tpu.memory_space<semaphore_mem>> -> memref<1x!tpu.dma_semaphore, #tpu.memory_space<semaphore_mem>>
    %dma_wait3A_856 = tpu.memref_squeeze %dma_wait3A_855 : memref<1x!tpu.dma_semaphore, #tpu.memory_space<semaphore_mem>> -> memref<!tpu.dma_semaphore, #tpu.memory_space<semaphore_mem>>
    %dma_wait3A_857 = arith.constant 0 : i32
    %dma_wait3A_858 = tpu.memref_slice %arg4[%min3A_135, %dma_wait3A_857] : memref<16056x1024xf32, #tpu.memory_space<hbm>> -> memref<24x1024xf32, #tpu.memory_space<hbm>>
    tpu.wait_dma2 semaphore(%dma_wait3A_856 : memref<!tpu.dma_semaphore, #tpu.memory_space<semaphore_mem>>) src(%arg7 : memref<24x1024xf32, #tpu.memory_space<vmem>>) dst(%dma_wait3A_858 : memref<24x1024xf32, #tpu.memory_space<hbm>>)
    %dma_wait3A_859 = arith.constant 2 : i32
    %dma_wait3A_860 = arith.constant 0 : i32
    %dma_wait3A_861 = tpu.memref_slice %arg4[%min3A_143, %dma_wait3A_860] : memref<16056x1024xf32, #tpu.memory_space<hbm>> -> memref<24x1024xf32, #tpu.memory_space<hbm>>
    %dma_wait3A_862 = tpu.memref_slice %arg12[%dma_wait3A_859] : memref<5x!tpu.dma_semaphore, #tpu.memory_space<semaphore_mem>> -> memref<1x!tpu.dma_semaphore, #tpu.memory_space<semaphore_mem>>
    %dma_wait3A_863 = tpu.memref_squeeze %dma_wait3A_862 : memref<1x!tpu.dma_semaphore, #tpu.memory_space<semaphore_mem>> -> memref<!tpu.dma_semaphore, #tpu.memory_space<semaphore_mem>>
    %dma_wait3A_864 = arith.constant 0 : i32
    %dma_wait3A_865 = tpu.memref_slice %arg4[%min3A_143, %dma_wait3A_864] : memref<16056x1024xf32, #tpu.memory_space<hbm>> -> memref<24x1024xf32, #tpu.memory_space<hbm>>
    tpu.wait_dma2 semaphore(%dma_wait3A_863 : memref<!tpu.dma_semaphore, #tpu.memory_space<semaphore_mem>>) src(%arg8 : memref<24x1024xf32, #tpu.memory_space<vmem>>) dst(%dma_wait3A_865 : memref<24x1024xf32, #tpu.memory_space<hbm>>)
    %dma_wait3A_866 = arith.constant 3 : i32
    %dma_wait3A_867 = arith.constant 0 : i32
    %dma_wait3A_868 = tpu.memref_slice %arg4[%min3A_151, %dma_wait3A_867] : memref<16056x1024xf32, #tpu.memory_space<hbm>> -> memref<24x1024xf32, #tpu.memory_space<hbm>>
    %dma_wait3A_869 = tpu.memref_slice %arg12[%dma_wait3A_866] : memref<5x!tpu.dma_semaphore, #tpu.memory_space<semaphore_mem>> -> memref<1x!tpu.dma_semaphore, #tpu.memory_space<semaphore_mem>>
    %dma_wait3A_870 = tpu.memref_squeeze %dma_wait3A_869 : memref<1x!tpu.dma_semaphore, #tpu.memory_space<semaphore_mem>> -> memref<!tpu.dma_semaphore, #tpu.memory_space<semaphore_mem>>
    %dma_wait3A_871 = arith.constant 0 : i32
    %dma_wait3A_872 = tpu.memref_slice %arg4[%min3A_151, %dma_wait3A_871] : memref<16056x1024xf32, #tpu.memory_space<hbm>> -> memref<24x1024xf32, #tpu.memory_space<hbm>>
    tpu.wait_dma2 semaphore(%dma_wait3A_870 : memref<!tpu.dma_semaphore, #tpu.memory_space<semaphore_mem>>) src(%arg9 : memref<24x1024xf32, #tpu.memory_space<vmem>>) dst(%dma_wait3A_872 : memref<24x1024xf32, #tpu.memory_space<hbm>>)
    %dma_wait3A_873 = arith.constant 4 : i32
    %dma_wait3A_874 = arith.constant 0 : i32
    %dma_wait3A_875 = tpu.memref_slice %arg4[%min3A_159, %dma_wait3A_874] : memref<16056x1024xf32, #tpu.memory_space<hbm>> -> memref<24x1024xf32, #tpu.memory_space<hbm>>
    %dma_wait3A_876 = tpu.memref_slice %arg12[%dma_wait3A_873] : memref<5x!tpu.dma_semaphore, #tpu.memory_space<semaphore_mem>> -> memref<1x!tpu.dma_semaphore, #tpu.memory_space<semaphore_mem>>
    %dma_wait3A_877 = tpu.memref_squeeze %dma_wait3A_876 : memref<1x!tpu.dma_semaphore, #tpu.memory_space<semaphore_mem>> -> memref<!tpu.dma_semaphore, #tpu.memory_space<semaphore_mem>>
    %dma_wait3A_878 = arith.constant 0 : i32
    %dma_wait3A_879 = tpu.memref_slice %arg4[%min3A_159, %dma_wait3A_878] : memref<16056x1024xf32, #tpu.memory_space<hbm>> -> memref<24x1024xf32, #tpu.memory_space<hbm>>
    tpu.wait_dma2 semaphore(%dma_wait3A_877 : memref<!tpu.dma_semaphore, #tpu.memory_space<semaphore_mem>>) src(%arg10 : memref<24x1024xf32, #tpu.memory_space<vmem>>) dst(%dma_wait3A_879 : memref<24x1024xf32, #tpu.memory_space<hbm>>)
    return
  }
}

</mosaic_0001>

<sc_bundles>
// kernel: _run.3.cloned.1.call-start
scs
__scs_entry_jumppad:
0x0: {  	(pc) =	sbr.rel $0x88, $3  }
0x1: {  	(tag) =	ssettag $0x0;
	lr =	simm.s32 $0x1  }
0x2: {  	[smem:$0x3F9F] =	sst lr;
	_ =	strace $0xD0000000  }
0x3: {  	_ = 	snop  }
0x4: {  	_ = 	snop  }
0x5: {  	_ = 	snop  }
0x6: {  	_ = 	snop  }
0x7: {  	_ = 	snop  }
__scs_overlays_trampoline_lowered:
0x8: {  	[smem:$0x3FAE] =	sst s0  }
0x9: {  	[smem:$0x3FAF] =	sst s1  }
0xa: {  	[smem:$0x3FB0] =	sst s2  }
0xb: {  	[smem:$0x3FB1] =	sst s3  }
0xc: {  	[smem:$0x3FB2] =	sst s4  }
0xd: {  	[smem:$0x3FB3] =	sst s5  }
0xe: {  	[smem:$0x3FB4] =	sst s6  }
0xf: {  	[smem:$0x3FB5] =	sst s7  }
0x10: {  	[smem:$0x3FB6] =	sst s8  }
0x11: {  	[smem:$0x3FB7] =	sst s9;
	s0 =	simm.s32 @!p0 $0x0  }
0x12: {  	s1 =	sld [smem:$0x3F9D];
	s0 =	simm.s32 @p0 $0x1  }
0x13: {  	[smem:$0x3FB8] =	sst s0;
	s0 =	simm.s32 @!p1 $0x0  }
0x14: {  	s2 =	sld [smem:$0x3F9C];
	s0 =	simm.s32 @p1 $0x1  }
0x15: {  	[smem:$0x3FB9] =	sst s0;
	s0 =	simm.s32 @!p2 $0x0  }
0x16: {  	s3 =	sld [smem:$0x3FDB];
	s0 =	simm.s32 @p2 $0x1  }
0x17: {  	s4 =	simm.s32 $0x1BF5;
	[smem:$0x3FBB] =	sst s0  }
0x18: {  	s0 =	sld [smem:$0x3F9E];
	_ =	swait.ge [sflag:s4], $0x0  }
0x19: {  	s7 =	sld [smem:$0x3F9F]  }
0x1a: {  	s8 =	sadd.s32 $0xFFFFE003, lr  }
0x1b: {  	s9 =	sadd.s32 $0xFFFFFEF7, lr;
	s5 =	simm.s32 $0xFFFFFFFF;
	p2 =	slt.u32 s8, $0xFFFFF086  }
0x1c: {  	p1 =	slt.u32 s9, $0xF7A;
	s5 =	simm.s32 @!p2 $0x0  }
0x1d: {  	s5 =	simm.s32 @p1 $0x1;
	p0 =	seq.s32 s7, s2  }
0x1e: {  	s7 =	smul.u32 @!p0 $0xF7A, s2;
	p2 =	seq.s32 @!p0 s5, $0x0  }
0x1f: {  	s9 =	smul.u32 $0xF7A, s1;
	s8 =	simm.s32 @!p0 $0x1BF5;
	p2 =	por !p2, p0  }
0x20: {  	[sflag:s8] =	ssyncset.s32 @!p0 $0xFFFFF086;
	s6 =	sadd.s32 @!p0 s3, s7;
	s7 =	simm.s32 @!p0 $0x108  }
0x21: {  	s3 =	sadd.s32 s3, s9;
	s6 =	sadd.s32 @!p0 $0x88, s6;
	s7 =	simm.s32 @p2 $0x1082  }
0x22: {  	[simem:s7], [sflag:s8] =	dma.local @!p0 [hbm:s6], $0xF7A  }
0x23: {  	s9 =	sor.u32 $0xD0000000, s2;
	s6 =	simm.s32 $0x108;
	_ =	swait.ge @!p0 [sflag:s8], $0x0  }
0x24: {  	s3 =	sadd.s32 $0x88, s3;
	s6 =	simm.s32 @!p1 $0x1082;
	[sflag:s4] =	ssyncset.s32 $0xFFFFF086  }
0x25: {  	[simem:s6], [sflag:s4] =	dma.local [hbm:s3], $0xF7A  }
0x26: {  	[smem:$0x3F9F] =	sst s1;
	(tag) =	ssettag s2;
	_ =	strace s9  }
0x27: {  	s1 =	sld [smem:$0x3FAF]  }
0x28: {  	s2 =	sld [smem:$0x3FB0]  }
0x29: {  	s4 =	sld [smem:$0x3FB2]  }
0x2a: {  	p0 =	seq.s32 s5, $0x0;
	s5 =	sld [smem:$0x3FB3]  }
0x2b: {  	s6 =	sld [smem:$0x3FB4]  }
0x2c: {  	s7 =	sld [smem:$0x3FB5]  }
0x2d: {  	s3 =	simm.s32 $0x108;
	s8 =	sld [smem:$0x3FB6]  }
0x2e: {  	s3 =	simm.s32 @!p0 $0x1082;
	s9 =	sld [smem:$0x3FB7]  }
0x2f: {  	lr =	sadd.s32 s0, s3;
	s0 =	sld [smem:$0x3FAE]  }
0x30: {  	s3 =	sld [smem:$0x3FB1]  }
0x31: {  	[smem:$0x3FBA] =	sst s10  }
0x32: {  	s10 =	sld [smem:$0x3FB8];
	_ =	sdelay $0x3  }
0x33: {  	p0 =	seq.s32 s10, $0x1;
	s10 =	sld [smem:$0x3FBA];
	_ =	sdelay $0x3  }
0x34: {  	[smem:$0x3FBA] =	sst s10  }
0x35: {  	s10 =	sld [smem:$0x3FB9];
	_ =	sdelay $0x3  }
0x36: {  	p1 =	seq.s32 s10, $0x1;
	s10 =	sld [smem:$0x3FBA];
	_ =	sdelay $0x3  }
0x37: {  	[smem:$0x3FBA] =	sst s10  }
0x38: {  	s10 =	sld [smem:$0x3FBB]  }
0x39: {  	_ = 	snop;
	(pc) =	sbr.ind lr, $3  }
0x3a: {  	_ = 	snop  }
0x3b: {  	_ = 	snop  }
0x3c: {  	p2 =	seq.s32 s10, $0x1;
	s10 =	sld [smem:$0x3FBA]  }
0x3d: {  	_ =	shalt  }
0x3e: {  	_ =	shalt  }
0x3f: {  	_ =	shalt  }
0x40: {  	_ =	shalt  }
0x41: {  	_ =	shalt  }
0x42: {  	_ =	shalt  }
0x43: {  	_ =	shalt  }
0x44: {  	_ =	shalt  }
0x45: {  	_ =	shalt  }
0x46: {  	_ =	shalt  }
0x47: {  	_ =	shalt  }
0x48: {  	_ =	shalt  }
0x49: {  	_ =	shalt  }
0x4a: {  	_ =	shalt  }
0x4b: {  	_ =	shalt  }
0x4c: {  	_ =	shalt  }
0x4d: {  	_ =	shalt  }
0x4e: {  	_ =	shalt  }
0x4f: {  	_ =	shalt  }
0x50: {  	_ =	shalt  }
0x51: {  	_ =	shalt  }
0x52: {  	_ =	shalt  }
0x53: {  	_ =	shalt  }
0x54: {  	_ =	shalt  }
0x55: {  	_ =	shalt  }
0x56: {  	_ =	shalt  }
0x57: {  	_ =	shalt  }
0x58: {  	_ =	shalt  }
0x59: {  	_ =	shalt  }
0x5a: {  	_ =	shalt  }
0x5b: {  	_ =	shalt  }
0x5c: {  	_ =	shalt  }
0x5d: {  	_ =	shalt  }
0x5e: {  	_ =	shalt  }
0x5f: {  	_ =	shalt  }
0x60: {  	_ =	shalt  }
0x61: {  	_ =	shalt  }
0x62: {  	_ =	shalt  }
0x63: {  	_ =	shalt  }
0x64: {  	_ =	shalt  }
0x65: {  	_ =	shalt  }
0x66: {  	_ =	shalt  }
0x67: {  	_ =	shalt  }
0x68: {  	_ =	shalt  }
0x69: {  	_ =	shalt  }
0x6a: {  	_ =	shalt  }
0x6b: {  	_ =	shalt  }
0x6c: {  	_ =	shalt  }
0x6d: {  	_ =	shalt  }
0x6e: {  	_ =	shalt  }
0x6f: {  	_ =	shalt  }
0x70: {  	_ =	shalt  }
0x71: {  	_ =	shalt  }
0x72: {  	_ =	shalt  }
0x73: {  	_ =	shalt  }
0x74: {  	_ =	shalt  }
0x75: {  	_ =	shalt  }
0x76: {  	_ =	shalt  }
0x77: {  	_ =	shalt  }
0x78: {  	_ =	shalt  }
0x79: {  	_ =	shalt  }
0x7a: {  	_ =	shalt  }
0x7b: {  	_ =	shalt  }
0x7c: {  	_ =	shalt  }
0x7d: {  	_ =	shalt  }
0x7e: {  	_ =	shalt  }
0x7f: {  	_ =	shalt  }
0x80: {  	_ =	shalt  }
0x81: {  	_ =	shalt  }
0x82: {  	_ =	shalt  }
0x83: {  	_ =	shalt  }
0x84: {  	_ =	shalt  }
0x85: {  	_ =	shalt  }
0x86: {  	_ =	shalt  }
0x87: {  	_ =	shalt  }
.Lfunc_end0:
.L_simem_size_0:
called_computation_lowered:
.L_overlay_start_0:
0x88: {  	s2 =	sld [smem:$0x3FD9]  }
0x89: {  	s3 =	sld [smem:$0x3FFE];
	_ =	sdelay $0x1  }
0x8a: {  	s1 =	srdreg.scid  }
0x8b: {  	s0 =	sand.u32 $0x1, s1  }
0x8c: {  	s17 =	sshll.u32 s0, $0xA;
	s2 =	sadd.s32 s3, s2  }
0x8d: {  	s2 =	sadd.s32 s2, s17  }
0x8e: {  	[smem:$0x3FC6] =	sst s2  }
0x8f: {  	_ = 	snop  }
0x90: {  	s2 =	sld [smem:$0x3FC8]  }
0x91: {  	s18 =	sld [smem:$0x3FD0];
	(tm) =	ssettm $0x1  }
0x92: {  	s4 =	sld [smem:$0x3FFB];
	_ =	sdelay $0x3  }
0x93: {  	_ =	strace s4  }
0x94: {  	s4 =	sld [smem:$0x3FFC];
	_ =	sdelay $0x3  }
0x95: {  	_ =	strace s4  }
0x96: {  	s4 =	sld [smem:$0x3FFD];
	_ =	sdelay $0x3  }
0x97: {  	_ =	strace s4  }
0x98: {  	_ =	strace $0x8FFFFFFF  }
0x99: {  	s19 =	sld [smem:$0x3FDB];
	_ =	sdelay $0x1  }
0x9a: {  	s5 =	simm.s32 $_scs_section_size  }
0x9b: {  	s6 =	simm.s32 $_size__tile_overlayer_lowered;
	s7 =	simm.s32 $_tile_overlayer_lowered  }
0x9c: {  	s22 =	simm.s32 $0x1BFF;
	s21 =	sshll.u32 s7, $0x1;
	s4 =	sadd.s32 s5, s19  }
0x9d: {  	s8 =	simm.s32 $0x0;
	s20 =	sshll.u32 s6, $0x1;
	s6 =	sadd.s32 s21, s4  }
0x9e: {  	[timem:s8], [sflag:s22] =	dma.local [hbm:s6], s20  }
0x9f: {  	_ =	swait.ge [sflag:s22], s20  }
0xa0: {  	s5 =	ssub.s32 $0x0, s20;
	[sflag:s22] =	ssyncset.done $0x0  }
0xa1: {  	[sflag:s22] =	ssyncadd.s32 s5;
	_ =	sdelay $0x1  }
0xa2: {  	s23 =	simm.s32 $0x1B8B  }
0xa3: {  	_ =	swait.ge [sflag:s23], $0x1  }
0xa4: {  	[sflag:s23] =	ssyncset.done $0x0  }
0xa5: {  	s25 =	simm.s32 $0x1B8E;
	s24 =	sld [smem:$0x3FFE];
	[sflag:s23] =	ssyncadd.s32 $0xFFFFFFFF  }
0xa6: {  	s26 =	simm.s32 $execute0_lowered;
	[smem:$0x3FD2] =	sst s25  }
0xa7: {  	s6 =	sshll.u32 s26, $0x1;
	_ =	strace $0x80000046;
	[dreg:$0x1] =	wrdreg $0xFFFFFFFF  }
0xa8: {  	s28 =	simm.s32 $_size_execute0_lowered;
	s4 =	sadd.s32 s4, s6;
	[dreg:$0x0] =	wrdreg $0x0  }
0xa9: {  	s6 =	sshll.u32 s28, $0x1;
	[dreg:$0x2] =	wrdreg s4  }
0xaa: {  	[dreg:$0x3] =	wrdreg s6  }
0xab: {  	[dreg:$0x4] =	wrdreg $0xC0  }
0xac: {  	_ =	task [dreg:s8], $0x5FFFF  }
0xad: {  	[dreg:$0x1] =	wrdreg $0xFFFFFFFF  }
0xae: {  	[dreg:$0x0] =	wrdreg $0x60  }
0xaf: {  	[dreg:$0x2] =	wrdreg s24  }
0xb0: {  	[dreg:$0x3] =	wrdreg s2  }
0xb1: {  	[dreg:$0x4] =	wrdreg s18  }
0xb2: {  	[dreg:$0x5] =	wrdreg $0x9  }
0xb3: {  	_ =	task.clear_ibuf [dreg:s8], $0x6FFFF;
	_ =	strace $0x90000046  }
0xb4: {  	s29 =	simm.s32 $0x9;
	_ =	strace $0x80000048  }
0xb5: {  	_ =	swait.ge [sflag:s29], $0x1  }
0xb6: {  	[sflag:s29] =	ssyncadd.s32 $0xFFFFFFFF  }
0xb7: {  	_ =	strace $0x90000048  }
0xb8: {  	_ =	sfence  }
0xb9: {  	s30 =	sld [smem:$0x0];
	_ =	sdelay $0x2  }
0xba: {  	s31 =	sshll.u32 s1, $0xD;
	s1 =	sshrl.u32 s1, $0x2  }
0xbb: {  	s3 =	sand.u32 $0x4000, s31;
	s1 =	sadd.s32 s1, s30  }
0xbc: {  	s0 =	sor.u32 s3, s0;
	s1 =	sshll.u32 s1, $0x11  }
0xbd: {  	s0 =	sor.u32 s1, s0  }
0xbe: {  	s0 =	sadd.s32 $0x8F2B, s0  }
0xbf: {  	[sflag:s0] =	ssyncadd.remote.s32 $0x1  }
0xc0: {  	_ =	sfence.sel $0xFFFF  }
0xc1: {  	[dreg:$0x0] =	wrdreg $0xFFFFFFFF;
	(pc) =	sbr.abs _section_cstart, $3  }
0xc2: {  	[dreg:$0x1] =	wrdreg $0xFFFFFFFF  }
0xc3: {  	_ =	task.clear_ibuf [dreg:s8], $0x2FFFF;
	_ =	strace $0x9FFFFFFF  }
0xc4: {  	(tm) =	ssettm $0x7FFFFFFF  }
0xc5: {  	_ =	shalt  }
tec
execute0_lowered:
.L_overlay_start_1:
0x0: {  	(tag) =	ssettag $0x1  }
0x1: {  	s0 =	srdreg.scid;
	s2 =	stileid.u32  }
0x2: {  	s0 =	sand.u32 $0x1, s0;
	s3 =	sshll.u32 s2, $0x1  }
0x3: {  	s4 =	sor.u32 s0, s3  }
0x4: {  	s1 =	rddreg [dreg:$0x0];
	s5 =	smul.u32 $0x180, s4  }
0x5: {  	s6 =	rddreg [dreg:$0x2];
	s7 =	smul.u32 $0xC00, s4  }
0x6: {  	s2 =	rddreg [dreg:$0x1];
	s3 =	simm.s32 $0x0  }
0x7: {  	[smem:$0x7FF] =	sst s3;
	s1 =	sadd.s32 s5, s1;
	s7 =	sadd.s32 s6, s7  }
0x8: {  	_ =	strace $0x80000047;
	s1 =	sadd.s32 $0x400, s1;
	[dreg:$0x19] =	wrdreg s7  }
0x9: {  	s5 =	sadd.s32 $0x18000, s7;
	[dreg:$0x4] =	wrdreg s1  }
0xa: {  	s8 =	sadd.s32 $0x30000, s7;
	[dreg:$0x5] =	wrdreg s5  }
0xb: {  	s9 =	sadd.s32 $0x48000, s7;
	[dreg:$0x6] =	wrdreg s8  }
0xc: {  	s10 =	sadd.s32 $0x60000, s7;
	[dreg:$0x7] =	wrdreg s9  }
0xd: {  	s11 =	sadd.s32 $0x78000, s7;
	[dreg:$0x8] =	wrdreg s10  }
0xe: {  	s12 =	sadd.s32 $0x90000, s7;
	[dreg:$0x9] =	wrdreg s11  }
0xf: {  	s13 =	sadd.s32 $0xA8000, s7;
	[dreg:$0xa] =	wrdreg s12  }
0x10: {  	s14 =	sadd.s32 $0xC0000, s7;
	[dreg:$0xb] =	wrdreg s13  }
0x11: {  	s15 =	sadd.s32 $0xD8000, s7;
	[dreg:$0xc] =	wrdreg s14  }
0x12: {  	s28 =	simm.s32 $0x8;
	s16 =	sadd.s32 $0xF0000, s7;
	[dreg:$0xd] =	wrdreg s15  }
0x13: {  	s29 =	simm.s32 $0x5;
	s17 =	sadd.s32 $0x108000, s7;
	[dreg:$0xe] =	wrdreg s16  }
0x14: {  	s30 =	simm.s32 $0x9;
	s18 =	sadd.s32 $0x120000, s7;
	[dreg:$0xf] =	wrdreg s17  }
0x15: {  	s0 =	ssub.s32 $0x2, s0;
	s20 =	sadd.s32 $0x138000, s7;
	[dreg:$0x10] =	wrdreg s18  }
0x16: {  	s19 =	sshrl.u32 s0, $0x1;
	s21 =	sadd.s32 $0x150000, s7;
	[dreg:$0x11] =	wrdreg s20  }
0x17: {  	s4 =	smin.u32 s4, $0x1C;
	s22 =	sadd.s32 $0x168000, s7;
	[dreg:$0x12] =	wrdreg s21  }
0x18: {  	s4 =	smul.u32 $0x18, s4;
	s23 =	sadd.s32 $0x180000, s7;
	[dreg:$0x13] =	wrdreg s22  }
0x19: {  	s0 =	ssub.s32 s0, s19;
	s24 =	sadd.s32 $0x198000, s7;
	[dreg:$0x14] =	wrdreg s23  }
0x1a: {  	s4 =	sor.u32 $0x3C00, s4;
	s25 =	sadd.s32 $0x1B0000, s7;
	[dreg:$0x15] =	wrdreg s24  }
0x1b: {  	s26 =	sadd.s32 $0x1C8000, s7;
	s7 =	sadd.s32 $0x300, s2;
	[dreg:$0x16] =	wrdreg s25  }
0x1c: {  	s4 =	smin.u32 s4, $0x3EA0;
	s5 =	sadd.s32 $0x100, s2;
	[dreg:$0x17] =	wrdreg s26  }
0x1d: {  	s8 =	smax.u32 s0, $0x1;
	s25 =	simm.s32 $0x1;
	s18 =	simm.s32 $0x2  }
0x1e: {  	v2 =	vlaneseq.u32;
	s1 =	simm.s32 $0x6;
	s0 =	simm.s32 $0x3;
	s4 =	sshll.u32 s4, $0x7  }
0x1f: {  	vm0 =	vmmov $0xffff;
	v1 =	vshrl.u32 v2, $0x3;
	s9 =	simm.s32 $0x7;
	s24 =	simm.s32 $0x4;
	s31 =	sadd.s32 s6, s4  }
0x20: {  	v0 =	vand.u32 $0x7, v2;
	v2 =	vor.u32 $0x8, v2;
	v1 =	vmul.u32 $0x8, v1;
	s11 =	simm.s32 $0xA;
	s6 =	sadd.s32 $0x200, s2;
	[dreg:$0x18] =	wrdreg s31  }
.LBB2_1:
0x21: {  	s12 =	rddreg [dreg:$0x4];
	s13 =	simm.s32 $0xB  }
0x22: {  	[tilespmem:s3], [sflag:$0xB] =	stream.linear.gather [hbm4b:s12+s3], $0xA80, $0x38;
	[tilespmem:$0x1EC00] =	vst v63  }
0x23: {  	_ =	swait.ge [sflag:s13], $0xA80  }
0x24: {  	[sflag:s13] =	ssyncset.done $0x0  }
0x25: {  	[sflag:s13] =	ssyncadd.s32 $0xFFFFF580  }
0x26: {  	v3 =	vld [tilespmem:$0x0];
	_ =	sdelay $0x4  }
0x27: {  	v4 =	vshll.u32 v3, $0x3  }
0x28: {  	v3 =	vand.u32 $0x7, v3;
	v4 =	vand.u32 $0xFFFFFFC0, v4  }
0x29: {  	v3 =	vor.u32 v3, v4  }
0x2a: {  	v4 =	vperm.xlane v3, v0;
	_ =	sdelay $0x1  }
0x2b: {  	v4 =	vadd.s32 v1, v4;
	_ =	sdelay $0x3  }
0x2c: {  	s4 =	simm.s32 $0xC00  }
0x2d: {  	[tilespmem:s4], [sflag:$0x1] =	stream.indirect_vreg.gather [hbm4b:s2+s3], $0x80, v4, vm0, $0xb8;
	[tilespmem:$0x1EC00] =	vst v63  }
0x2e: {  	s14 =	simm.s32 $0x1400;
	v3 =	vperm.xlane v3, v2  }
0x2f: {  	[tilespmem:s14], [sflag:$0x1] =	stream.indirect_vreg.gather [hbm4b:s5+s3], $0x80, v4, vm0, $0xb8;
	[tilespmem:$0x1EC00] =	vst v63  }
0x30: {  	s15 =	simm.s32 $0x1C00;
	v3 =	vadd.s32 v1, v3  }
0x31: {  	[tilespmem:s15], [sflag:$0x1] =	stream.indirect_vreg.gather [hbm4b:s6+s3], $0x80, v4, vm0, $0xb8;
	[tilespmem:$0x1EC00] =	vst v63  }
0x32: {  	s16 =	simm.s32 $0x2400  }
0x33: {  	[tilespmem:s16], [sflag:$0x1] =	stream.indirect_vreg.gather [hbm4b:s7+s3], $0x80, v4, vm0, $0xb8;
	[tilespmem:$0x1EC00] =	vst v63  }
0x34: {  	s17 =	simm.s32 $0x2C00  }
0x35: {  	[tilespmem:s17], [sflag:$0x1] =	stream.indirect_vreg.gather [hbm4b:s2+s3], $0x80, v3, vm0, $0xb8;
	[tilespmem:$0x1EC00] =	vst v63  }
0x36: {  	s20 =	simm.s32 $0x3400  }
0x37: {  	[tilespmem:s20], [sflag:$0x1] =	stream.indirect_vreg.gather [hbm4b:s5+s3], $0x80, v3, vm0, $0xb8;
	[tilespmem:$0x1EC00] =	vst v63  }
0x38: {  	s21 =	simm.s32 $0x3C00  }
0x39: {  	[tilespmem:s21], [sflag:$0x1] =	stream.indirect_vreg.gather [hbm4b:s6+s3], $0x80, v3, vm0, $0xb8;
	[tilespmem:$0x1EC00] =	vst v63  }
0x3a: {  	s22 =	simm.s32 $0x4400  }
0x3b: {  	[tilespmem:s22], [sflag:$0x1] =	stream.indirect_vreg.gather [hbm4b:s7+s3], $0x80, v3, vm0, $0xb8;
	[tilespmem:$0x1EC00] =	vst v63  }
0x3c: {  	v3 =	vld.msk [tilespmem:$0x10], $0xff;
	_ =	sdelay $0x4  }
0x3d: {  	v23 =	vshll.u32 v3, $0x3  }
0x3e: {  	v3 =	vand.u32 $0x7, v3;
	v4 =	vand.u32 $0xFFFFFFC0, v23  }
0x3f: {  	v3 =	vor.u32 v3, v4  }
0x40: {  	v3 =	vperm.xlane v3, v0;
	_ =	sdelay $0x1  }
0x41: {  	v3 =	vadd.s32 v1, v3;
	_ =	sdelay $0x3  }
0x42: {  	s26 =	simm.s32 $0x4C00  }
0x43: {  	[tilespmem:s26], [sflag:$0x1] =	stream.indirect_vreg.gather [hbm4b:s2+s3], $0x80, v3, vm0, $0xb8;
	[tilespmem:$0x1EC00] =	vst v63  }
0x44: {  	s31 =	simm.s32 $0x5400  }
0x45: {  	[tilespmem:s31], [sflag:$0x1] =	stream.indirect_vreg.gather [hbm4b:s5+s3], $0x80, v3, vm0, $0xb8;
	[tilespmem:$0x1EC00] =	vst v63  }
0x46: {  	s4 =	simm.s32 $0x5C00  }
0x47: {  	[tilespmem:s4], [sflag:$0x1] =	stream.indirect_vreg.gather [hbm4b:s6+s3], $0x80, v3, vm0, $0xb8;
	[tilespmem:$0x1EC00] =	vst v63  }
0x48: {  	s10 =	simm.s32 $0x6400  }
0x49: {  	[tilespmem:s10], [sflag:$0x1] =	stream.indirect_vreg.gather [hbm4b:s7+s3], $0x80, v3, vm0, $0xb8;
	[tilespmem:$0x1EC00] =	vst v63  }
0x4a: {  	v3 =	vld [tilespmem:$0x80];
	_ =	sdelay $0x4  }
0x4b: {  	v24 =	vshll.u32 v3, $0x3  }
0x4c: {  	v3 =	vand.u32 $0x7, v3;
	v4 =	vand.u32 $0xFFFFFFC0, v24  }
0x4d: {  	v3 =	vor.u32 v3, v4  }
0x4e: {  	v4 =	vperm.xlane v3, v0;
	_ =	sdelay $0x1  }
0x4f: {  	v4 =	vadd.s32 v1, v4;
	_ =	sdelay $0x3  }
0x50: {  	s12 =	simm.s32 $0x6C00  }
0x51: {  	[tilespmem:s12], [sflag:$0x2] =	stream.indirect_vreg.gather [hbm4b:s2+s3], $0x80, v4, vm0, $0xb8;
	[tilespmem:$0x1EC00] =	vst v63  }
0x52: {  	s21 =	simm.s32 $0x7400;
	v3 =	vperm.xlane v3, v2  }
0x53: {  	[tilespmem:s21], [sflag:$0x2] =	stream.indirect_vreg.gather [hbm4b:s5+s3], $0x80, v4, vm0, $0xb8;
	[tilespmem:$0x1EC00] =	vst v63  }
0x54: {  	s26 =	simm.s32 $0x7C00;
	v3 =	vadd.s32 v1, v3  }
0x55: {  	[tilespmem:s26], [sflag:$0x2] =	stream.indirect_vreg.gather [hbm4b:s6+s3], $0x80, v4, vm0, $0xb8;
	[tilespmem:$0x1EC00] =	vst v63  }
0x56: {  	s31 =	simm.s32 $0x8400  }
0x57: {  	[tilespmem:s31], [sflag:$0x2] =	stream.indirect_vreg.gather [hbm4b:s7+s3], $0x80, v4, vm0, $0xb8;
	[tilespmem:$0x1EC00] =	vst v63  }
0x58: {  	s10 =	simm.s32 $0x8C00  }
0x59: {  	[tilespmem:s10], [sflag:$0x2] =	stream.indirect_vreg.gather [hbm4b:s2+s3], $0x80, v3, vm0, $0xb8;
	[tilespmem:$0x1EC00] =	vst v63  }
0x5a: {  	s12 =	simm.s32 $0x9400  }
0x5b: {  	[tilespmem:s12], [sflag:$0x2] =	stream.indirect_vreg.gather [hbm4b:s5+s3], $0x80, v3, vm0, $0xb8;
	[tilespmem:$0x1EC00] =	vst v63  }
0x5c: {  	s26 =	simm.s32 $0x9C00  }
0x5d: {  	[tilespmem:s26], [sflag:$0x2] =	stream.indirect_vreg.gather [hbm4b:s6+s3], $0x80, v3, vm0, $0xb8;
	[tilespmem:$0x1EC00] =	vst v63  }
0x5e: {  	s31 =	simm.s32 $0xA400  }
0x5f: {  	[tilespmem:s31], [sflag:$0x2] =	stream.indirect_vreg.gather [hbm4b:s7+s3], $0x80, v3, vm0, $0xb8;
	[tilespmem:$0x1EC00] =	vst v63  }
0x60: {  	v3 =	vld.msk [tilespmem:$0x90], $0xff;
	_ =	sdelay $0x4  }
0x61: {  	v25 =	vshll.u32 v3, $0x3  }
0x62: {  	v3 =	vand.u32 $0x7, v3;
	v4 =	vand.u32 $0xFFFFFFC0, v25  }
0x63: {  	v3 =	vor.u32 v3, v4  }
0x64: {  	v3 =	vperm.xlane v3, v0;
	_ =	sdelay $0x1  }
0x65: {  	v3 =	vadd.s32 v1, v3;
	_ =	sdelay $0x3  }
0x66: {  	s10 =	simm.s32 $0xAC00  }
0x67: {  	[tilespmem:s10], [sflag:$0x2] =	stream.indirect_vreg.gather [hbm4b:s2+s3], $0x80, v3, vm0, $0xb8;
	[tilespmem:$0x1EC00] =	vst v63  }
0x68: {  	s12 =	simm.s32 $0xB400  }
0x69: {  	[tilespmem:s12], [sflag:$0x2] =	stream.indirect_vreg.gather [hbm4b:s5+s3], $0x80, v3, vm0, $0xb8;
	[tilespmem:$0x1EC00] =	vst v63  }
0x6a: {  	s31 =	simm.s32 $0xBC00  }
0x6b: {  	[tilespmem:s31], [sflag:$0x2] =	stream.indirect_vreg.gather [hbm4b:s6+s3], $0x80, v3, vm0, $0xb8;
	[tilespmem:$0x1EC00] =	vst v63  }
0x6c: {  	s10 =	simm.s32 $0xC400  }
0x6d: {  	[tilespmem:s10], [sflag:$0x2] =	stream.indirect_vreg.gather [hbm4b:s7+s3], $0x80, v3, vm0, $0xb8;
	[tilespmem:$0x1EC00] =	vst v63  }
0x6e: {  	v3 =	vld [tilespmem:$0x100];
	_ =	sdelay $0x4  }
0x6f: {  	v26 =	vshll.u32 v3, $0x3  }
0x70: {  	v3 =	vand.u32 $0x7, v3;
	v4 =	vand.u32 $0xFFFFFFC0, v26  }
0x71: {  	v3 =	vor.u32 v3, v4  }
0x72: {  	v4 =	vperm.xlane v3, v0;
	_ =	sdelay $0x1  }
0x73: {  	v4 =	vadd.s32 v1, v4;
	_ =	sdelay $0x3  }
0x74: {  	s10 =	simm.s32 $0xCC00  }
0x75: {  	[tilespmem:s10], [sflag:$0x3] =	stream.indirect_vreg.gather [hbm4b:s2+s3], $0x80, v4, vm0, $0xb8;
	[tilespmem:$0x1EC00] =	vst v63  }
0x76: {  	s12 =	simm.s32 $0xD400;
	v3 =	vperm.xlane v3, v2  }
0x77: {  	[tilespmem:s12], [sflag:$0x3] =	stream.indirect_vreg.gather [hbm4b:s5+s3], $0x80, v4, vm0, $0xb8;
	[tilespmem:$0x1EC00] =	vst v63  }
0x78: {  	v3 =	vadd.s32 v1, v3;
	s10 =	simm.s32 $0xDC00  }
0x79: {  	[tilespmem:s10], [sflag:$0x3] =	stream.indirect_vreg.gather [hbm4b:s6+s3], $0x80, v4, vm0, $0xb8;
	[tilespmem:$0x1EC00] =	vst v63  }
0x7a: {  	s12 =	simm.s32 $0xE400  }
0x7b: {  	[tilespmem:s12], [sflag:$0x3] =	stream.indirect_vreg.gather [hbm4b:s7+s3], $0x80, v4, vm0, $0xb8;
	[tilespmem:$0x1EC00] =	vst v63  }
0x7c: {  	s10 =	simm.s32 $0xEC00  }
0x7d: {  	[tilespmem:s10], [sflag:$0x3] =	stream.indirect_vreg.gather [hbm4b:s2+s3], $0x80, v3, vm0, $0xb8;
	[tilespmem:$0x1EC00] =	vst v63  }
0x7e: {  	s12 =	simm.s32 $0xF400  }
0x7f: {  	[tilespmem:s12], [sflag:$0x3] =	stream.indirect_vreg.gather [hbm4b:s5+s3], $0x80, v3, vm0, $0xb8;
	[tilespmem:$0x1EC00] =	vst v63  }
0x80: {  	s10 =	simm.s32 $0xFC00  }
0x81: {  	[tilespmem:s10], [sflag:$0x3] =	stream.indirect_vreg.gather [hbm4b:s6+s3], $0x80, v3, vm0, $0xb8;
	[tilespmem:$0x1EC00] =	vst v63  }
0x82: {  	s12 =	simm.s32 $0x10400  }
0x83: {  	[tilespmem:s12], [sflag:$0x3] =	stream.indirect_vreg.gather [hbm4b:s7+s3], $0x80, v3, vm0, $0xb8;
	[tilespmem:$0x1EC00] =	vst v63  }
0x84: {  	v3 =	vld.msk [tilespmem:$0x110], $0xff;
	_ =	sdelay $0x4  }
0x85: {  	v27 =	vshll.u32 v3, $0x3  }
0x86: {  	v3 =	vand.u32 $0x7, v3;
	v4 =	vand.u32 $0xFFFFFFC0, v27  }
0x87: {  	v3 =	vor.u32 v3, v4  }
0x88: {  	v3 =	vperm.xlane v3, v0;
	_ =	sdelay $0x1  }
0x89: {  	v3 =	vadd.s32 v1, v3;
	_ =	sdelay $0x3  }
0x8a: {  	s10 =	simm.s32 $0x10C00  }
0x8b: {  	[tilespmem:s10], [sflag:$0x3] =	stream.indirect_vreg.gather [hbm4b:s2+s3], $0x80, v3, vm0, $0xb8;
	[tilespmem:$0x1EC00] =	vst v63  }
0x8c: {  	s12 =	simm.s32 $0x11400  }
0x8d: {  	[tilespmem:s12], [sflag:$0x3] =	stream.indirect_vreg.gather [hbm4b:s5+s3], $0x80, v3, vm0, $0xb8;
	[tilespmem:$0x1EC00] =	vst v63  }
0x8e: {  	s10 =	simm.s32 $0x11C00  }
0x8f: {  	[tilespmem:s10], [sflag:$0x3] =	stream.indirect_vreg.gather [hbm4b:s6+s3], $0x80, v3, vm0, $0xb8;
	[tilespmem:$0x1EC00] =	vst v63  }
0x90: {  	s12 =	simm.s32 $0x12400  }
0x91: {  	[tilespmem:s12], [sflag:$0x3] =	stream.indirect_vreg.gather [hbm4b:s7+s3], $0x80, v3, vm0, $0xb8;
	[tilespmem:$0x1EC00] =	vst v63  }
0x92: {  	v3 =	vld [tilespmem:$0x180];
	_ =	sdelay $0x4  }
0x93: {  	v28 =	vshll.u32 v3, $0x3  }
0x94: {  	v3 =	vand.u32 $0x7, v3;
	v4 =	vand.u32 $0xFFFFFFC0, v28  }
0x95: {  	v3 =	vor.u32 v3, v4  }
0x96: {  	v4 =	vperm.xlane v3, v0;
	_ =	sdelay $0x1  }
0x97: {  	v4 =	vadd.s32 v1, v4;
	_ =	sdelay $0x3  }
0x98: {  	s10 =	simm.s32 $0x12C00  }
0x99: {  	[tilespmem:s10], [sflag:$0x4] =	stream.indirect_vreg.gather [hbm4b:s2+s3], $0x80, v4, vm0, $0xb8;
	[tilespmem:$0x1EC00] =	vst v63  }
0x9a: {  	s12 =	simm.s32 $0x13400;
	v3 =	vperm.xlane v3, v2  }
0x9b: {  	[tilespmem:s12], [sflag:$0x4] =	stream.indirect_vreg.gather [hbm4b:s5+s3], $0x80, v4, vm0, $0xb8;
	[tilespmem:$0x1EC00] =	vst v63  }
0x9c: {  	s4 =	simm.s32 $0x13C00;
	v3 =	vadd.s32 v1, v3  }
0x9d: {  	[tilespmem:s4], [sflag:$0x4] =	stream.indirect_vreg.gather [hbm4b:s6+s3], $0x80, v4, vm0, $0xb8;
	[tilespmem:$0x1EC00] =	vst v63  }
0x9e: {  	s12 =	simm.s32 $0x14400  }
0x9f: {  	[tilespmem:s12], [sflag:$0x4] =	stream.indirect_vreg.gather [hbm4b:s7+s3], $0x80, v4, vm0, $0xb8;
	[tilespmem:$0x1EC00] =	vst v63  }
0xa0: {  	s4 =	simm.s32 $0x14C00  }
0xa1: {  	[tilespmem:s4], [sflag:$0x4] =	stream.indirect_vreg.gather [hbm4b:s2+s3], $0x80, v3, vm0, $0xb8;
	[tilespmem:$0x1EC00] =	vst v63  }
0xa2: {  	s12 =	simm.s32 $0x15400  }
0xa3: {  	[tilespmem:s12], [sflag:$0x4] =	stream.indirect_vreg.gather [hbm4b:s5+s3], $0x80, v3, vm0, $0xb8;
	[tilespmem:$0x1EC00] =	vst v63  }
0xa4: {  	s4 =	simm.s32 $0x15C00  }
0xa5: {  	[tilespmem:s4], [sflag:$0x4] =	stream.indirect_vreg.gather [hbm4b:s6+s3], $0x80, v3, vm0, $0xb8;
	[tilespmem:$0x1EC00] =	vst v63  }
0xa6: {  	s12 =	simm.s32 $0x16400  }
0xa7: {  	[tilespmem:s12], [sflag:$0x4] =	stream.indirect_vreg.gather [hbm4b:s7+s3], $0x80, v3, vm0, $0xb8;
	[tilespmem:$0x1EC00] =	vst v63  }
0xa8: {  	v3 =	vld.msk [tilespmem:$0x190], $0xff;
	_ =	sdelay $0x4  }
0xa9: {  	v29 =	vshll.u32 v3, $0x3  }
0xaa: {  	v3 =	vand.u32 $0x7, v3;
	v4 =	vand.u32 $0xFFFFFFC0, v29  }
0xab: {  	v3 =	vor.u32 v3, v4  }
0xac: {  	v3 =	vperm.xlane v3, v0;
	_ =	sdelay $0x1  }
0xad: {  	v3 =	vadd.s32 v1, v3;
	_ =	sdelay $0x3  }
0xae: {  	s4 =	simm.s32 $0x16C00  }
0xaf: {  	[tilespmem:s4], [sflag:$0x4] =	stream.indirect_vreg.gather [hbm4b:s2+s3], $0x80, v3, vm0, $0xb8;
	[tilespmem:$0x1EC00] =	vst v63  }
0xb0: {  	s12 =	simm.s32 $0x17400  }
0xb1: {  	[tilespmem:s12], [sflag:$0x4] =	stream.indirect_vreg.gather [hbm4b:s5+s3], $0x80, v3, vm0, $0xb8;
	[tilespmem:$0x1EC00] =	vst v63  }
0xb2: {  	s4 =	simm.s32 $0x17C00  }
0xb3: {  	[tilespmem:s4], [sflag:$0x4] =	stream.indirect_vreg.gather [hbm4b:s6+s3], $0x80, v3, vm0, $0xb8;
	[tilespmem:$0x1EC00] =	vst v63  }
0xb4: {  	s12 =	simm.s32 $0x18400  }
0xb5: {  	[tilespmem:s12], [sflag:$0x4] =	stream.indirect_vreg.gather [hbm4b:s7+s3], $0x80, v3, vm0, $0xb8;
	[tilespmem:$0x1EC00] =	vst v63  }
0xb6: {  	_ =	swait.ge [sflag:s25], $0x6000  }
0xb7: {  	[sflag:s25] =	ssyncset.done $0x0  }
0xb8: {  	s10 =	simm.s32 $0xC00;
	s4 =	rddreg [dreg:$0x19];
	[sflag:s25] =	ssyncadd.s32 $0xFFFFA000  }
0xb9: {  	[hbm4b:s4+s3] =	stream.linear.scatter [tilespmem:s10], [sflag:$0x6], $0x6000, $0x38;
	[tilespmem:$0x1EC00] =	vst v63  }
0xba: {  	v3 =	vld [tilespmem:$0x200];
	_ =	sdelay $0x4  }
0xbb: {  	v30 =	vshll.u32 v3, $0x3  }
0xbc: {  	v3 =	vand.u32 $0x7, v3;
	v4 =	vand.u32 $0xFFFFFFC0, v30  }
0xbd: {  	v3 =	vor.u32 v3, v4  }
0xbe: {  	v4 =	vperm.xlane v3, v0;
	_ =	sdelay $0x1  }
0xbf: {  	v4 =	vadd.s32 v1, v4;
	_ =	sdelay $0x3  }
0xc0: {  	s12 =	simm.s32 $0x18C00  }
0xc1: {  	[tilespmem:s12], [sflag:$0x5] =	stream.indirect_vreg.gather [hbm4b:s2+s3], $0x80, v4, vm0, $0xb8;
	[tilespmem:$0x1EC00] =	vst v63  }
0xc2: {  	s4 =	simm.s32 $0x19400;
	v3 =	vperm.xlane v3, v2  }
0xc3: {  	[tilespmem:s4], [sflag:$0x5] =	stream.indirect_vreg.gather [hbm4b:s5+s3], $0x80, v4, vm0, $0xb8;
	[tilespmem:$0x1EC00] =	vst v63  }
0xc4: {  	v3 =	vadd.s32 v1, v3;
	s4 =	simm.s32 $0x19C00  }
0xc5: {  	[tilespmem:s4], [sflag:$0x5] =	stream.indirect_vreg.gather [hbm4b:s6+s3], $0x80, v4, vm0, $0xb8;
	[tilespmem:$0x1EC00] =	vst v63  }
0xc6: {  	s4 =	simm.s32 $0x1A400  }
0xc7: {  	[tilespmem:s4], [sflag:$0x5] =	stream.indirect_vreg.gather [hbm4b:s7+s3], $0x80, v4, vm0, $0xb8;
	[tilespmem:$0x1EC00] =	vst v63  }
0xc8: {  	s4 =	simm.s32 $0x1AC00  }
0xc9: {  	[tilespmem:s4], [sflag:$0x5] =	stream.indirect_vreg.gather [hbm4b:s2+s3], $0x80, v3, vm0, $0xb8;
	[tilespmem:$0x1EC00] =	vst v63  }
0xca: {  	s4 =	simm.s32 $0x1B400  }
0xcb: {  	[tilespmem:s4], [sflag:$0x5] =	stream.indirect_vreg.gather [hbm4b:s5+s3], $0x80, v3, vm0, $0xb8;
	[tilespmem:$0x1EC00] =	vst v63  }
0xcc: {  	s4 =	simm.s32 $0x1BC00  }
0xcd: {  	[tilespmem:s4], [sflag:$0x5] =	stream.indirect_vreg.gather [hbm4b:s6+s3], $0x80, v3, vm0, $0xb8;
	[tilespmem:$0x1EC00] =	vst v63  }
0xce: {  	s4 =	simm.s32 $0x1C400  }
0xcf: {  	[tilespmem:s4], [sflag:$0x5] =	stream.indirect_vreg.gather [hbm4b:s7+s3], $0x80, v3, vm0, $0xb8;
	[tilespmem:$0x1EC00] =	vst v63  }
0xd0: {  	v3 =	vld.msk [tilespmem:$0x210], $0xff;
	_ =	sdelay $0x4  }
0xd1: {  	v31 =	vshll.u32 v3, $0x3  }
0xd2: {  	v3 =	vand.u32 $0x7, v3;
	v4 =	vand.u32 $0xFFFFFFC0, v31  }
0xd3: {  	v3 =	vor.u32 v3, v4  }
0xd4: {  	v3 =	vperm.xlane v3, v0;
	_ =	sdelay $0x1  }
0xd5: {  	v3 =	vadd.s32 v1, v3;
	_ =	sdelay $0x3  }
0xd6: {  	s4 =	simm.s32 $0x1CC00  }
0xd7: {  	[tilespmem:s4], [sflag:$0x5] =	stream.indirect_vreg.gather [hbm4b:s2+s3], $0x80, v3, vm0, $0xb8;
	[tilespmem:$0x1EC00] =	vst v63  }
0xd8: {  	s4 =	simm.s32 $0x1D400  }
0xd9: {  	[tilespmem:s4], [sflag:$0x5] =	stream.indirect_vreg.gather [hbm4b:s5+s3], $0x80, v3, vm0, $0xb8;
	[tilespmem:$0x1EC00] =	vst v63  }
0xda: {  	s4 =	simm.s32 $0x1DC00  }
0xdb: {  	[tilespmem:s4], [sflag:$0x5] =	stream.indirect_vreg.gather [hbm4b:s6+s3], $0x80, v3, vm0, $0xb8;
	[tilespmem:$0x1EC00] =	vst v63  }
0xdc: {  	s4 =	simm.s32 $0x1E400  }
0xdd: {  	[tilespmem:s4], [sflag:$0x5] =	stream.indirect_vreg.gather [hbm4b:s7+s3], $0x80, v3, vm0, $0xb8;
	[tilespmem:$0x1EC00] =	vst v63  }
0xde: {  	_ =	swait.ge [sflag:s18], $0x6000  }
0xdf: {  	[sflag:s18] =	ssyncset.done $0x0  }
0xe0: {  	s4 =	simm.s32 $0x6C00;
	s12 =	rddreg [dreg:$0x5];
	[sflag:s18] =	ssyncadd.s32 $0xFFFFA000  }
0xe1: {  	[hbm4b:s12+s3] =	stream.linear.scatter [tilespmem:s4], [sflag:$0x7], $0x6000, $0x38;
	[tilespmem:$0x1EC00] =	vst v63  }
0xe2: {  	_ =	swait.ge [sflag:s1], $0x6000  }
0xe3: {  	[sflag:s1] =	ssyncset.done $0x0  }
0xe4: {  	[sflag:s1] =	ssyncadd.s32 $0xFFFFA000  }
0xe5: {  	v3 =	vld [tilespmem:$0x280];
	_ =	sdelay $0x4  }
0xe6: {  	v32 =	vshll.u32 v3, $0x3  }
0xe7: {  	v3 =	vand.u32 $0x7, v3;
	v4 =	vand.u32 $0xFFFFFFC0, v32  }
0xe8: {  	v3 =	vor.u32 v3, v4  }
0xe9: {  	v4 =	vperm.xlane v3, v0;
	_ =	sdelay $0x1  }
0xea: {  	v4 =	vadd.s32 v1, v4;
	_ =	sdelay $0x4  }
0xeb: {  	[tilespmem:s10], [sflag:$0x1] =	stream.indirect_vreg.gather [hbm4b:s2+s3], $0x80, v4, vm0, $0xb8;
	[tilespmem:$0x1EC00] =	vst v63  }
0xec: {  	s23 =	simm.s32 $0x1400;
	v3 =	vperm.xlane v3, v2  }
0xed: {  	[tilespmem:s23], [sflag:$0x1] =	stream.indirect_vreg.gather [hbm4b:s5+s3], $0x80, v4, vm0, $0xb8;
	[tilespmem:$0x1EC00] =	vst v63  }
0xee: {  	s19 =	simm.s32 $0x1C00;
	v3 =	vadd.s32 v1, v3  }
0xef: {  	[tilespmem:s19], [sflag:$0x1] =	stream.indirect_vreg.gather [hbm4b:s6+s3], $0x80, v4, vm0, $0xb8;
	[tilespmem:$0x1EC00] =	vst v63  }
0xf0: {  	s23 =	simm.s32 $0x2400  }
0xf1: {  	[tilespmem:s23], [sflag:$0x1] =	stream.indirect_vreg.gather [hbm4b:s7+s3], $0x80, v4, vm0, $0xb8;
	[tilespmem:$0x1EC00] =	vst v63  }
0xf2: {  	s12 =	simm.s32 $0x2C00  }
0xf3: {  	[tilespmem:s12], [sflag:$0x1] =	stream.indirect_vreg.gather [hbm4b:s2+s3], $0x80, v3, vm0, $0xb8;
	[tilespmem:$0x1EC00] =	vst v63  }
0xf4: {  	s13 =	simm.s32 $0x3400  }
0xf5: {  	[tilespmem:s13], [sflag:$0x1] =	stream.indirect_vreg.gather [hbm4b:s5+s3], $0x80, v3, vm0, $0xb8;
	[tilespmem:$0x1EC00] =	vst v63  }
0xf6: {  	s15 =	simm.s32 $0x3C00  }
0xf7: {  	[tilespmem:s15], [sflag:$0x1] =	stream.indirect_vreg.gather [hbm4b:s6+s3], $0x80, v3, vm0, $0xb8;
	[tilespmem:$0x1EC00] =	vst v63  }
0xf8: {  	s20 =	simm.s32 $0x4400  }
0xf9: {  	[tilespmem:s20], [sflag:$0x1] =	stream.indirect_vreg.gather [hbm4b:s7+s3], $0x80, v3, vm0, $0xb8;
	[tilespmem:$0x1EC00] =	vst v63  }
0xfa: {  	v3 =	vld.msk [tilespmem:$0x290], $0xff;
	_ =	sdelay $0x4  }
0xfb: {  	v33 =	vshll.u32 v3, $0x3  }
0xfc: {  	v3 =	vand.u32 $0x7, v3;
	v4 =	vand.u32 $0xFFFFFFC0, v33  }
0xfd: {  	v3 =	vor.u32 v3, v4  }
0xfe: {  	v3 =	vperm.xlane v3, v0;
	_ =	sdelay $0x1  }
0xff: {  	v3 =	vadd.s32 v1, v3;
	_ =	sdelay $0x3  }
0x100: {  	s16 =	simm.s32 $0x4C00  }
0x101: {  	[tilespmem:s16], [sflag:$0x1] =	stream.indirect_vreg.gather [hbm4b:s2+s3], $0x80, v3, vm0, $0xb8;
	[tilespmem:$0x1EC00] =	vst v63  }
0x102: {  	s14 =	simm.s32 $0x5400  }
0x103: {  	[tilespmem:s14], [sflag:$0x1] =	stream.indirect_vreg.gather [hbm4b:s5+s3], $0x80, v3, vm0, $0xb8;
	[tilespmem:$0x1EC00] =	vst v63  }
0x104: {  	s17 =	simm.s32 $0x5C00  }
0x105: {  	[tilespmem:s17], [sflag:$0x1] =	stream.indirect_vreg.gather [hbm4b:s6+s3], $0x80, v3, vm0, $0xb8;
	[tilespmem:$0x1EC00] =	vst v63  }
0x106: {  	s22 =	simm.s32 $0x6400  }
0x107: {  	[tilespmem:s22], [sflag:$0x1] =	stream.indirect_vreg.gather [hbm4b:s7+s3], $0x80, v3, vm0, $0xb8;
	[tilespmem:$0x1EC00] =	vst v63  }
0x108: {  	_ =	swait.ge [sflag:s0], $0x6000  }
0x109: {  	[sflag:s0] =	ssyncset.done $0x0  }
0x10a: {  	s13 =	simm.s32 $0xCC00;
	s15 =	rddreg [dreg:$0x6];
	[sflag:s0] =	ssyncadd.s32 $0xFFFFA000  }
0x10b: {  	[hbm4b:s15+s3] =	stream.linear.scatter [tilespmem:s13], [sflag:$0x8], $0x6000, $0x38;
	[tilespmem:$0x1EC00] =	vst v63  }
0x10c: {  	_ =	swait.ge [sflag:s9], $0x6000  }
0x10d: {  	[sflag:s9] =	ssyncset.done $0x0  }
0x10e: {  	[sflag:s9] =	ssyncadd.s32 $0xFFFFA000  }
0x10f: {  	v3 =	vld [tilespmem:$0x300];
	_ =	sdelay $0x4  }
0x110: {  	v34 =	vshll.u32 v3, $0x3  }
0x111: {  	v3 =	vand.u32 $0x7, v3;
	v4 =	vand.u32 $0xFFFFFFC0, v34  }
0x112: {  	v3 =	vor.u32 v3, v4  }
0x113: {  	v4 =	vperm.xlane v3, v0;
	_ =	sdelay $0x1  }
0x114: {  	v4 =	vadd.s32 v1, v4;
	_ =	sdelay $0x4  }
0x115: {  	[tilespmem:s4], [sflag:$0x2] =	stream.indirect_vreg.gather [hbm4b:s2+s3], $0x80, v4, vm0, $0xb8;
	[tilespmem:$0x1EC00] =	vst v63  }
0x116: {  	s21 =	simm.s32 $0x7400;
	v3 =	vperm.xlane v3, v2  }
0x117: {  	[tilespmem:s21], [sflag:$0x2] =	stream.indirect_vreg.gather [hbm4b:s5+s3], $0x80, v4, vm0, $0xb8;
	[tilespmem:$0x1EC00] =	vst v63  }
0x118: {  	s16 =	simm.s32 $0x7C00;
	v3 =	vadd.s32 v1, v3  }
0x119: {  	[tilespmem:s16], [sflag:$0x2] =	stream.indirect_vreg.gather [hbm4b:s6+s3], $0x80, v4, vm0, $0xb8;
	[tilespmem:$0x1EC00] =	vst v63  }
0x11a: {  	s17 =	simm.s32 $0x8400  }
0x11b: {  	[tilespmem:s17], [sflag:$0x2] =	stream.indirect_vreg.gather [hbm4b:s7+s3], $0x80, v4, vm0, $0xb8;
	[tilespmem:$0x1EC00] =	vst v63  }
0x11c: {  	s19 =	simm.s32 $0x8C00  }
0x11d: {  	[tilespmem:s19], [sflag:$0x2] =	stream.indirect_vreg.gather [hbm4b:s2+s3], $0x80, v3, vm0, $0xb8;
	[tilespmem:$0x1EC00] =	vst v63  }
0x11e: {  	s20 =	simm.s32 $0x9400  }
0x11f: {  	[tilespmem:s20], [sflag:$0x2] =	stream.indirect_vreg.gather [hbm4b:s5+s3], $0x80, v3, vm0, $0xb8;
	[tilespmem:$0x1EC00] =	vst v63  }
0x120: {  	s21 =	simm.s32 $0x9C00  }
0x121: {  	[tilespmem:s21], [sflag:$0x2] =	stream.indirect_vreg.gather [hbm4b:s6+s3], $0x80, v3, vm0, $0xb8;
	[tilespmem:$0x1EC00] =	vst v63  }
0x122: {  	s26 =	simm.s32 $0xA400  }
0x123: {  	[tilespmem:s26], [sflag:$0x2] =	stream.indirect_vreg.gather [hbm4b:s7+s3], $0x80, v3, vm0, $0xb8;
	[tilespmem:$0x1EC00] =	vst v63  }
0x124: {  	v3 =	vld.msk [tilespmem:$0x310], $0xff;
	_ =	sdelay $0x4  }
0x125: {  	v35 =	vshll.u32 v3, $0x3  }
0x126: {  	v3 =	vand.u32 $0x7, v3;
	v4 =	vand.u32 $0xFFFFFFC0, v35  }
0x127: {  	v3 =	vor.u32 v3, v4  }
0x128: {  	v3 =	vperm.xlane v3, v0;
	_ =	sdelay $0x1  }
0x129: {  	v3 =	vadd.s32 v1, v3;
	_ =	sdelay $0x3  }
0x12a: {  	s22 =	simm.s32 $0xAC00  }
0x12b: {  	[tilespmem:s22], [sflag:$0x2] =	stream.indirect_vreg.gather [hbm4b:s2+s3], $0x80, v3, vm0, $0xb8;
	[tilespmem:$0x1EC00] =	vst v63  }
0x12c: {  	s23 =	simm.s32 $0xB400  }
0x12d: {  	[tilespmem:s23], [sflag:$0x2] =	stream.indirect_vreg.gather [hbm4b:s5+s3], $0x80, v3, vm0, $0xb8;
	[tilespmem:$0x1EC00] =	vst v63  }
0x12e: {  	s26 =	simm.s32 $0xBC00  }
0x12f: {  	[tilespmem:s26], [sflag:$0x2] =	stream.indirect_vreg.gather [hbm4b:s6+s3], $0x80, v3, vm0, $0xb8;
	[tilespmem:$0x1EC00] =	vst v63  }
0x130: {  	s31 =	simm.s32 $0xC400  }
0x131: {  	[tilespmem:s31], [sflag:$0x2] =	stream.indirect_vreg.gather [hbm4b:s7+s3], $0x80, v3, vm0, $0xb8;
	[tilespmem:$0x1EC00] =	vst v63  }
0x132: {  	_ =	swait.ge [sflag:s24], $0x6000  }
0x133: {  	[sflag:s24] =	ssyncset.done $0x0  }
0x134: {  	s14 =	simm.s32 $0x12C00;
	s10 =	rddreg [dreg:$0x7];
	[sflag:s24] =	ssyncadd.s32 $0xFFFFA000  }
0x135: {  	[hbm4b:s10+s3] =	stream.linear.scatter [tilespmem:s14], [sflag:$0x9], $0x6000, $0x38;
	[tilespmem:$0x1EC00] =	vst v63  }
0x136: {  	_ =	swait.ge [sflag:s28], $0x6000  }
0x137: {  	[sflag:s28] =	ssyncset.done $0x0  }
0x138: {  	[sflag:s28] =	ssyncadd.s32 $0xFFFFA000  }
0x139: {  	v3 =	vld [tilespmem:$0x380];
	_ =	sdelay $0x4  }
0x13a: {  	v36 =	vshll.u32 v3, $0x3  }
0x13b: {  	v3 =	vand.u32 $0x7, v3;
	v4 =	vand.u32 $0xFFFFFFC0, v36  }
0x13c: {  	v3 =	vor.u32 v3, v4  }
0x13d: {  	v4 =	vperm.xlane v3, v0;
	_ =	sdelay $0x1  }
0x13e: {  	v4 =	vadd.s32 v1, v4;
	_ =	sdelay $0x4  }
0x13f: {  	[tilespmem:s13], [sflag:$0x3] =	stream.indirect_vreg.gather [hbm4b:s2+s3], $0x80, v4, vm0, $0xb8;
	[tilespmem:$0x1EC00] =	vst v63  }
0x140: {  	s16 =	simm.s32 $0xD400;
	v3 =	vperm.xlane v3, v2  }
0x141: {  	[tilespmem:s16], [sflag:$0x3] =	stream.indirect_vreg.gather [hbm4b:s5+s3], $0x80, v4, vm0, $0xb8;
	[tilespmem:$0x1EC00] =	vst v63  }
0x142: {  	s17 =	simm.s32 $0xDC00;
	v3 =	vadd.s32 v1, v3  }
0x143: {  	[tilespmem:s17], [sflag:$0x3] =	stream.indirect_vreg.gather [hbm4b:s6+s3], $0x80, v4, vm0, $0xb8;
	[tilespmem:$0x1EC00] =	vst v63  }
0x144: {  	s4 =	simm.s32 $0xE400  }
0x145: {  	[tilespmem:s4], [sflag:$0x3] =	stream.indirect_vreg.gather [hbm4b:s7+s3], $0x80, v4, vm0, $0xb8;
	[tilespmem:$0x1EC00] =	vst v63  }
0x146: {  	s23 =	simm.s32 $0xEC00  }
0x147: {  	[tilespmem:s23], [sflag:$0x3] =	stream.indirect_vreg.gather [hbm4b:s2+s3], $0x80, v3, vm0, $0xb8;
	[tilespmem:$0x1EC00] =	vst v63  }
0x148: {  	s19 =	simm.s32 $0xF400  }
0x149: {  	[tilespmem:s19], [sflag:$0x3] =	stream.indirect_vreg.gather [hbm4b:s5+s3], $0x80, v3, vm0, $0xb8;
	[tilespmem:$0x1EC00] =	vst v63  }
0x14a: {  	s20 =	simm.s32 $0xFC00  }
0x14b: {  	[tilespmem:s20], [sflag:$0x3] =	stream.indirect_vreg.gather [hbm4b:s6+s3], $0x80, v3, vm0, $0xb8;
	[tilespmem:$0x1EC00] =	vst v63  }
0x14c: {  	s16 =	simm.s32 $0x10400  }
0x14d: {  	[tilespmem:s16], [sflag:$0x3] =	stream.indirect_vreg.gather [hbm4b:s7+s3], $0x80, v3, vm0, $0xb8;
	[tilespmem:$0x1EC00] =	vst v63  }
0x14e: {  	v3 =	vld.msk [tilespmem:$0x390], $0xff;
	_ =	sdelay $0x4  }
0x14f: {  	v37 =	vshll.u32 v3, $0x3  }
0x150: {  	v3 =	vand.u32 $0x7, v3;
	v4 =	vand.u32 $0xFFFFFFC0, v37  }
0x151: {  	v3 =	vor.u32 v3, v4  }
0x152: {  	v3 =	vperm.xlane v3, v0;
	_ =	sdelay $0x1  }
0x153: {  	v3 =	vadd.s32 v1, v3;
	_ =	sdelay $0x3  }
0x154: {  	s21 =	simm.s32 $0x10C00  }
0x155: {  	[tilespmem:s21], [sflag:$0x3] =	stream.indirect_vreg.gather [hbm4b:s2+s3], $0x80, v3, vm0, $0xb8;
	[tilespmem:$0x1EC00] =	vst v63  }
0x156: {  	s22 =	simm.s32 $0x11400  }
0x157: {  	[tilespmem:s22], [sflag:$0x3] =	stream.indirect_vreg.gather [hbm4b:s5+s3], $0x80, v3, vm0, $0xb8;
	[tilespmem:$0x1EC00] =	vst v63  }
0x158: {  	s26 =	simm.s32 $0x11C00  }
0x159: {  	[tilespmem:s26], [sflag:$0x3] =	stream.indirect_vreg.gather [hbm4b:s6+s3], $0x80, v3, vm0, $0xb8;
	[tilespmem:$0x1EC00] =	vst v63  }
0x15a: {  	s31 =	simm.s32 $0x12400  }
0x15b: {  	[tilespmem:s31], [sflag:$0x3] =	stream.indirect_vreg.gather [hbm4b:s7+s3], $0x80, v3, vm0, $0xb8;
	[tilespmem:$0x1EC00] =	vst v63  }
0x15c: {  	_ =	swait.ge [sflag:s29], $0x6000  }
0x15d: {  	[sflag:s29] =	ssyncset.done $0x0  }
0x15e: {  	s31 =	simm.s32 $0x18C00;
	s13 =	rddreg [dreg:$0x8];
	[sflag:s29] =	ssyncadd.s32 $0xFFFFA000  }
0x15f: {  	[hbm4b:s13+s3] =	stream.linear.scatter [tilespmem:s31], [sflag:$0xA], $0x6000, $0x38;
	[tilespmem:$0x1EC00] =	vst v63  }
0x160: {  	_ =	swait.ge [sflag:s30], $0x6000  }
0x161: {  	[sflag:s30] =	ssyncset.done $0x0  }
0x162: {  	[sflag:s30] =	ssyncadd.s32 $0xFFFFA000  }
0x163: {  	v3 =	vld [tilespmem:$0x400];
	_ =	sdelay $0x4  }
0x164: {  	v38 =	vshll.u32 v3, $0x3  }
0x165: {  	v3 =	vand.u32 $0x7, v3;
	v4 =	vand.u32 $0xFFFFFFC0, v38  }
0x166: {  	v3 =	vor.u32 v3, v4  }
0x167: {  	v4 =	vperm.xlane v3, v0;
	_ =	sdelay $0x1  }
0x168: {  	v4 =	vadd.s32 v1, v4;
	_ =	sdelay $0x4  }
0x169: {  	[tilespmem:s14], [sflag:$0x4] =	stream.indirect_vreg.gather [hbm4b:s2+s3], $0x80, v4, vm0, $0xb8;
	[tilespmem:$0x1EC00] =	vst v63  }
0x16a: {  	s20 =	simm.s32 $0x13400;
	v3 =	vperm.xlane v3, v2  }
0x16b: {  	[tilespmem:s20], [sflag:$0x4] =	stream.indirect_vreg.gather [hbm4b:s5+s3], $0x80, v4, vm0, $0xb8;
	[tilespmem:$0x1EC00] =	vst v63  }
0x16c: {  	v3 =	vadd.s32 v1, v3;
	s14 =	simm.s32 $0x13C00  }
0x16d: {  	[tilespmem:s14], [sflag:$0x4] =	stream.indirect_vreg.gather [hbm4b:s6+s3], $0x80, v4, vm0, $0xb8;
	[tilespmem:$0x1EC00] =	vst v63  }
0x16e: {  	s19 =	simm.s32 $0x14400  }
0x16f: {  	[tilespmem:s19], [sflag:$0x4] =	stream.indirect_vreg.gather [hbm4b:s7+s3], $0x80, v4, vm0, $0xb8;
	[tilespmem:$0x1EC00] =	vst v63  }
0x170: {  	s21 =	simm.s32 $0x14C00  }
0x171: {  	[tilespmem:s21], [sflag:$0x4] =	stream.indirect_vreg.gather [hbm4b:s2+s3], $0x80, v3, vm0, $0xb8;
	[tilespmem:$0x1EC00] =	vst v63  }
0x172: {  	s14 =	simm.s32 $0x15400  }
0x173: {  	[tilespmem:s14], [sflag:$0x4] =	stream.indirect_vreg.gather [hbm4b:s5+s3], $0x80, v3, vm0, $0xb8;
	[tilespmem:$0x1EC00] =	vst v63  }
0x174: {  	s22 =	simm.s32 $0x15C00  }
0x175: {  	[tilespmem:s22], [sflag:$0x4] =	stream.indirect_vreg.gather [hbm4b:s6+s3], $0x80, v3, vm0, $0xb8;
	[tilespmem:$0x1EC00] =	vst v63  }
0x176: {  	s21 =	simm.s32 $0x16400  }
0x177: {  	[tilespmem:s21], [sflag:$0x4] =	stream.indirect_vreg.gather [hbm4b:s7+s3], $0x80, v3, vm0, $0xb8;
	[tilespmem:$0x1EC00] =	vst v63  }
0x178: {  	v3 =	vld.msk [tilespmem:$0x410], $0xff;
	_ =	sdelay $0x4  }
0x179: {  	v39 =	vshll.u32 v3, $0x3  }
0x17a: {  	v3 =	vand.u32 $0x7, v3;
	v4 =	vand.u32 $0xFFFFFFC0, v39  }
0x17b: {  	v3 =	vor.u32 v3, v4  }
0x17c: {  	v3 =	vperm.xlane v3, v0;
	_ =	sdelay $0x1  }
0x17d: {  	v3 =	vadd.s32 v1, v3;
	_ =	sdelay $0x3  }
0x17e: {  	s19 =	simm.s32 $0x16C00  }
0x17f: {  	[tilespmem:s19], [sflag:$0x4] =	stream.indirect_vreg.gather [hbm4b:s2+s3], $0x80, v3, vm0, $0xb8;
	[tilespmem:$0x1EC00] =	vst v63  }
0x180: {  	s22 =	simm.s32 $0x17400  }
0x181: {  	[tilespmem:s22], [sflag:$0x4] =	stream.indirect_vreg.gather [hbm4b:s5+s3], $0x80, v3, vm0, $0xb8;
	[tilespmem:$0x1EC00] =	vst v63  }
0x182: {  	s26 =	simm.s32 $0x17C00  }
0x183: {  	[tilespmem:s26], [sflag:$0x4] =	stream.indirect_vreg.gather [hbm4b:s6+s3], $0x80, v3, vm0, $0xb8;
	[tilespmem:$0x1EC00] =	vst v63  }
0x184: {  	s10 =	simm.s32 $0x18400  }
0x185: {  	[tilespmem:s10], [sflag:$0x4] =	stream.indirect_vreg.gather [hbm4b:s7+s3], $0x80, v3, vm0, $0xb8;
	[tilespmem:$0x1EC00] =	vst v63  }
0x186: {  	_ =	swait.ge [sflag:s25], $0x6000  }
0x187: {  	[sflag:s25] =	ssyncset.done $0x0  }
0x188: {  	s26 =	simm.s32 $0xC00;
	s12 =	rddreg [dreg:$0x9];
	[sflag:s25] =	ssyncadd.s32 $0xFFFFA000  }
0x189: {  	[hbm4b:s12+s3] =	stream.linear.scatter [tilespmem:s26], [sflag:$0x6], $0x6000, $0x38;
	[tilespmem:$0x1EC00] =	vst v63  }
0x18a: {  	_ =	swait.ge [sflag:s11], $0x6000  }
0x18b: {  	[sflag:s11] =	ssyncset.done $0x0  }
0x18c: {  	[sflag:s11] =	ssyncadd.s32 $0xFFFFA000  }
0x18d: {  	v3 =	vld [tilespmem:$0x480];
	_ =	sdelay $0x4  }
0x18e: {  	v40 =	vshll.u32 v3, $0x3  }
0x18f: {  	v3 =	vand.u32 $0x7, v3;
	v4 =	vand.u32 $0xFFFFFFC0, v40  }
0x190: {  	v3 =	vor.u32 v3, v4  }
0x191: {  	v4 =	vperm.xlane v3, v0;
	_ =	sdelay $0x1  }
0x192: {  	v4 =	vadd.s32 v1, v4;
	_ =	sdelay $0x4  }
0x193: {  	[tilespmem:s31], [sflag:$0x5] =	stream.indirect_vreg.gather [hbm4b:s2+s3], $0x80, v4, vm0, $0xb8;
	[tilespmem:$0x1EC00] =	vst v63  }
0x194: {  	v3 =	vperm.xlane v3, v2;
	s31 =	simm.s32 $0x19400  }
0x195: {  	[tilespmem:s31], [sflag:$0x5] =	stream.indirect_vreg.gather [hbm4b:s5+s3], $0x80, v4, vm0, $0xb8;
	[tilespmem:$0x1EC00] =	vst v63  }
0x196: {  	v3 =	vadd.s32 v1, v3;
	s31 =	simm.s32 $0x19C00  }
0x197: {  	[tilespmem:s31], [sflag:$0x5] =	stream.indirect_vreg.gather [hbm4b:s6+s3], $0x80, v4, vm0, $0xb8;
	[tilespmem:$0x1EC00] =	vst v63  }
0x198: {  	s31 =	simm.s32 $0x1A400  }
0x199: {  	[tilespmem:s31], [sflag:$0x5] =	stream.indirect_vreg.gather [hbm4b:s7+s3], $0x80, v4, vm0, $0xb8;
	[tilespmem:$0x1EC00] =	vst v63  }
0x19a: {  	s31 =	simm.s32 $0x1AC00  }
0x19b: {  	[tilespmem:s31], [sflag:$0x5] =	stream.indirect_vreg.gather [hbm4b:s2+s3], $0x80, v3, vm0, $0xb8;
	[tilespmem:$0x1EC00] =	vst v63  }
0x19c: {  	s31 =	simm.s32 $0x1B400  }
0x19d: {  	[tilespmem:s31], [sflag:$0x5] =	stream.indirect_vreg.gather [hbm4b:s5+s3], $0x80, v3, vm0, $0xb8;
	[tilespmem:$0x1EC00] =	vst v63  }
0x19e: {  	s31 =	simm.s32 $0x1BC00  }
0x19f: {  	[tilespmem:s31], [sflag:$0x5] =	stream.indirect_vreg.gather [hbm4b:s6+s3], $0x80, v3, vm0, $0xb8;
	[tilespmem:$0x1EC00] =	vst v63  }
0x1a0: {  	s31 =	simm.s32 $0x1C400  }
0x1a1: {  	[tilespmem:s31], [sflag:$0x5] =	stream.indirect_vreg.gather [hbm4b:s7+s3], $0x80, v3, vm0, $0xb8;
	[tilespmem:$0x1EC00] =	vst v63  }
0x1a2: {  	v3 =	vld.msk [tilespmem:$0x490], $0xff;
	_ =	sdelay $0x4  }
0x1a3: {  	v41 =	vshll.u32 v3, $0x3  }
0x1a4: {  	v3 =	vand.u32 $0x7, v3;
	v4 =	vand.u32 $0xFFFFFFC0, v41  }
0x1a5: {  	v3 =	vor.u32 v3, v4  }
0x1a6: {  	v3 =	vperm.xlane v3, v0;
	_ =	sdelay $0x1  }
0x1a7: {  	v3 =	vadd.s32 v1, v3;
	_ =	sdelay $0x3  }
0x1a8: {  	s31 =	simm.s32 $0x1CC00  }
0x1a9: {  	[tilespmem:s31], [sflag:$0x5] =	stream.indirect_vreg.gather [hbm4b:s2+s3], $0x80, v3, vm0, $0xb8;
	[tilespmem:$0x1EC00] =	vst v63  }
0x1aa: {  	s31 =	simm.s32 $0x1D400  }
0x1ab: {  	[tilespmem:s31], [sflag:$0x5] =	stream.indirect_vreg.gather [hbm4b:s5+s3], $0x80, v3, vm0, $0xb8;
	[tilespmem:$0x1EC00] =	vst v63  }
0x1ac: {  	s31 =	simm.s32 $0x1DC00  }
0x1ad: {  	[tilespmem:s31], [sflag:$0x5] =	stream.indirect_vreg.gather [hbm4b:s6+s3], $0x80, v3, vm0, $0xb8;
	[tilespmem:$0x1EC00] =	vst v63  }
0x1ae: {  	s31 =	simm.s32 $0x1E400  }
0x1af: {  	[tilespmem:s31], [sflag:$0x5] =	stream.indirect_vreg.gather [hbm4b:s7+s3], $0x80, v3, vm0, $0xb8;
	[tilespmem:$0x1EC00] =	vst v63  }
0x1b0: {  	_ =	swait.ge [sflag:s18], $0x6000  }
0x1b1: {  	[sflag:s18] =	ssyncset.done $0x0  }
0x1b2: {  	s15 =	simm.s32 $0x6C00;
	s31 =	rddreg [dreg:$0xa];
	[sflag:s18] =	ssyncadd.s32 $0xFFFFA000  }
0x1b3: {  	[hbm4b:s31+s3] =	stream.linear.scatter [tilespmem:s15], [sflag:$0x7], $0x6000, $0x38;
	[tilespmem:$0x1EC00] =	vst v63  }
0x1b4: {  	_ =	swait.ge [sflag:s1], $0x6000  }
0x1b5: {  	[sflag:s1] =	ssyncset.done $0x0  }
0x1b6: {  	[sflag:s1] =	ssyncadd.s32 $0xFFFFA000  }
0x1b7: {  	v3 =	vld [tilespmem:$0x500];
	_ =	sdelay $0x4  }
0x1b8: {  	v42 =	vshll.u32 v3, $0x3  }
0x1b9: {  	v3 =	vand.u32 $0x7, v3;
	v4 =	vand.u32 $0xFFFFFFC0, v42  }
0x1ba: {  	v3 =	vor.u32 v3, v4  }
0x1bb: {  	v4 =	vperm.xlane v3, v0;
	_ =	sdelay $0x1  }
0x1bc: {  	v4 =	vadd.s32 v1, v4;
	_ =	sdelay $0x4  }
0x1bd: {  	[tilespmem:s26], [sflag:$0x1] =	stream.indirect_vreg.gather [hbm4b:s2+s3], $0x80, v4, vm0, $0xb8;
	[tilespmem:$0x1EC00] =	vst v63  }
0x1be: {  	v3 =	vperm.xlane v3, v2;
	s26 =	simm.s32 $0x1400  }
0x1bf: {  	[tilespmem:s26], [sflag:$0x1] =	stream.indirect_vreg.gather [hbm4b:s5+s3], $0x80, v4, vm0, $0xb8;
	[tilespmem:$0x1EC00] =	vst v63  }
0x1c0: {  	v3 =	vadd.s32 v1, v3;
	s26 =	simm.s32 $0x1C00  }
0x1c1: {  	[tilespmem:s26], [sflag:$0x1] =	stream.indirect_vreg.gather [hbm4b:s6+s3], $0x80, v4, vm0, $0xb8;
	[tilespmem:$0x1EC00] =	vst v63  }
0x1c2: {  	s26 =	simm.s32 $0x2400  }
0x1c3: {  	[tilespmem:s26], [sflag:$0x1] =	stream.indirect_vreg.gather [hbm4b:s7+s3], $0x80, v4, vm0, $0xb8;
	[tilespmem:$0x1EC00] =	vst v63  }
0x1c4: {  	s26 =	simm.s32 $0x2C00  }
0x1c5: {  	[tilespmem:s26], [sflag:$0x1] =	stream.indirect_vreg.gather [hbm4b:s2+s3], $0x80, v3, vm0, $0xb8;
	[tilespmem:$0x1EC00] =	vst v63  }
0x1c6: {  	s26 =	simm.s32 $0x3400  }
0x1c7: {  	[tilespmem:s26], [sflag:$0x1] =	stream.indirect_vreg.gather [hbm4b:s5+s3], $0x80, v3, vm0, $0xb8;
	[tilespmem:$0x1EC00] =	vst v63  }
0x1c8: {  	s26 =	simm.s32 $0x3C00  }
0x1c9: {  	[tilespmem:s26], [sflag:$0x1] =	stream.indirect_vreg.gather [hbm4b:s6+s3], $0x80, v3, vm0, $0xb8;
	[tilespmem:$0x1EC00] =	vst v63  }
0x1ca: {  	s26 =	simm.s32 $0x4400  }
0x1cb: {  	[tilespmem:s26], [sflag:$0x1] =	stream.indirect_vreg.gather [hbm4b:s7+s3], $0x80, v3, vm0, $0xb8;
	[tilespmem:$0x1EC00] =	vst v63  }
0x1cc: {  	v3 =	vld.msk [tilespmem:$0x510], $0xff;
	_ =	sdelay $0x4  }
0x1cd: {  	v43 =	vshll.u32 v3, $0x3  }
0x1ce: {  	v3 =	vand.u32 $0x7, v3;
	v4 =	vand.u32 $0xFFFFFFC0, v43  }
0x1cf: {  	v3 =	vor.u32 v3, v4  }
0x1d0: {  	v3 =	vperm.xlane v3, v0;
	_ =	sdelay $0x1  }
0x1d1: {  	v3 =	vadd.s32 v1, v3;
	_ =	sdelay $0x3  }
0x1d2: {  	s26 =	simm.s32 $0x4C00  }
0x1d3: {  	[tilespmem:s26], [sflag:$0x1] =	stream.indirect_vreg.gather [hbm4b:s2+s3], $0x80, v3, vm0, $0xb8;
	[tilespmem:$0x1EC00] =	vst v63  }
0x1d4: {  	s26 =	simm.s32 $0x5400  }
0x1d5: {  	[tilespmem:s26], [sflag:$0x1] =	stream.indirect_vreg.gather [hbm4b:s5+s3], $0x80, v3, vm0, $0xb8;
	[tilespmem:$0x1EC00] =	vst v63  }
0x1d6: {  	s26 =	simm.s32 $0x5C00  }
0x1d7: {  	[tilespmem:s26], [sflag:$0x1] =	stream.indirect_vreg.gather [hbm4b:s6+s3], $0x80, v3, vm0, $0xb8;
	[tilespmem:$0x1EC00] =	vst v63  }
0x1d8: {  	s26 =	simm.s32 $0x6400  }
0x1d9: {  	[tilespmem:s26], [sflag:$0x1] =	stream.indirect_vreg.gather [hbm4b:s7+s3], $0x80, v3, vm0, $0xb8;
	[tilespmem:$0x1EC00] =	vst v63  }
0x1da: {  	_ =	swait.ge [sflag:s0], $0x6000  }
0x1db: {  	[sflag:s0] =	ssyncset.done $0x0  }
0x1dc: {  	s26 =	simm.s32 $0xCC00;
	s12 =	rddreg [dreg:$0xb];
	[sflag:s0] =	ssyncadd.s32 $0xFFFFA000  }
0x1dd: {  	[hbm4b:s12+s3] =	stream.linear.scatter [tilespmem:s26], [sflag:$0x8], $0x6000, $0x38;
	[tilespmem:$0x1EC00] =	vst v63  }
0x1de: {  	_ =	swait.ge [sflag:s9], $0x6000  }
0x1df: {  	[sflag:s9] =	ssyncset.done $0x0  }
0x1e0: {  	[sflag:s9] =	ssyncadd.s32 $0xFFFFA000  }
0x1e1: {  	v3 =	vld [tilespmem:$0x580];
	_ =	sdelay $0x4  }
0x1e2: {  	v44 =	vshll.u32 v3, $0x3  }
0x1e3: {  	v3 =	vand.u32 $0x7, v3;
	v4 =	vand.u32 $0xFFFFFFC0, v44  }
0x1e4: {  	v3 =	vor.u32 v3, v4  }
0x1e5: {  	v4 =	vperm.xlane v3, v0;
	_ =	sdelay $0x1  }
0x1e6: {  	v4 =	vadd.s32 v1, v4;
	_ =	sdelay $0x4  }
0x1e7: {  	[tilespmem:s15], [sflag:$0x2] =	stream.indirect_vreg.gather [hbm4b:s2+s3], $0x80, v4, vm0, $0xb8;
	[tilespmem:$0x1EC00] =	vst v63  }
0x1e8: {  	v3 =	vperm.xlane v3, v2;
	s15 =	simm.s32 $0x7400  }
0x1e9: {  	[tilespmem:s15], [sflag:$0x2] =	stream.indirect_vreg.gather [hbm4b:s5+s3], $0x80, v4, vm0, $0xb8;
	[tilespmem:$0x1EC00] =	vst v63  }
0x1ea: {  	v3 =	vadd.s32 v1, v3;
	s15 =	simm.s32 $0x7C00  }
0x1eb: {  	[tilespmem:s15], [sflag:$0x2] =	stream.indirect_vreg.gather [hbm4b:s6+s3], $0x80, v4, vm0, $0xb8;
	[tilespmem:$0x1EC00] =	vst v63  }
0x1ec: {  	s15 =	simm.s32 $0x8400  }
0x1ed: {  	[tilespmem:s15], [sflag:$0x2] =	stream.indirect_vreg.gather [hbm4b:s7+s3], $0x80, v4, vm0, $0xb8;
	[tilespmem:$0x1EC00] =	vst v63  }
0x1ee: {  	s15 =	simm.s32 $0x8C00  }
0x1ef: {  	[tilespmem:s15], [sflag:$0x2] =	stream.indirect_vreg.gather [hbm4b:s2+s3], $0x80, v3, vm0, $0xb8;
	[tilespmem:$0x1EC00] =	vst v63  }
0x1f0: {  	s15 =	simm.s32 $0x9400  }
0x1f1: {  	[tilespmem:s15], [sflag:$0x2] =	stream.indirect_vreg.gather [hbm4b:s5+s3], $0x80, v3, vm0, $0xb8;
	[tilespmem:$0x1EC00] =	vst v63  }
0x1f2: {  	s15 =	simm.s32 $0x9C00  }
0x1f3: {  	[tilespmem:s15], [sflag:$0x2] =	stream.indirect_vreg.gather [hbm4b:s6+s3], $0x80, v3, vm0, $0xb8;
	[tilespmem:$0x1EC00] =	vst v63  }
0x1f4: {  	s15 =	simm.s32 $0xA400  }
0x1f5: {  	[tilespmem:s15], [sflag:$0x2] =	stream.indirect_vreg.gather [hbm4b:s7+s3], $0x80, v3, vm0, $0xb8;
	[tilespmem:$0x1EC00] =	vst v63  }
0x1f6: {  	v3 =	vld.msk [tilespmem:$0x590], $0xff;
	_ =	sdelay $0x4  }
0x1f7: {  	v45 =	vshll.u32 v3, $0x3  }
0x1f8: {  	v3 =	vand.u32 $0x7, v3;
	v4 =	vand.u32 $0xFFFFFFC0, v45  }
0x1f9: {  	v3 =	vor.u32 v3, v4  }
0x1fa: {  	v3 =	vperm.xlane v3, v0;
	_ =	sdelay $0x1  }
0x1fb: {  	v3 =	vadd.s32 v1, v3;
	_ =	sdelay $0x3  }
0x1fc: {  	s15 =	simm.s32 $0xAC00  }
0x1fd: {  	[tilespmem:s15], [sflag:$0x2] =	stream.indirect_vreg.gather [hbm4b:s2+s3], $0x80, v3, vm0, $0xb8;
	[tilespmem:$0x1EC00] =	vst v63  }
0x1fe: {  	s15 =	simm.s32 $0xB400  }
0x1ff: {  	[tilespmem:s15], [sflag:$0x2] =	stream.indirect_vreg.gather [hbm4b:s5+s3], $0x80, v3, vm0, $0xb8;
	[tilespmem:$0x1EC00] =	vst v63  }
0x200: {  	s15 =	simm.s32 $0xBC00  }
0x201: {  	[tilespmem:s15], [sflag:$0x2] =	stream.indirect_vreg.gather [hbm4b:s6+s3], $0x80, v3, vm0, $0xb8;
	[tilespmem:$0x1EC00] =	vst v63  }
0x202: {  	s15 =	simm.s32 $0xC400  }
0x203: {  	[tilespmem:s15], [sflag:$0x2] =	stream.indirect_vreg.gather [hbm4b:s7+s3], $0x80, v3, vm0, $0xb8;
	[tilespmem:$0x1EC00] =	vst v63  }
0x204: {  	_ =	swait.ge [sflag:s24], $0x6000  }
0x205: {  	[sflag:s24] =	ssyncset.done $0x0  }
0x206: {  	s13 =	simm.s32 $0x12C00;
	s15 =	rddreg [dreg:$0xc];
	[sflag:s24] =	ssyncadd.s32 $0xFFFFA000  }
0x207: {  	[hbm4b:s15+s3] =	stream.linear.scatter [tilespmem:s13], [sflag:$0x9], $0x6000, $0x38;
	[tilespmem:$0x1EC00] =	vst v63  }
0x208: {  	_ =	swait.ge [sflag:s28], $0x6000  }
0x209: {  	[sflag:s28] =	ssyncset.done $0x0  }
0x20a: {  	[sflag:s28] =	ssyncadd.s32 $0xFFFFA000  }
0x20b: {  	v3 =	vld [tilespmem:$0x600];
	_ =	sdelay $0x4  }
0x20c: {  	v46 =	vshll.u32 v3, $0x3  }
0x20d: {  	v3 =	vand.u32 $0x7, v3;
	v4 =	vand.u32 $0xFFFFFFC0, v46  }
0x20e: {  	v3 =	vor.u32 v3, v4  }
0x20f: {  	v4 =	vperm.xlane v3, v0;
	_ =	sdelay $0x1  }
0x210: {  	v4 =	vadd.s32 v1, v4;
	_ =	sdelay $0x4  }
0x211: {  	[tilespmem:s26], [sflag:$0x3] =	stream.indirect_vreg.gather [hbm4b:s2+s3], $0x80, v4, vm0, $0xb8;
	[tilespmem:$0x1EC00] =	vst v63  }
0x212: {  	v3 =	vperm.xlane v3, v2;
	s26 =	simm.s32 $0xD400  }
0x213: {  	[tilespmem:s26], [sflag:$0x3] =	stream.indirect_vreg.gather [hbm4b:s5+s3], $0x80, v4, vm0, $0xb8;
	[tilespmem:$0x1EC00] =	vst v63  }
0x214: {  	s17 =	simm.s32 $0xDC00;
	v3 =	vadd.s32 v1, v3  }
0x215: {  	[tilespmem:s17], [sflag:$0x3] =	stream.indirect_vreg.gather [hbm4b:s6+s3], $0x80, v4, vm0, $0xb8;
	[tilespmem:$0x1EC00] =	vst v63  }
0x216: {  	_ = 	snop  }
0x217: {  	[tilespmem:s4], [sflag:$0x3] =	stream.indirect_vreg.gather [hbm4b:s7+s3], $0x80, v4, vm0, $0xb8;
	[tilespmem:$0x1EC00] =	vst v63  }
0x218: {  	_ = 	snop  }
0x219: {  	[tilespmem:s23], [sflag:$0x3] =	stream.indirect_vreg.gather [hbm4b:s2+s3], $0x80, v3, vm0, $0xb8;
	[tilespmem:$0x1EC00] =	vst v63  }
0x21a: {  	s12 =	simm.s32 $0xF400  }
0x21b: {  	[tilespmem:s12], [sflag:$0x3] =	stream.indirect_vreg.gather [hbm4b:s5+s3], $0x80, v3, vm0, $0xb8;
	[tilespmem:$0x1EC00] =	vst v63  }
0x21c: {  	s15 =	simm.s32 $0xFC00  }
0x21d: {  	[tilespmem:s15], [sflag:$0x3] =	stream.indirect_vreg.gather [hbm4b:s6+s3], $0x80, v3, vm0, $0xb8;
	[tilespmem:$0x1EC00] =	vst v63  }
0x21e: {  	_ = 	snop  }
0x21f: {  	[tilespmem:s16], [sflag:$0x3] =	stream.indirect_vreg.gather [hbm4b:s7+s3], $0x80, v3, vm0, $0xb8;
	[tilespmem:$0x1EC00] =	vst v63  }
0x220: {  	v3 =	vld.msk [tilespmem:$0x610], $0xff;
	_ =	sdelay $0x4  }
0x221: {  	v47 =	vshll.u32 v3, $0x3  }
0x222: {  	v3 =	vand.u32 $0x7, v3;
	v4 =	vand.u32 $0xFFFFFFC0, v47  }
0x223: {  	v3 =	vor.u32 v3, v4  }
0x224: {  	v3 =	vperm.xlane v3, v0;
	_ =	sdelay $0x1  }
0x225: {  	v3 =	vadd.s32 v1, v3;
	_ =	sdelay $0x3  }
0x226: {  	s26 =	simm.s32 $0x10C00  }
0x227: {  	[tilespmem:s26], [sflag:$0x3] =	stream.indirect_vreg.gather [hbm4b:s2+s3], $0x80, v3, vm0, $0xb8;
	[tilespmem:$0x1EC00] =	vst v63  }
0x228: {  	s17 =	simm.s32 $0x11400  }
0x229: {  	[tilespmem:s17], [sflag:$0x3] =	stream.indirect_vreg.gather [hbm4b:s5+s3], $0x80, v3, vm0, $0xb8;
	[tilespmem:$0x1EC00] =	vst v63  }
0x22a: {  	s12 =	simm.s32 $0x11C00  }
0x22b: {  	[tilespmem:s12], [sflag:$0x3] =	stream.indirect_vreg.gather [hbm4b:s6+s3], $0x80, v3, vm0, $0xb8;
	[tilespmem:$0x1EC00] =	vst v63  }
0x22c: {  	s15 =	simm.s32 $0x12400  }
0x22d: {  	[tilespmem:s15], [sflag:$0x3] =	stream.indirect_vreg.gather [hbm4b:s7+s3], $0x80, v3, vm0, $0xb8;
	[tilespmem:$0x1EC00] =	vst v63  }
0x22e: {  	_ =	swait.ge [sflag:s29], $0x6000  }
0x22f: {  	[sflag:s29] =	ssyncset.done $0x0  }
0x230: {  	s17 =	simm.s32 $0x18C00;
	s16 =	rddreg [dreg:$0xd];
	[sflag:s29] =	ssyncadd.s32 $0xFFFFA000  }
0x231: {  	[hbm4b:s16+s3] =	stream.linear.scatter [tilespmem:s17], [sflag:$0xA], $0x6000, $0x38;
	[tilespmem:$0x1EC00] =	vst v63  }
0x232: {  	_ =	swait.ge [sflag:s30], $0x6000  }
0x233: {  	[sflag:s30] =	ssyncset.done $0x0  }
0x234: {  	[sflag:s30] =	ssyncadd.s32 $0xFFFFA000  }
0x235: {  	v3 =	vld [tilespmem:$0x680];
	_ =	sdelay $0x4  }
0x236: {  	v48 =	vshll.u32 v3, $0x3  }
0x237: {  	v3 =	vand.u32 $0x7, v3;
	v4 =	vand.u32 $0xFFFFFFC0, v48  }
0x238: {  	v3 =	vor.u32 v3, v4  }
0x239: {  	v4 =	vperm.xlane v3, v0;
	_ =	sdelay $0x1  }
0x23a: {  	v4 =	vadd.s32 v1, v4;
	_ =	sdelay $0x4  }
0x23b: {  	[tilespmem:s13], [sflag:$0x4] =	stream.indirect_vreg.gather [hbm4b:s2+s3], $0x80, v4, vm0, $0xb8;
	[tilespmem:$0x1EC00] =	vst v63  }
0x23c: {  	v3 =	vperm.xlane v3, v2  }
0x23d: {  	[tilespmem:s20], [sflag:$0x4] =	stream.indirect_vreg.gather [hbm4b:s5+s3], $0x80, v4, vm0, $0xb8;
	[tilespmem:$0x1EC00] =	vst v63  }
0x23e: {  	v3 =	vadd.s32 v1, v3;
	s20 =	simm.s32 $0x13C00  }
0x23f: {  	[tilespmem:s20], [sflag:$0x4] =	stream.indirect_vreg.gather [hbm4b:s6+s3], $0x80, v4, vm0, $0xb8;
	[tilespmem:$0x1EC00] =	vst v63  }
0x240: {  	s12 =	simm.s32 $0x14400  }
0x241: {  	[tilespmem:s12], [sflag:$0x4] =	stream.indirect_vreg.gather [hbm4b:s7+s3], $0x80, v4, vm0, $0xb8;
	[tilespmem:$0x1EC00] =	vst v63  }
0x242: {  	s13 =	simm.s32 $0x14C00  }
0x243: {  	[tilespmem:s13], [sflag:$0x4] =	stream.indirect_vreg.gather [hbm4b:s2+s3], $0x80, v3, vm0, $0xb8;
	[tilespmem:$0x1EC00] =	vst v63  }
0x244: {  	_ = 	snop  }
0x245: {  	[tilespmem:s14], [sflag:$0x4] =	stream.indirect_vreg.gather [hbm4b:s5+s3], $0x80, v3, vm0, $0xb8;
	[tilespmem:$0x1EC00] =	vst v63  }
0x246: {  	s14 =	simm.s32 $0x15C00  }
0x247: {  	[tilespmem:s14], [sflag:$0x4] =	stream.indirect_vreg.gather [hbm4b:s6+s3], $0x80, v3, vm0, $0xb8;
	[tilespmem:$0x1EC00] =	vst v63  }
0x248: {  	_ = 	snop  }
0x249: {  	[tilespmem:s21], [sflag:$0x4] =	stream.indirect_vreg.gather [hbm4b:s7+s3], $0x80, v3, vm0, $0xb8;
	[tilespmem:$0x1EC00] =	vst v63  }
0x24a: {  	v3 =	vld.msk [tilespmem:$0x690], $0xff;
	_ =	sdelay $0x4  }
0x24b: {  	v49 =	vshll.u32 v3, $0x3  }
0x24c: {  	v3 =	vand.u32 $0x7, v3;
	v4 =	vand.u32 $0xFFFFFFC0, v49  }
0x24d: {  	v3 =	vor.u32 v3, v4  }
0x24e: {  	v3 =	vperm.xlane v3, v0;
	_ =	sdelay $0x1  }
0x24f: {  	v3 =	vadd.s32 v1, v3;
	_ =	sdelay $0x4  }
0x250: {  	[tilespmem:s19], [sflag:$0x4] =	stream.indirect_vreg.gather [hbm4b:s2+s3], $0x80, v3, vm0, $0xb8;
	[tilespmem:$0x1EC00] =	vst v63  }
0x251: {  	_ = 	snop  }
0x252: {  	[tilespmem:s22], [sflag:$0x4] =	stream.indirect_vreg.gather [hbm4b:s5+s3], $0x80, v3, vm0, $0xb8;
	[tilespmem:$0x1EC00] =	vst v63  }
0x253: {  	s22 =	simm.s32 $0x17C00  }
0x254: {  	[tilespmem:s22], [sflag:$0x4] =	stream.indirect_vreg.gather [hbm4b:s6+s3], $0x80, v3, vm0, $0xb8;
	[tilespmem:$0x1EC00] =	vst v63  }
0x255: {  	_ = 	snop  }
0x256: {  	[tilespmem:s10], [sflag:$0x4] =	stream.indirect_vreg.gather [hbm4b:s7+s3], $0x80, v3, vm0, $0xb8;
	[tilespmem:$0x1EC00] =	vst v63  }
0x257: {  	_ =	swait.ge [sflag:s25], $0x6000  }
0x258: {  	[sflag:s25] =	ssyncset.done $0x0  }
0x259: {  	s31 =	simm.s32 $0xC00;
	s10 =	rddreg [dreg:$0xe];
	[sflag:s25] =	ssyncadd.s32 $0xFFFFA000  }
0x25a: {  	[hbm4b:s10+s3] =	stream.linear.scatter [tilespmem:s31], [sflag:$0x6], $0x6000, $0x38;
	[tilespmem:$0x1EC00] =	vst v63  }
0x25b: {  	_ =	swait.ge [sflag:s11], $0x6000  }
0x25c: {  	[sflag:s11] =	ssyncset.done $0x0  }
0x25d: {  	[sflag:s11] =	ssyncadd.s32 $0xFFFFA000  }
0x25e: {  	v3 =	vld [tilespmem:$0x700];
	_ =	sdelay $0x4  }
0x25f: {  	v50 =	vshll.u32 v3, $0x3  }
0x260: {  	v3 =	vand.u32 $0x7, v3;
	v4 =	vand.u32 $0xFFFFFFC0, v50  }
0x261: {  	v3 =	vor.u32 v3, v4  }
0x262: {  	v4 =	vperm.xlane v3, v0;
	_ =	sdelay $0x1  }
0x263: {  	v4 =	vadd.s32 v1, v4;
	_ =	sdelay $0x4  }
0x264: {  	[tilespmem:s17], [sflag:$0x5] =	stream.indirect_vreg.gather [hbm4b:s2+s3], $0x80, v4, vm0, $0xb8;
	[tilespmem:$0x1EC00] =	vst v63  }
0x265: {  	s13 =	simm.s32 $0x19400;
	v3 =	vperm.xlane v3, v2  }
0x266: {  	[tilespmem:s13], [sflag:$0x5] =	stream.indirect_vreg.gather [hbm4b:s5+s3], $0x80, v4, vm0, $0xb8;
	[tilespmem:$0x1EC00] =	vst v63  }
0x267: {  	v3 =	vadd.s32 v1, v3;
	s17 =	simm.s32 $0x19C00  }
0x268: {  	[tilespmem:s17], [sflag:$0x5] =	stream.indirect_vreg.gather [hbm4b:s6+s3], $0x80, v4, vm0, $0xb8;
	[tilespmem:$0x1EC00] =	vst v63  }
0x269: {  	s14 =	simm.s32 $0x1A400  }
0x26a: {  	[tilespmem:s14], [sflag:$0x5] =	stream.indirect_vreg.gather [hbm4b:s7+s3], $0x80, v4, vm0, $0xb8;
	[tilespmem:$0x1EC00] =	vst v63  }
0x26b: {  	s12 =	simm.s32 $0x1AC00  }
0x26c: {  	[tilespmem:s12], [sflag:$0x5] =	stream.indirect_vreg.gather [hbm4b:s2+s3], $0x80, v3, vm0, $0xb8;
	[tilespmem:$0x1EC00] =	vst v63  }
0x26d: {  	s13 =	simm.s32 $0x1B400  }
0x26e: {  	[tilespmem:s13], [sflag:$0x5] =	stream.indirect_vreg.gather [hbm4b:s5+s3], $0x80, v3, vm0, $0xb8;
	[tilespmem:$0x1EC00] =	vst v63  }
0x26f: {  	s14 =	simm.s32 $0x1BC00  }
0x270: {  	[tilespmem:s14], [sflag:$0x5] =	stream.indirect_vreg.gather [hbm4b:s6+s3], $0x80, v3, vm0, $0xb8;
	[tilespmem:$0x1EC00] =	vst v63  }
0x271: {  	s12 =	simm.s32 $0x1C400  }
0x272: {  	[tilespmem:s12], [sflag:$0x5] =	stream.indirect_vreg.gather [hbm4b:s7+s3], $0x80, v3, vm0, $0xb8;
	[tilespmem:$0x1EC00] =	vst v63  }
0x273: {  	v3 =	vld.msk [tilespmem:$0x710], $0xff;
	_ =	sdelay $0x4  }
0x274: {  	v51 =	vshll.u32 v3, $0x3  }
0x275: {  	v3 =	vand.u32 $0x7, v3;
	v4 =	vand.u32 $0xFFFFFFC0, v51  }
0x276: {  	v3 =	vor.u32 v3, v4  }
0x277: {  	v3 =	vperm.xlane v3, v0;
	_ =	sdelay $0x1  }
0x278: {  	v3 =	vadd.s32 v1, v3;
	_ =	sdelay $0x3  }
0x279: {  	s13 =	simm.s32 $0x1CC00  }
0x27a: {  	[tilespmem:s13], [sflag:$0x5] =	stream.indirect_vreg.gather [hbm4b:s2+s3], $0x80, v3, vm0, $0xb8;
	[tilespmem:$0x1EC00] =	vst v63  }
0x27b: {  	s14 =	simm.s32 $0x1D400  }
0x27c: {  	[tilespmem:s14], [sflag:$0x5] =	stream.indirect_vreg.gather [hbm4b:s5+s3], $0x80, v3, vm0, $0xb8;
	[tilespmem:$0x1EC00] =	vst v63  }
0x27d: {  	s12 =	simm.s32 $0x1DC00  }
0x27e: {  	[tilespmem:s12], [sflag:$0x5] =	stream.indirect_vreg.gather [hbm4b:s6+s3], $0x80, v3, vm0, $0xb8;
	[tilespmem:$0x1EC00] =	vst v63  }
0x27f: {  	s13 =	simm.s32 $0x1E400  }
0x280: {  	[tilespmem:s13], [sflag:$0x5] =	stream.indirect_vreg.gather [hbm4b:s7+s3], $0x80, v3, vm0, $0xb8;
	[tilespmem:$0x1EC00] =	vst v63  }
0x281: {  	_ =	swait.ge [sflag:s18], $0x6000  }
0x282: {  	[sflag:s18] =	ssyncset.done $0x0  }
0x283: {  	s10 =	simm.s32 $0x6C00;
	s14 =	rddreg [dreg:$0xf];
	[sflag:s18] =	ssyncadd.s32 $0xFFFFA000  }
0x284: {  	[hbm4b:s14+s3] =	stream.linear.scatter [tilespmem:s10], [sflag:$0x7], $0x6000, $0x38;
	[tilespmem:$0x1EC00] =	vst v63  }
0x285: {  	_ =	swait.ge [sflag:s1], $0x6000  }
0x286: {  	[sflag:s1] =	ssyncset.done $0x0  }
0x287: {  	[sflag:s1] =	ssyncadd.s32 $0xFFFFA000  }
0x288: {  	v3 =	vld [tilespmem:$0x780];
	_ =	sdelay $0x4  }
0x289: {  	v52 =	vshll.u32 v3, $0x3  }
0x28a: {  	v3 =	vand.u32 $0x7, v3;
	v4 =	vand.u32 $0xFFFFFFC0, v52  }
0x28b: {  	v3 =	vor.u32 v3, v4  }
0x28c: {  	v4 =	vperm.xlane v3, v0;
	_ =	sdelay $0x1  }
0x28d: {  	v4 =	vadd.s32 v1, v4;
	_ =	sdelay $0x4  }
0x28e: {  	[tilespmem:s31], [sflag:$0x1] =	stream.indirect_vreg.gather [hbm4b:s2+s3], $0x80, v4, vm0, $0xb8;
	[tilespmem:$0x1EC00] =	vst v63  }
0x28f: {  	s13 =	simm.s32 $0x1400;
	v3 =	vperm.xlane v3, v2  }
0x290: {  	[tilespmem:s13], [sflag:$0x1] =	stream.indirect_vreg.gather [hbm4b:s5+s3], $0x80, v4, vm0, $0xb8;
	[tilespmem:$0x1EC00] =	vst v63  }
0x291: {  	s14 =	simm.s32 $0x1C00;
	v3 =	vadd.s32 v1, v3  }
0x292: {  	[tilespmem:s14], [sflag:$0x1] =	stream.indirect_vreg.gather [hbm4b:s6+s3], $0x80, v4, vm0, $0xb8;
	[tilespmem:$0x1EC00] =	vst v63  }
0x293: {  	s13 =	simm.s32 $0x2400  }
0x294: {  	[tilespmem:s13], [sflag:$0x1] =	stream.indirect_vreg.gather [hbm4b:s7+s3], $0x80, v4, vm0, $0xb8;
	[tilespmem:$0x1EC00] =	vst v63  }
0x295: {  	s14 =	simm.s32 $0x2C00  }
0x296: {  	[tilespmem:s14], [sflag:$0x1] =	stream.indirect_vreg.gather [hbm4b:s2+s3], $0x80, v3, vm0, $0xb8;
	[tilespmem:$0x1EC00] =	vst v63  }
0x297: {  	s13 =	simm.s32 $0x3400  }
0x298: {  	[tilespmem:s13], [sflag:$0x1] =	stream.indirect_vreg.gather [hbm4b:s5+s3], $0x80, v3, vm0, $0xb8;
	[tilespmem:$0x1EC00] =	vst v63  }
0x299: {  	s14 =	simm.s32 $0x3C00  }
0x29a: {  	[tilespmem:s14], [sflag:$0x1] =	stream.indirect_vreg.gather [hbm4b:s6+s3], $0x80, v3, vm0, $0xb8;
	[tilespmem:$0x1EC00] =	vst v63  }
0x29b: {  	s13 =	simm.s32 $0x4400  }
0x29c: {  	[tilespmem:s13], [sflag:$0x1] =	stream.indirect_vreg.gather [hbm4b:s7+s3], $0x80, v3, vm0, $0xb8;
	[tilespmem:$0x1EC00] =	vst v63  }
0x29d: {  	v3 =	vld.msk [tilespmem:$0x790], $0xff;
	_ =	sdelay $0x4  }
0x29e: {  	v53 =	vshll.u32 v3, $0x3  }
0x29f: {  	v3 =	vand.u32 $0x7, v3;
	v4 =	vand.u32 $0xFFFFFFC0, v53  }
0x2a0: {  	v3 =	vor.u32 v3, v4  }
0x2a1: {  	v3 =	vperm.xlane v3, v0;
	_ =	sdelay $0x1  }
0x2a2: {  	v3 =	vadd.s32 v1, v3;
	_ =	sdelay $0x3  }
0x2a3: {  	s14 =	simm.s32 $0x4C00  }
0x2a4: {  	[tilespmem:s14], [sflag:$0x1] =	stream.indirect_vreg.gather [hbm4b:s2+s3], $0x80, v3, vm0, $0xb8;
	[tilespmem:$0x1EC00] =	vst v63  }
0x2a5: {  	s13 =	simm.s32 $0x5400  }
0x2a6: {  	[tilespmem:s13], [sflag:$0x1] =	stream.indirect_vreg.gather [hbm4b:s5+s3], $0x80, v3, vm0, $0xb8;
	[tilespmem:$0x1EC00] =	vst v63  }
0x2a7: {  	s14 =	simm.s32 $0x5C00  }
0x2a8: {  	[tilespmem:s14], [sflag:$0x1] =	stream.indirect_vreg.gather [hbm4b:s6+s3], $0x80, v3, vm0, $0xb8;
	[tilespmem:$0x1EC00] =	vst v63  }
0x2a9: {  	s13 =	simm.s32 $0x6400  }
0x2aa: {  	[tilespmem:s13], [sflag:$0x1] =	stream.indirect_vreg.gather [hbm4b:s7+s3], $0x80, v3, vm0, $0xb8;
	[tilespmem:$0x1EC00] =	vst v63  }
0x2ab: {  	_ =	swait.ge [sflag:s0], $0x6000  }
0x2ac: {  	[sflag:s0] =	ssyncset.done $0x0  }
0x2ad: {  	s13 =	simm.s32 $0xCC00;
	s14 =	rddreg [dreg:$0x10];
	[sflag:s0] =	ssyncadd.s32 $0xFFFFA000  }
0x2ae: {  	[hbm4b:s14+s3] =	stream.linear.scatter [tilespmem:s13], [sflag:$0x8], $0x6000, $0x38;
	[tilespmem:$0x1EC00] =	vst v63  }
0x2af: {  	_ =	swait.ge [sflag:s9], $0x6000  }
0x2b0: {  	[sflag:s9] =	ssyncset.done $0x0  }
0x2b1: {  	[sflag:s9] =	ssyncadd.s32 $0xFFFFA000  }
0x2b2: {  	v3 =	vld [tilespmem:$0x800];
	_ =	sdelay $0x4  }
0x2b3: {  	v54 =	vshll.u32 v3, $0x3  }
0x2b4: {  	v3 =	vand.u32 $0x7, v3;
	v4 =	vand.u32 $0xFFFFFFC0, v54  }
0x2b5: {  	v3 =	vor.u32 v3, v4  }
0x2b6: {  	v4 =	vperm.xlane v3, v0;
	_ =	sdelay $0x1  }
0x2b7: {  	v4 =	vadd.s32 v1, v4;
	_ =	sdelay $0x4  }
0x2b8: {  	[tilespmem:s10], [sflag:$0x2] =	stream.indirect_vreg.gather [hbm4b:s2+s3], $0x80, v4, vm0, $0xb8;
	[tilespmem:$0x1EC00] =	vst v63  }
0x2b9: {  	s14 =	simm.s32 $0x7400;
	v3 =	vperm.xlane v3, v2  }
0x2ba: {  	[tilespmem:s14], [sflag:$0x2] =	stream.indirect_vreg.gather [hbm4b:s5+s3], $0x80, v4, vm0, $0xb8;
	[tilespmem:$0x1EC00] =	vst v63  }
0x2bb: {  	v3 =	vadd.s32 v1, v3;
	s14 =	simm.s32 $0x7C00  }
0x2bc: {  	[tilespmem:s14], [sflag:$0x2] =	stream.indirect_vreg.gather [hbm4b:s6+s3], $0x80, v4, vm0, $0xb8;
	[tilespmem:$0x1EC00] =	vst v63  }
0x2bd: {  	s14 =	simm.s32 $0x8400  }
0x2be: {  	[tilespmem:s14], [sflag:$0x2] =	stream.indirect_vreg.gather [hbm4b:s7+s3], $0x80, v4, vm0, $0xb8;
	[tilespmem:$0x1EC00] =	vst v63  }
0x2bf: {  	s14 =	simm.s32 $0x8C00  }
0x2c0: {  	[tilespmem:s14], [sflag:$0x2] =	stream.indirect_vreg.gather [hbm4b:s2+s3], $0x80, v3, vm0, $0xb8;
	[tilespmem:$0x1EC00] =	vst v63  }
0x2c1: {  	s14 =	simm.s32 $0x9400  }
0x2c2: {  	[tilespmem:s14], [sflag:$0x2] =	stream.indirect_vreg.gather [hbm4b:s5+s3], $0x80, v3, vm0, $0xb8;
	[tilespmem:$0x1EC00] =	vst v63  }
0x2c3: {  	s14 =	simm.s32 $0x9C00  }
0x2c4: {  	[tilespmem:s14], [sflag:$0x2] =	stream.indirect_vreg.gather [hbm4b:s6+s3], $0x80, v3, vm0, $0xb8;
	[tilespmem:$0x1EC00] =	vst v63  }
0x2c5: {  	s14 =	simm.s32 $0xA400  }
0x2c6: {  	[tilespmem:s14], [sflag:$0x2] =	stream.indirect_vreg.gather [hbm4b:s7+s3], $0x80, v3, vm0, $0xb8;
	[tilespmem:$0x1EC00] =	vst v63  }
0x2c7: {  	v3 =	vld.msk [tilespmem:$0x810], $0xff;
	_ =	sdelay $0x4  }
0x2c8: {  	v55 =	vshll.u32 v3, $0x3  }
0x2c9: {  	v3 =	vand.u32 $0x7, v3;
	v4 =	vand.u32 $0xFFFFFFC0, v55  }
0x2ca: {  	v3 =	vor.u32 v3, v4  }
0x2cb: {  	v3 =	vperm.xlane v3, v0;
	_ =	sdelay $0x1  }
0x2cc: {  	v3 =	vadd.s32 v1, v3;
	_ =	sdelay $0x3  }
0x2cd: {  	s14 =	simm.s32 $0xAC00  }
0x2ce: {  	[tilespmem:s14], [sflag:$0x2] =	stream.indirect_vreg.gather [hbm4b:s2+s3], $0x80, v3, vm0, $0xb8;
	[tilespmem:$0x1EC00] =	vst v63  }
0x2cf: {  	s14 =	simm.s32 $0xB400  }
0x2d0: {  	[tilespmem:s14], [sflag:$0x2] =	stream.indirect_vreg.gather [hbm4b:s5+s3], $0x80, v3, vm0, $0xb8;
	[tilespmem:$0x1EC00] =	vst v63  }
0x2d1: {  	s14 =	simm.s32 $0xBC00  }
0x2d2: {  	[tilespmem:s14], [sflag:$0x2] =	stream.indirect_vreg.gather [hbm4b:s6+s3], $0x80, v3, vm0, $0xb8;
	[tilespmem:$0x1EC00] =	vst v63  }
0x2d3: {  	s14 =	simm.s32 $0xC400  }
0x2d4: {  	[tilespmem:s14], [sflag:$0x2] =	stream.indirect_vreg.gather [hbm4b:s7+s3], $0x80, v3, vm0, $0xb8;
	[tilespmem:$0x1EC00] =	vst v63  }
0x2d5: {  	_ =	swait.ge [sflag:s24], $0x6000  }
0x2d6: {  	[sflag:s24] =	ssyncset.done $0x0  }
0x2d7: {  	s14 =	simm.s32 $0x12C00;
	s12 =	rddreg [dreg:$0x11];
	[sflag:s24] =	ssyncadd.s32 $0xFFFFA000  }
0x2d8: {  	[hbm4b:s12+s3] =	stream.linear.scatter [tilespmem:s14], [sflag:$0x9], $0x6000, $0x38;
	[tilespmem:$0x1EC00] =	vst v63  }
0x2d9: {  	_ =	swait.ge [sflag:s28], $0x6000  }
0x2da: {  	[sflag:s28] =	ssyncset.done $0x0  }
0x2db: {  	[sflag:s28] =	ssyncadd.s32 $0xFFFFA000  }
0x2dc: {  	v3 =	vld [tilespmem:$0x880];
	_ =	sdelay $0x4  }
0x2dd: {  	v56 =	vshll.u32 v3, $0x3  }
0x2de: {  	v3 =	vand.u32 $0x7, v3;
	v4 =	vand.u32 $0xFFFFFFC0, v56  }
0x2df: {  	v3 =	vor.u32 v3, v4  }
0x2e0: {  	v4 =	vperm.xlane v3, v0;
	_ =	sdelay $0x1  }
0x2e1: {  	v4 =	vadd.s32 v1, v4;
	_ =	sdelay $0x4  }
0x2e2: {  	[tilespmem:s13], [sflag:$0x3] =	stream.indirect_vreg.gather [hbm4b:s2+s3], $0x80, v4, vm0, $0xb8;
	[tilespmem:$0x1EC00] =	vst v63  }
0x2e3: {  	s12 =	simm.s32 $0xD400;
	v3 =	vperm.xlane v3, v2  }
0x2e4: {  	[tilespmem:s12], [sflag:$0x3] =	stream.indirect_vreg.gather [hbm4b:s5+s3], $0x80, v4, vm0, $0xb8;
	[tilespmem:$0x1EC00] =	vst v63  }
0x2e5: {  	v3 =	vadd.s32 v1, v3;
	s12 =	simm.s32 $0xDC00  }
0x2e6: {  	[tilespmem:s12], [sflag:$0x3] =	stream.indirect_vreg.gather [hbm4b:s6+s3], $0x80, v4, vm0, $0xb8;
	[tilespmem:$0x1EC00] =	vst v63  }
0x2e7: {  	s12 =	simm.s32 $0xE400  }
0x2e8: {  	[tilespmem:s12], [sflag:$0x3] =	stream.indirect_vreg.gather [hbm4b:s7+s3], $0x80, v4, vm0, $0xb8;
	[tilespmem:$0x1EC00] =	vst v63  }
0x2e9: {  	s23 =	simm.s32 $0xEC00  }
0x2ea: {  	[tilespmem:s23], [sflag:$0x3] =	stream.indirect_vreg.gather [hbm4b:s2+s3], $0x80, v3, vm0, $0xb8;
	[tilespmem:$0x1EC00] =	vst v63  }
0x2eb: {  	s23 =	simm.s32 $0xF400  }
0x2ec: {  	[tilespmem:s23], [sflag:$0x3] =	stream.indirect_vreg.gather [hbm4b:s5+s3], $0x80, v3, vm0, $0xb8;
	[tilespmem:$0x1EC00] =	vst v63  }
0x2ed: {  	s23 =	simm.s32 $0xFC00  }
0x2ee: {  	[tilespmem:s23], [sflag:$0x3] =	stream.indirect_vreg.gather [hbm4b:s6+s3], $0x80, v3, vm0, $0xb8;
	[tilespmem:$0x1EC00] =	vst v63  }
0x2ef: {  	s23 =	simm.s32 $0x10400  }
0x2f0: {  	[tilespmem:s23], [sflag:$0x3] =	stream.indirect_vreg.gather [hbm4b:s7+s3], $0x80, v3, vm0, $0xb8;
	[tilespmem:$0x1EC00] =	vst v63  }
0x2f1: {  	v3 =	vld.msk [tilespmem:$0x890], $0xff;
	_ =	sdelay $0x4  }
0x2f2: {  	v57 =	vshll.u32 v3, $0x3  }
0x2f3: {  	v3 =	vand.u32 $0x7, v3;
	v4 =	vand.u32 $0xFFFFFFC0, v57  }
0x2f4: {  	v3 =	vor.u32 v3, v4  }
0x2f5: {  	v3 =	vperm.xlane v3, v0;
	_ =	sdelay $0x1  }
0x2f6: {  	v3 =	vadd.s32 v1, v3;
	_ =	sdelay $0x4  }
0x2f7: {  	[tilespmem:s26], [sflag:$0x3] =	stream.indirect_vreg.gather [hbm4b:s2+s3], $0x80, v3, vm0, $0xb8;
	[tilespmem:$0x1EC00] =	vst v63  }
0x2f8: {  	s26 =	simm.s32 $0x11400  }
0x2f9: {  	[tilespmem:s26], [sflag:$0x3] =	stream.indirect_vreg.gather [hbm4b:s5+s3], $0x80, v3, vm0, $0xb8;
	[tilespmem:$0x1EC00] =	vst v63  }
0x2fa: {  	s23 =	simm.s32 $0x11C00  }
0x2fb: {  	[tilespmem:s23], [sflag:$0x3] =	stream.indirect_vreg.gather [hbm4b:s6+s3], $0x80, v3, vm0, $0xb8;
	[tilespmem:$0x1EC00] =	vst v63  }
0x2fc: {  	s26 =	simm.s32 $0x12400  }
0x2fd: {  	[tilespmem:s26], [sflag:$0x3] =	stream.indirect_vreg.gather [hbm4b:s7+s3], $0x80, v3, vm0, $0xb8;
	[tilespmem:$0x1EC00] =	vst v63  }
0x2fe: {  	_ =	swait.ge [sflag:s29], $0x6000  }
0x2ff: {  	[sflag:s29] =	ssyncset.done $0x0  }
0x300: {  	s4 =	simm.s32 $0x18C00;
	s23 =	rddreg [dreg:$0x12];
	[sflag:s29] =	ssyncadd.s32 $0xFFFFA000  }
0x301: {  	[hbm4b:s23+s3] =	stream.linear.scatter [tilespmem:s4], [sflag:$0xA], $0x6000, $0x38;
	[tilespmem:$0x1EC00] =	vst v63  }
0x302: {  	_ =	swait.ge [sflag:s30], $0x6000  }
0x303: {  	[sflag:s30] =	ssyncset.done $0x0  }
0x304: {  	[sflag:s30] =	ssyncadd.s32 $0xFFFFA000  }
0x305: {  	v3 =	vld [tilespmem:$0x900];
	_ =	sdelay $0x4  }
0x306: {  	v58 =	vshll.u32 v3, $0x3  }
0x307: {  	v3 =	vand.u32 $0x7, v3;
	v4 =	vand.u32 $0xFFFFFFC0, v58  }
0x308: {  	v3 =	vor.u32 v3, v4  }
0x309: {  	v4 =	vperm.xlane v3, v0;
	_ =	sdelay $0x1  }
0x30a: {  	v4 =	vadd.s32 v1, v4;
	_ =	sdelay $0x4  }
0x30b: {  	[tilespmem:s14], [sflag:$0x4] =	stream.indirect_vreg.gather [hbm4b:s2+s3], $0x80, v4, vm0, $0xb8;
	[tilespmem:$0x1EC00] =	vst v63  }
0x30c: {  	s26 =	simm.s32 $0x13400;
	v3 =	vperm.xlane v3, v2  }
0x30d: {  	[tilespmem:s26], [sflag:$0x4] =	stream.indirect_vreg.gather [hbm4b:s5+s3], $0x80, v4, vm0, $0xb8;
	[tilespmem:$0x1EC00] =	vst v63  }
0x30e: {  	v3 =	vadd.s32 v1, v3;
	s14 =	simm.s32 $0x13C00  }
0x30f: {  	[tilespmem:s14], [sflag:$0x4] =	stream.indirect_vreg.gather [hbm4b:s6+s3], $0x80, v4, vm0, $0xb8;
	[tilespmem:$0x1EC00] =	vst v63  }
0x310: {  	s20 =	simm.s32 $0x14400  }
0x311: {  	[tilespmem:s20], [sflag:$0x4] =	stream.indirect_vreg.gather [hbm4b:s7+s3], $0x80, v4, vm0, $0xb8;
	[tilespmem:$0x1EC00] =	vst v63  }
0x312: {  	s15 =	simm.s32 $0x14C00  }
0x313: {  	[tilespmem:s15], [sflag:$0x4] =	stream.indirect_vreg.gather [hbm4b:s2+s3], $0x80, v3, vm0, $0xb8;
	[tilespmem:$0x1EC00] =	vst v63  }
0x314: {  	s16 =	simm.s32 $0x15400  }
0x315: {  	[tilespmem:s16], [sflag:$0x4] =	stream.indirect_vreg.gather [hbm4b:s5+s3], $0x80, v3, vm0, $0xb8;
	[tilespmem:$0x1EC00] =	vst v63  }
0x316: {  	s20 =	simm.s32 $0x15C00  }
0x317: {  	[tilespmem:s20], [sflag:$0x4] =	stream.indirect_vreg.gather [hbm4b:s6+s3], $0x80, v3, vm0, $0xb8;
	[tilespmem:$0x1EC00] =	vst v63  }
0x318: {  	s21 =	simm.s32 $0x16400  }
0x319: {  	[tilespmem:s21], [sflag:$0x4] =	stream.indirect_vreg.gather [hbm4b:s7+s3], $0x80, v3, vm0, $0xb8;
	[tilespmem:$0x1EC00] =	vst v63  }
0x31a: {  	v3 =	vld.msk [tilespmem:$0x910], $0xff;
	_ =	sdelay $0x4  }
0x31b: {  	v59 =	vshll.u32 v3, $0x3  }
0x31c: {  	v3 =	vand.u32 $0x7, v3;
	v4 =	vand.u32 $0xFFFFFFC0, v59  }
0x31d: {  	v3 =	vor.u32 v3, v4  }
0x31e: {  	v3 =	vperm.xlane v3, v0;
	_ =	sdelay $0x1  }
0x31f: {  	v3 =	vadd.s32 v1, v3;
	_ =	sdelay $0x3  }
0x320: {  	s26 =	simm.s32 $0x16C00  }
0x321: {  	[tilespmem:s26], [sflag:$0x4] =	stream.indirect_vreg.gather [hbm4b:s2+s3], $0x80, v3, vm0, $0xb8;
	[tilespmem:$0x1EC00] =	vst v63  }
0x322: {  	s19 =	simm.s32 $0x17400  }
0x323: {  	[tilespmem:s19], [sflag:$0x4] =	stream.indirect_vreg.gather [hbm4b:s5+s3], $0x80, v3, vm0, $0xb8;
	[tilespmem:$0x1EC00] =	vst v63  }
0x324: {  	s22 =	simm.s32 $0x17C00  }
0x325: {  	[tilespmem:s22], [sflag:$0x4] =	stream.indirect_vreg.gather [hbm4b:s6+s3], $0x80, v3, vm0, $0xb8;
	[tilespmem:$0x1EC00] =	vst v63  }
0x326: {  	s14 =	simm.s32 $0x18400  }
0x327: {  	[tilespmem:s14], [sflag:$0x4] =	stream.indirect_vreg.gather [hbm4b:s7+s3], $0x80, v3, vm0, $0xb8;
	[tilespmem:$0x1EC00] =	vst v63  }
0x328: {  	_ =	swait.ge [sflag:s25], $0x6000  }
0x329: {  	[sflag:s25] =	ssyncset.done $0x0  }
0x32a: {  	s15 =	rddreg [dreg:$0x13];
	[sflag:s25] =	ssyncadd.s32 $0xFFFFA000  }
0x32b: {  	[hbm4b:s15+s3] =	stream.linear.scatter [tilespmem:s31], [sflag:$0x6], $0x6000, $0x38;
	[tilespmem:$0x1EC00] =	vst v63  }
0x32c: {  	_ =	swait.ge [sflag:s11], $0x6000  }
0x32d: {  	[sflag:s11] =	ssyncset.done $0x0  }
0x32e: {  	[sflag:s11] =	ssyncadd.s32 $0xFFFFA000  }
0x32f: {  	v3 =	vld [tilespmem:$0x980];
	_ =	sdelay $0x4  }
0x330: {  	v60 =	vshll.u32 v3, $0x3  }
0x331: {  	v3 =	vand.u32 $0x7, v3;
	v4 =	vand.u32 $0xFFFFFFC0, v60  }
0x332: {  	v3 =	vor.u32 v3, v4  }
0x333: {  	v4 =	vperm.xlane v3, v0;
	_ =	sdelay $0x1  }
0x334: {  	v4 =	vadd.s32 v1, v4;
	_ =	sdelay $0x4  }
0x335: {  	[tilespmem:s4], [sflag:$0x5] =	stream.indirect_vreg.gather [hbm4b:s2+s3], $0x80, v4, vm0, $0xb8;
	[tilespmem:$0x1EC00] =	vst v63  }
0x336: {  	s16 =	simm.s32 $0x19400;
	v3 =	vperm.xlane v3, v2  }
0x337: {  	[tilespmem:s16], [sflag:$0x5] =	stream.indirect_vreg.gather [hbm4b:s5+s3], $0x80, v4, vm0, $0xb8;
	[tilespmem:$0x1EC00] =	vst v63  }
0x338: {  	v3 =	vadd.s32 v1, v3  }
0x339: {  	[tilespmem:s17], [sflag:$0x5] =	stream.indirect_vreg.gather [hbm4b:s6+s3], $0x80, v4, vm0, $0xb8;
	[tilespmem:$0x1EC00] =	vst v63  }
0x33a: {  	s19 =	simm.s32 $0x1A400  }
0x33b: {  	[tilespmem:s19], [sflag:$0x5] =	stream.indirect_vreg.gather [hbm4b:s7+s3], $0x80, v4, vm0, $0xb8;
	[tilespmem:$0x1EC00] =	vst v63  }
0x33c: {  	s20 =	simm.s32 $0x1AC00  }
0x33d: {  	[tilespmem:s20], [sflag:$0x5] =	stream.indirect_vreg.gather [hbm4b:s2+s3], $0x80, v3, vm0, $0xb8;
	[tilespmem:$0x1EC00] =	vst v63  }
0x33e: {  	s21 =	simm.s32 $0x1B400  }
0x33f: {  	[tilespmem:s21], [sflag:$0x5] =	stream.indirect_vreg.gather [hbm4b:s5+s3], $0x80, v3, vm0, $0xb8;
	[tilespmem:$0x1EC00] =	vst v63  }
0x340: {  	s22 =	simm.s32 $0x1BC00  }
0x341: {  	[tilespmem:s22], [sflag:$0x5] =	stream.indirect_vreg.gather [hbm4b:s6+s3], $0x80, v3, vm0, $0xb8;
	[tilespmem:$0x1EC00] =	vst v63  }
0x342: {  	s26 =	simm.s32 $0x1C400  }
0x343: {  	[tilespmem:s26], [sflag:$0x5] =	stream.indirect_vreg.gather [hbm4b:s7+s3], $0x80, v3, vm0, $0xb8;
	[tilespmem:$0x1EC00] =	vst v63  }
0x344: {  	v3 =	vld.msk [tilespmem:$0x990], $0xff;
	_ =	sdelay $0x4  }
0x345: {  	v61 =	vshll.u32 v3, $0x3  }
0x346: {  	v3 =	vand.u32 $0x7, v3;
	v4 =	vand.u32 $0xFFFFFFC0, v61  }
0x347: {  	v3 =	vor.u32 v3, v4  }
0x348: {  	v3 =	vperm.xlane v3, v0;
	_ =	sdelay $0x1  }
0x349: {  	v3 =	vadd.s32 v1, v3;
	_ =	sdelay $0x3  }
0x34a: {  	s14 =	simm.s32 $0x1CC00  }
0x34b: {  	[tilespmem:s14], [sflag:$0x5] =	stream.indirect_vreg.gather [hbm4b:s2+s3], $0x80, v3, vm0, $0xb8;
	[tilespmem:$0x1EC00] =	vst v63  }
0x34c: {  	s15 =	simm.s32 $0x1D400  }
0x34d: {  	[tilespmem:s15], [sflag:$0x5] =	stream.indirect_vreg.gather [hbm4b:s5+s3], $0x80, v3, vm0, $0xb8;
	[tilespmem:$0x1EC00] =	vst v63  }
0x34e: {  	s16 =	simm.s32 $0x1DC00  }
0x34f: {  	[tilespmem:s16], [sflag:$0x5] =	stream.indirect_vreg.gather [hbm4b:s6+s3], $0x80, v3, vm0, $0xb8;
	[tilespmem:$0x1EC00] =	vst v63  }
0x350: {  	s17 =	simm.s32 $0x1E400  }
0x351: {  	[tilespmem:s17], [sflag:$0x5] =	stream.indirect_vreg.gather [hbm4b:s7+s3], $0x80, v3, vm0, $0xb8;
	[tilespmem:$0x1EC00] =	vst v63  }
0x352: {  	_ =	swait.ge [sflag:s18], $0x6000  }
0x353: {  	[sflag:s18] =	ssyncset.done $0x0  }
0x354: {  	s10 =	simm.s32 $0x6C00;
	s19 =	rddreg [dreg:$0x14];
	[sflag:s18] =	ssyncadd.s32 $0xFFFFA000  }
0x355: {  	[hbm4b:s19+s3] =	stream.linear.scatter [tilespmem:s10], [sflag:$0x7], $0x6000, $0x38;
	[tilespmem:$0x1EC00] =	vst v63  }
0x356: {  	_ =	swait.ge [sflag:s1], $0x6000  }
0x357: {  	[sflag:s1] =	ssyncset.done $0x0  }
0x358: {  	[sflag:s1] =	ssyncadd.s32 $0xFFFFA000  }
0x359: {  	v3 =	vld [tilespmem:$0xA00];
	_ =	sdelay $0x4  }
0x35a: {  	v62 =	vshll.u32 v3, $0x3  }
0x35b: {  	v3 =	vand.u32 $0x7, v3;
	v4 =	vand.u32 $0xFFFFFFC0, v62  }
0x35c: {  	v3 =	vor.u32 v3, v4  }
0x35d: {  	v4 =	vperm.xlane v3, v0;
	_ =	sdelay $0x1  }
0x35e: {  	v4 =	vadd.s32 v1, v4;
	_ =	sdelay $0x4  }
0x35f: {  	[tilespmem:s31], [sflag:$0x1] =	stream.indirect_vreg.gather [hbm4b:s2+s3], $0x80, v4, vm0, $0xb8;
	[tilespmem:$0x1EC00] =	vst v63  }
0x360: {  	s20 =	simm.s32 $0x1400;
	v3 =	vperm.xlane v3, v2  }
0x361: {  	[tilespmem:s20], [sflag:$0x1] =	stream.indirect_vreg.gather [hbm4b:s5+s3], $0x80, v4, vm0, $0xb8;
	[tilespmem:$0x1EC00] =	vst v63  }
0x362: {  	s21 =	simm.s32 $0x1C00;
	v3 =	vadd.s32 v1, v3  }
0x363: {  	[tilespmem:s21], [sflag:$0x1] =	stream.indirect_vreg.gather [hbm4b:s6+s3], $0x80, v4, vm0, $0xb8;
	[tilespmem:$0x1EC00] =	vst v63  }
0x364: {  	s22 =	simm.s32 $0x2400  }
0x365: {  	[tilespmem:s22], [sflag:$0x1] =	stream.indirect_vreg.gather [hbm4b:s7+s3], $0x80, v4, vm0, $0xb8;
	[tilespmem:$0x1EC00] =	vst v63  }
0x366: {  	s26 =	simm.s32 $0x2C00  }
0x367: {  	[tilespmem:s26], [sflag:$0x1] =	stream.indirect_vreg.gather [hbm4b:s2+s3], $0x80, v3, vm0, $0xb8;
	[tilespmem:$0x1EC00] =	vst v63  }
0x368: {  	s12 =	simm.s32 $0x3400  }
0x369: {  	[tilespmem:s12], [sflag:$0x1] =	stream.indirect_vreg.gather [hbm4b:s5+s3], $0x80, v3, vm0, $0xb8;
	[tilespmem:$0x1EC00] =	vst v63  }
0x36a: {  	s14 =	simm.s32 $0x3C00  }
0x36b: {  	[tilespmem:s14], [sflag:$0x1] =	stream.indirect_vreg.gather [hbm4b:s6+s3], $0x80, v3, vm0, $0xb8;
	[tilespmem:$0x1EC00] =	vst v63  }
0x36c: {  	s15 =	simm.s32 $0x4400  }
0x36d: {  	[tilespmem:s15], [sflag:$0x1] =	stream.indirect_vreg.gather [hbm4b:s7+s3], $0x80, v3, vm0, $0xb8;
	[tilespmem:$0x1EC00] =	vst v63  }
0x36e: {  	v3 =	vld.msk [tilespmem:$0xA10], $0xff;
	_ =	sdelay $0x4  }
0x36f: {  	v63 =	vshll.u32 v3, $0x3  }
0x370: {  	v3 =	vand.u32 $0x7, v3;
	v4 =	vand.u32 $0xFFFFFFC0, v63  }
0x371: {  	v3 =	vor.u32 v3, v4  }
0x372: {  	v3 =	vperm.xlane v3, v0;
	_ =	sdelay $0x1  }
0x373: {  	v3 =	vadd.s32 v1, v3;
	_ =	sdelay $0x3  }
0x374: {  	s16 =	simm.s32 $0x4C00  }
0x375: {  	[tilespmem:s16], [sflag:$0x1] =	stream.indirect_vreg.gather [hbm4b:s2+s3], $0x80, v3, vm0, $0xb8;
	[tilespmem:$0x1EC00] =	vst v63  }
0x376: {  	s17 =	simm.s32 $0x5400  }
0x377: {  	[tilespmem:s17], [sflag:$0x1] =	stream.indirect_vreg.gather [hbm4b:s5+s3], $0x80, v3, vm0, $0xb8;
	[tilespmem:$0x1EC00] =	vst v63  }
0x378: {  	s19 =	simm.s32 $0x5C00  }
0x379: {  	[tilespmem:s19], [sflag:$0x1] =	stream.indirect_vreg.gather [hbm4b:s6+s3], $0x80, v3, vm0, $0xb8;
	[tilespmem:$0x1EC00] =	vst v63  }
0x37a: {  	s20 =	simm.s32 $0x6400  }
0x37b: {  	[tilespmem:s20], [sflag:$0x1] =	stream.indirect_vreg.gather [hbm4b:s7+s3], $0x80, v3, vm0, $0xb8;
	[tilespmem:$0x1EC00] =	vst v63  }
0x37c: {  	_ =	swait.ge [sflag:s0], $0x6000  }
0x37d: {  	[sflag:s0] =	ssyncset.done $0x0  }
0x37e: {  	s13 =	simm.s32 $0xCC00;
	s21 =	rddreg [dreg:$0x15];
	[sflag:s0] =	ssyncadd.s32 $0xFFFFA000  }
0x37f: {  	[hbm4b:s21+s3] =	stream.linear.scatter [tilespmem:s13], [sflag:$0x8], $0x6000, $0x38;
	[tilespmem:$0x1EC00] =	vst v63  }
0x380: {  	_ =	swait.ge [sflag:s24], $0x6000  }
0x381: {  	[sflag:s24] =	ssyncset.done $0x0  }
0x382: {  	s23 =	simm.s32 $0x12C00;
	s22 =	rddreg [dreg:$0x16];
	[sflag:s24] =	ssyncadd.s32 $0xFFFFA000  }
0x383: {  	[hbm4b:s22+s3] =	stream.linear.scatter [tilespmem:s23], [sflag:$0x9], $0x6000, $0x38;
	[tilespmem:$0x1EC00] =	vst v63  }
0x384: {  	_ =	swait.ge [sflag:s29], $0x6000  }
0x385: {  	[sflag:s29] =	ssyncset.done $0x0  }
0x386: {  	s23 =	rddreg [dreg:$0x17];
	[sflag:s29] =	ssyncadd.s32 $0xFFFFA000  }
0x387: {  	[hbm4b:s23+s3] =	stream.linear.scatter [tilespmem:s4], [sflag:$0xA], $0x6000, $0x38;
	[tilespmem:$0x1EC00] =	vst v63  }
0x388: {  	_ =	swait.ge [sflag:s25], $0x6000  }
0x389: {  	[sflag:s25] =	ssyncset.done $0x0  }
0x38a: {  	s26 =	rddreg [dreg:$0x18];
	[sflag:s25] =	ssyncadd.s32 $0xFFFFA000  }
0x38b: {  	[hbm4b:s26+s3] =	stream.linear.scatter [tilespmem:s31], [sflag:$0x6], $0x6000, $0x38;
	[tilespmem:$0x1EC00] =	vst v63  }
0x38c: {  	_ =	swait.ge [sflag:s1], $0x6000  }
0x38d: {  	[sflag:s1] =	ssyncset.done $0x0  }
0x38e: {  	[sflag:s1] =	ssyncadd.s32 $0xFFFFA000  }
0x38f: {  	_ =	swait.ge [sflag:s9], $0x6000  }
0x390: {  	[sflag:s9] =	ssyncset.done $0x0  }
0x391: {  	[sflag:s9] =	ssyncadd.s32 $0xFFFFA000  }
0x392: {  	_ =	swait.ge [sflag:s28], $0x6000  }
0x393: {  	[sflag:s28] =	ssyncset.done $0x0  }
0x394: {  	[sflag:s28] =	ssyncadd.s32 $0xFFFFA000  }
0x395: {  	p0 =	sne.s32 s8, $0x1;
	_ =	swait.ge [sflag:s30], $0x6000  }
.Ltmp0:
0x396: {  	[sflag:s30] =	ssyncset.done $0x0;
	(pc) =	sbr.rel @p0 .LBB2_1-.Ltmp0, $4  }
0x397: {  	[sflag:s30] =	ssyncadd.s32 $0xFFFFA000  }
0x398: {  	_ =	swait.ge [sflag:s11], $0x6000  }
0x399: {  	[sflag:s11] =	ssyncset.done $0x0  }
0x39a: {  	s8 =	sadd.s32 $0xFFFFFFFF, s8;
	[sflag:s11] =	ssyncadd.s32 $0xFFFFA000  }
0x39b: {  	_ =	sfence.sel $0x180000  }
0x39c: {  	[bflag:$0x0] =	sbarrier.arrive $0xFFFF  }
0x39d: {  	_ =	strace $0x90000047  }
0x39e: {  	s0 =	stileid.u32;
	[bflag:$0x2] =	sbarrier.arrive $0xFFFF  }
0x39f: {  	p0 =	sne.s32 s0, $0x0;
	s0 =	rddreg [dreg:$0x3]  }
0x3a0: {  	s0 =	sadd.s32 @!p0 $0x100000, s0  }
0x3a1: {  	[sflag:s0] =	ssyncadd.tile.s32 @!p0 $0x1;
	_ =	shalt  }
.Lfunc_end2:
_tile_overlayer_lowered:
.L_overlay_start_2:
0x3a2: {  	(tag) =	ssettag $0x2  }
0x3a3: {  	s0 =	rddreg [dreg:$0x0];
	s2 =	stileid.u32  }
0x3a4: {  	s1 =	rddreg [dreg:$0x1];
	p0 =	sne.s32 s2, $0x0  }
0x3a5: {  	s3 =	rddreg [dreg:$0x2];
	[bflag:$0x3] =	sbarrier.arrive $0xFFFF;
	s2 =	simm.s32 @!p0 $0x1C0B  }
0x3a6: {  	[timem:s3], [sflag:s2] =	dma.local @!p0 [hbm:s0], s1  }
0x3a7: {  	s0 =	simm.s32 @!p0 $0xB  }
0x3a8: {  	_ =	swait.ge @!p0 [sflag:s0], s1  }
0x3a9: {  	s1 =	ssub.s32 @!p0 $0x0, s1;
	[sflag:s0] =	ssyncset.done @!p0 $0x0  }
0x3aa: {  	[sflag:s0] =	ssyncadd.s32 @!p0 s1  }
0x3ab: {  	[bflag:$0x3] =	sbarrier.arrive $0xFFFF  }
0x3ac: {  	_ =	shalt  }

</sc_bundles>
